<compile_context>
chip_gen: v7x
topology: tpu7x:2x2x1
jax: 0.10.2.dev20260603
libtpu: 0.0.44.dev20260713+nightly
codegen_flags: <defaults>
</compile_context>

<pallas_src>
import jax
import jax.numpy as jnp
from jax import lax
from jax.experimental import pallas as pl
from jax.experimental.pallas import tpu as pltpu
from jax.experimental.pallas import tpu_sc as plsc

_C = 81
_NC = 80
_ALPHA = 0.25
_BBOX_W, _OBJ_W, _CLS_W = 2.0, 1.0, 0.5

_B = 16
_T = 8
_K = _B * _T
_HW4, _W4 = 1024, 32
_HW5, _W5 = 256, 16
_NCORE, _NSUB = 1, 16



def _sc_gather_body(cls4_hbm, cls5_hbm, t4_hbm, t5_hbm, g4_hbm, g5_hbm,
                    t4_v, t5_v, rows4_v, rows5_v, sem):
    wid = lax.axis_index("s") * _NCORE + lax.axis_index("c")

    @pl.when(wid < _B)
    def _work():
        b = wid
        c4 = pltpu.async_copy(t4_hbm.at[pl.ds(1, 2)], t4_v, sem)
        c5 = pltpu.async_copy(t5_hbm.at[pl.ds(1, 2)], t5_v, sem)
        c4.wait()
        c5.wait()

        lane = lax.iota(jnp.int32, 16)
        m = lane == b
        zi = jnp.zeros((16,), jnp.int32)

        descs = []
        for tt in range(_T):
            gx4 = jnp.clip(t4_v[0, tt, :] * 32.0, 0.0, 31.0).astype(jnp.int32)
            gy4 = jnp.clip(t4_v[1, tt, :] * 32.0, 0.0, 31.0).astype(jnp.int32)
            gx5 = jnp.clip(t5_v[0, tt, :] * 16.0, 0.0, 15.0).astype(jnp.int32)
            gy5 = jnp.clip(t5_v[1, tt, :] * 16.0, 0.0, 15.0).astype(jnp.int32)
            r4 = jnp.sum(jnp.where(m, b * _HW4 + gy4 * _W4 + gx4, zi))
            r5 = jnp.sum(jnp.where(m, b * _HW5 + gy5 * _W5 + gx5, zi))
            descs.append(pltpu.async_copy(cls4_hbm.at[pl.ds(r4, 1), :],
                                          rows4_v.at[pl.ds(tt, 1), :], sem))
            descs.append(pltpu.async_copy(cls5_hbm.at[pl.ds(r5, 1), :],
                                          rows5_v.at[pl.ds(tt, 1), :], sem))
        for d in descs:
            d.wait()

        pltpu.sync_copy(rows4_v, g4_hbm.at[pl.ds(b * _T, _T)])
        pltpu.sync_copy(rows5_v, g5_hbm.at[pl.ds(b * _T, _T)])


def _sc_gather(clsx4, clsx5, t4t3, t5t3):
    return pl.kernel(
        _sc_gather_body,
        out_type=[
            jax.ShapeDtypeStruct((_K, _C), jnp.float32),
            jax.ShapeDtypeStruct((_K, _C), jnp.float32),
        ],
        mesh=plsc.VectorSubcoreMesh(core_axis_name="c", subcore_axis_name="s",
                                    num_cores=_NCORE, num_subcores=_NSUB),
        compiler_params=pltpu.CompilerParams(needs_layout_passes=False,
                                             use_tc_tiling_on_sc=True),
        scratch_types=[
            pltpu.VMEM((2, _T, _B), jnp.float32),
            pltpu.VMEM((2, _T, _B), jnp.float32),
            pltpu.VMEM((_T, _C), jnp.float32),
            pltpu.VMEM((_T, _C), jnp.float32),
            pltpu.SemaphoreType.DMA,
        ],
    )(clsx4, clsx5, t4t3, t5t3)



def _softplus(x):
    return jnp.maximum(x, 0.0) + jnp.log1p(jnp.exp(-jnp.abs(x)))


def _ch0(clsx):
    mask = jnp.array([1.0, 0.0], jnp.float32)[None, :]
    return jnp.sum(clsx[:, 0:2] * mask, axis=1)


def _smooth_l1(pred, tgt):
    d = pred - tgt
    ad = jnp.abs(d)
    return jnp.where(ad < 1.0, 0.5 * d * d, ad - 0.5)


def _scale_terms(g, reg, t2, w, hw, total_sp):
    t2t = jnp.swapaxes(t2, 0, 1)
    cls_ids = t2[:, 0:1].astype(jnp.int32)
    gx = jnp.clip(t2[:, 1:2] * w, 0.0, w - 1.0).astype(jnp.int32)
    gy = jnp.clip(t2[:, 2:3] * w, 0.0, w - 1.0).astype(jnp.int32)

    txr = t2t[1:2, :] * w
    tyr = t2t[2:3, :] * w
    twr = t2t[3:4, :] * w
    thr = t2t[4:5, :] * w
    gxr = jnp.clip(txr, 0.0, w - 1.0).astype(jnp.int32)
    gyr = jnp.clip(tyr, 0.0, w - 1.0).astype(jnp.int32)

    regf = reg.reshape(_B * 4 * w, w)
    ohx = (lax.broadcasted_iota(jnp.int32, (w, _K), 0)
           == gxr).astype(jnp.float32)
    xsel = jax.lax.dot_general(regf, ohx, (((1,), (0,)), ((), ())),
                               preferred_element_type=jnp.float32)
    iota_r = lax.broadcasted_iota(jnp.int32, (_B * 4 * w, _K), 0)
    iota_k = lax.broadcasted_iota(jnp.int32, (_B * 4 * w, _K), 1)
    rmask = (((iota_r // (4 * w)) == (iota_k >> 3))
             & ((iota_r % w) == gyr)).astype(jnp.float32)
    p = (xsel * rmask).reshape(_B * 4, w, _K)
    q = jnp.sum(p, axis=1).reshape(_B, 4, _K)
    r = jnp.sum(q, axis=0)

    dx = 1.0 / (1.0 + jnp.exp(-r[0:1, :]))
    dy = 1.0 / (1.0 + jnp.exp(-r[1:2, :]))
    dw = jnp.exp(jnp.clip(r[2:3, :], -4.0, 4.0))
    dh = jnp.exp(jnp.clip(r[3:4, :], -4.0, 4.0))
    px = gxr.astype(jnp.float32) + dx
    py = gyr.astype(jnp.float32) + dy
    sl = (_smooth_l1(px - dw * 0.5, txr - twr * 0.5)
          + _smooth_l1(py - dh * 0.5, tyr - thr * 0.5)
          + _smooth_l1(px + dw * 0.5, txr + twr * 0.5)
          + _smooth_l1(py + dh * 0.5, tyr + thr * 0.5)) * 0.25
    lb = jnp.sum(sl)

    obj = g[:, 0:1]
    lo_pos = jnp.sum(_softplus(-obj))

    iota_i = lax.broadcasted_iota(jnp.int32, (_K, _K), 0)
    iota_j = lax.broadcasted_iota(jnp.int32, (_K, _K), 1)
    key = (iota_i >> 3) * hw + gy * w + gx
    keyr = (iota_j >> 3) * hw + gyr * w + gxr
    dup = jnp.max(((key == keyr) & (iota_j < iota_i))
                  .astype(jnp.float32), axis=1, keepdims=True)
    uniq = 1.0 - dup
    bg_sum = total_sp - jnp.sum(uniq * _softplus(obj))
    bg_cnt = float(_B * hw) - jnp.sum(uniq)
    lo = lo_pos + 0.05 * bg_sum / bg_cnt

    logits = g[:, 1:_C]
    iota_c = lax.broadcasted_iota(jnp.int32, (_K, _NC), 1)
    oh = (iota_c == cls_ids).astype(jnp.float32)
    bce = _softplus(logits) - logits * oh
    pr = 1.0 / (1.0 + jnp.exp(-logits))
    pt = pr * oh + (1.0 - pr) * (1.0 - oh)
    one_m_pt = 1.0 - pt
    lc = jnp.sum(_ALPHA * one_m_pt * one_m_pt * bce) * (1.0 / _NC)
    return lb, lo, lc


def _tc_body(ch04_ref, ch05_ref, g4_ref, g5_ref, reg4_ref, reg5_ref,
             t4_ref, t5_ref, out_ref):
    sp4 = jnp.sum(_softplus(ch04_ref[...]))
    sp5 = jnp.sum(_softplus(ch05_ref[...]))
    lb4, lo4, lc4 = _scale_terms(g4_ref[...], reg4_ref[...], t4_ref[...],
                                 _W4, _HW4, sp4)
    lb5, lo5, lc5 = _scale_terms(g5_ref[...], reg5_ref[...], t5_ref[...],
                                 _W5, _HW5, sp5)
    n = float(2 * _K)
    total = (_BBOX_W * (lb4 + lb5) / n
             + _OBJ_W * (lo4 + lo5) / n
             + _CLS_W * (lc4 + lc5) / n)
    out_ref[0, 0] = total


def _tc_loss(ch04, ch05, g4, g5, reg_p4, reg_p5, t42, t52):
    out = pl.pallas_call(
        _tc_body,
        grid=(1,),
        in_specs=[
            pl.BlockSpec((_B * _HW4,), lambda i: (0,)),
            pl.BlockSpec((_B * _HW5,), lambda i: (0,)),
            pl.BlockSpec((_K, _C), lambda i: (0, 0)),
            pl.BlockSpec((_K, _C), lambda i: (0, 0)),
            pl.BlockSpec((_B, 4, 32, _W4), lambda i: (0, 0, 0, 0)),
            pl.BlockSpec((_B, 4, 16, _W5), lambda i: (0, 0, 0, 0)),
            pl.BlockSpec((_K, 5), lambda i: (0, 0)),
            pl.BlockSpec((_K, 5), lambda i: (0, 0)),
        ],
        out_specs=pl.BlockSpec(memory_space=pltpu.SMEM),
        out_shape=jax.ShapeDtypeStruct((1, 1), jnp.float32),
    )(ch04, ch05, g4, g5, reg_p4, reg_p5, t42, t52)
    return out.reshape(())


def kernel(cls_p4, reg_p4, cls_p5, reg_p5, t4, t5):
    clsx4 = cls_p4.transpose(0, 2, 3, 1).reshape(_B * _HW4, _C)
    clsx5 = cls_p5.transpose(0, 2, 3, 1).reshape(_B * _HW5, _C)

    g4, g5 = _sc_gather(clsx4, clsx5,
                        t4.transpose(2, 1, 0), t5.transpose(2, 1, 0))

    t42 = t4.reshape(_K, 5)
    t52 = t5.reshape(_K, 5)
    return _tc_loss(
        _ch0(clsx4), _ch0(clsx5),
        g4, g5, reg_p4, reg_p5, t42, t52)

# --- scband reference (transcript-rebuilt; emitter-appended) ---
"""Pipeline reference for scband-mcudetection-loss-58540404244617 (READ-ONLY COPY).

The authoritative reference and input builder live on the scoring server;
editing this copy changes nothing except your own understanding.
"""

import jax, jax.numpy as jnp
import numpy as np

NUM_CLASSES = 80
ALPHA = 0.25
GAMMA = 2.0
BBOX_W, OBJ_W, CLS_W = 2.0, 1.0, 0.5


def setup_inputs(seed: int = 0):
    key = jax.random.key(seed)
    ks = jax.random.split(key, 6)
    return {
        "cls_p4": jax.random.normal(ks[0], (16, 81, 32, 32), jnp.float32),
        "reg_p4": jax.random.normal(ks[1], (16, 4, 32, 32), jnp.float32),
        "cls_p5": jax.random.normal(ks[2], (16, 81, 16, 16), jnp.float32),
        "reg_p5": jax.random.normal(ks[3], (16, 4, 16, 16), jnp.float32),
        "t4": jax.random.uniform(ks[4], (16, 8, 5), jnp.float32),
        "t5": jax.random.uniform(ks[5], (16, 8, 5), jnp.float32),
    }


def _smooth_l1(pred, tgt):
    d = pred - tgt
    ad = jnp.abs(d)
    return jnp.where(ad < 1.0, 0.5 * d * d, ad - 0.5)


def _scale_loss(cls_p, reg_p, t):
    B, C, H, W = cls_p.shape
    T = t.shape[1]
    bb = jnp.broadcast_to(jnp.arange(B)[:, None], (B, T))
    tx = t[:, :, 1] * W
    ty = t[:, :, 2] * H
    tw = t[:, :, 3] * W
    th = t[:, :, 4] * H
    cls_ids = t[:, :, 0].astype(jnp.int32)
    gx = jnp.clip(tx, 0, W - 1).astype(jnp.int32)
    gy = jnp.clip(ty, 0, H - 1).astype(jnp.int32)
    r = reg_p[bb, :, gy, gx]  # [B, T, 4]
    dx = jax.nn.sigmoid(r[..., 0])
    dy = jax.nn.sigmoid(r[..., 1])
    dw = jnp.exp(jnp.clip(r[..., 2], -4.0, 4.0))
    dh = jnp.exp(jnp.clip(r[..., 3], -4.0, 4.0))
    px = gx.astype(jnp.float32) + dx
    py = gy.astype(jnp.float32) + dy
    pred_box = jnp.stack([px - dw / 2, py - dh / 2, px + dw / 2, py + dh / 2], axis=-1)
    tgt_box = jnp.stack([tx - tw / 2, ty - th / 2, tx + tw / 2, ty + th / 2], axis=-1)
    lb = jnp.sum(jnp.mean(_smooth_l1(pred_box, tgt_box), axis=-1))
    cls_at = cls_p[bb, :, gy, gx]  # [B, T, C]
    obj_logit = cls_at[..., 0]
    # BCEWithLogits(x, 1) mean over 1 element = softplus(-x)
    lo = jnp.sum(jax.nn.softplus(-obj_logit))
    logits = cls_at[..., 1:]  # [B, T, num_classes]
    onehot = jax.nn.one_hot(cls_ids, C - 1, dtype=logits.dtype)
    bce = jax.nn.softplus(logits) - logits * onehot
    p = jax.nn.sigmoid(logits)
    pt = p * onehot + (1.0 - p) * (1.0 - onehot)
    focal = ALPHA * (1.0 - pt) ** GAMMA * bce
    lc = jnp.sum(jnp.mean(focal, axis=-1))
    obj_map = jnp.zeros((B, 1, H, W), cls_p.dtype).at[bb, 0, gy, gx].set(1.0)
    bg = (obj_map == 0).astype(cls_p.dtype)
    bg_cnt = jnp.sum(bg)
    # BCEWithLogits(x, 0) mean over background cells = mean(softplus(x))
    lo = lo + 0.05 * jnp.sum(jax.nn.softplus(cls_p[:, :1]) * bg) / bg_cnt
    n = B * T
    return lb, lo, lc, n


def reference(cls_p4, reg_p4, cls_p5, reg_p5, t4, t5):
    lb4, lo4, lc4, n4 = _scale_loss(cls_p4, reg_p4, t4)
    lb5, lo5, lc5, n5 = _scale_loss(cls_p5, reg_p5, t5)
    n = n4 + n5  # static: every image has T targets per scale
    lb = (lb4 + lb5) / n
    lc = (lc4 + lc5) / n
    lo = (lo4 + lo5) / max(n, 1)
    total = BBOX_W * lb + OBJ_W * lo + CLS_W * lc
    return total

if __name__ == "__main__":
    import jax
    _d = setup_inputs()
    print(jax.jit(kernel)(*tuple(_d.values())))

</pallas_src>

<mosaic_0001>
#map = affine_map<(d0, d1) -> (0, 0)>
#map1 = affine_map<(d0, d1) -> (0, 0, 0)>
module attributes {stable_mosaic.version = 14 : i64} {
  func.func @_sc_gather_body(%arg0: i32, %arg1: i32, %arg2: memref<16384x81xf32, #tpu.memory_space<hbm>>, %arg3: memref<4096x81xf32, #tpu.memory_space<hbm>>, %arg4: memref<5x8x16xf32, #tpu.memory_space<hbm>>, %arg5: memref<5x8x16xf32, #tpu.memory_space<hbm>>, %arg6: memref<128x81xf32, #tpu.memory_space<hbm>>, %arg7: memref<128x81xf32, #tpu.memory_space<hbm>>, %arg8: memref<2x8x16xf32, #tpu.memory_space<vmem>>, %arg9: memref<2x8x16xf32, #tpu.memory_space<vmem>>, %arg10: memref<8x81xf32, #tpu.memory_space<vmem>>, %arg11: memref<8x81xf32, #tpu.memory_space<vmem>>, %arg12: memref<!tpu.dma_semaphore, #tpu.memory_space<semaphore_mem>>) attributes {dimension_semantics = [#tpu.dimension_semantics<core_parallel>, #tpu.dimension_semantics<subcore_parallel>], iteration_bounds = array<i64: 1, 16>, scalar_prefetch = 0 : i64, scratch_operands = 5 : i64, tpu.core_type = #tpu.core_type<sc_vector_subcore>, window_params = [{transform_indices = #map}, {transform_indices = #map}, {transform_indices = #map1}, {transform_indices = #map1}, {transform_indices = #map}, {transform_indices = #map}]} {
    %mul3A = arith.constant 1 : i32
    %mul3A_0 = arith.muli %arg1, %mul3A : i32
    %add3A = arith.addi %mul3A_0, %arg0 : i32
    %lt3A = arith.constant 16 : i32
    %lt3A_1 = arith.cmpi slt, %add3A, %lt3A : i32
    %convert_element_type3A = arith.extui %lt3A_1 : i1 to i32
    %cond3A = arith.constant 0 : i32
    %cond3A_2 = arith.cmpi ne, %convert_element_type3A, %cond3A : i32
    scf.if %cond3A_2 {
      %dma_start3A = arith.constant 1 : i32
      %dma_start3A_3 = arith.constant 0 : i32
      %dma_start3A_4 = arith.constant 0 : i32
      %dma_start3A_5 = tpu.memref_slice %arg4[%dma_start3A, %dma_start3A_3, %dma_start3A_4] : memref<5x8x16xf32, #tpu.memory_space<hbm>> -> memref<2x8x16xf32, #tpu.memory_space<hbm>>
      %dma_start3A_6 = arith.constant 1 : i32
      %dma_start3A_7 = arith.constant 0 : i32
      %dma_start3A_8 = arith.constant 0 : i32
      %dma_start3A_9 = tpu.memref_slice %arg4[%dma_start3A_6, %dma_start3A_7, %dma_start3A_8] : memref<5x8x16xf32, #tpu.memory_space<hbm>> -> memref<2x8x16xf32, #tpu.memory_space<hbm>>
      tpu.enqueue_dma source(%dma_start3A_9 : memref<2x8x16xf32, #tpu.memory_space<hbm>>) target(%arg8 : memref<2x8x16xf32, #tpu.memory_space<vmem>>) target_semaphore(%arg12 : memref<!tpu.dma_semaphore, #tpu.memory_space<semaphore_mem>>)
      %dma_start3A_10 = arith.constant 1 : i32
      %dma_start3A_11 = arith.constant 0 : i32
      %dma_start3A_12 = arith.constant 0 : i32
      %dma_start3A_13 = tpu.memref_slice %arg5[%dma_start3A_10, %dma_start3A_11, %dma_start3A_12] : memref<5x8x16xf32, #tpu.memory_space<hbm>> -> memref<2x8x16xf32, #tpu.memory_space<hbm>>
      %dma_start3A_14 = arith.constant 1 : i32
      %dma_start3A_15 = arith.constant 0 : i32
      %dma_start3A_16 = arith.constant 0 : i32
      %dma_start3A_17 = tpu.memref_slice %arg5[%dma_start3A_14, %dma_start3A_15, %dma_start3A_16] : memref<5x8x16xf32, #tpu.memory_space<hbm>> -> memref<2x8x16xf32, #tpu.memory_space<hbm>>
      tpu.enqueue_dma source(%dma_start3A_17 : memref<2x8x16xf32, #tpu.memory_space<hbm>>) target(%arg9 : memref<2x8x16xf32, #tpu.memory_space<vmem>>) target_semaphore(%arg12 : memref<!tpu.dma_semaphore, #tpu.memory_space<semaphore_mem>>)
      %dma_wait3A = arith.constant 1 : i32
      %dma_wait3A_18 = arith.constant 0 : i32
      %dma_wait3A_19 = arith.constant 0 : i32
      %dma_wait3A_20 = tpu.memref_slice %arg4[%dma_wait3A, %dma_wait3A_18, %dma_wait3A_19] : memref<5x8x16xf32, #tpu.memory_space<hbm>> -> memref<2x8x16xf32, #tpu.memory_space<hbm>>
      %dma_wait3A_21 = arith.constant 1 : i32
      %dma_wait3A_22 = arith.constant 0 : i32
      %dma_wait3A_23 = arith.constant 0 : i32
      %dma_wait3A_24 = tpu.memref_slice %arg4[%dma_wait3A_21, %dma_wait3A_22, %dma_wait3A_23] : memref<5x8x16xf32, #tpu.memory_space<hbm>> -> memref<2x8x16xf32, #tpu.memory_space<hbm>>
      tpu.wait_dma2 semaphore(%arg12 : memref<!tpu.dma_semaphore, #tpu.memory_space<semaphore_mem>>) src(%dma_wait3A_24 : memref<2x8x16xf32, #tpu.memory_space<hbm>>) dst(%arg8 : memref<2x8x16xf32, #tpu.memory_space<vmem>>)
      %dma_wait3A_25 = arith.constant 1 : i32
      %dma_wait3A_26 = arith.constant 0 : i32
      %dma_wait3A_27 = arith.constant 0 : i32
      %dma_wait3A_28 = tpu.memref_slice %arg5[%dma_wait3A_25, %dma_wait3A_26, %dma_wait3A_27] : memref<5x8x16xf32, #tpu.memory_space<hbm>> -> memref<2x8x16xf32, #tpu.memory_space<hbm>>
      %dma_wait3A_29 = arith.constant 1 : i32
      %dma_wait3A_30 = arith.constant 0 : i32
      %dma_wait3A_31 = arith.constant 0 : i32
      %dma_wait3A_32 = tpu.memref_slice %arg5[%dma_wait3A_29, %dma_wait3A_30, %dma_wait3A_31] : memref<5x8x16xf32, #tpu.memory_space<hbm>> -> memref<2x8x16xf32, #tpu.memory_space<hbm>>
      tpu.wait_dma2 semaphore(%arg12 : memref<!tpu.dma_semaphore, #tpu.memory_space<semaphore_mem>>) src(%dma_wait3A_32 : memref<2x8x16xf32, #tpu.memory_space<hbm>>) dst(%arg9 : memref<2x8x16xf32, #tpu.memory_space<vmem>>)
      %iota3A = tpu.iota {dimensions = array<i32: 0>} : vector<16xi32>
      %eq3A = vector.broadcast %add3A : i32 to vector<16xi32>
      %eq3A_33 = arith.cmpi eq, %iota3A, %eq3A : vector<16xi32>
      %broadcast_in_dim3A = arith.constant 0 : i32
      %broadcast_in_dim3A_34 = vector.broadcast %broadcast_in_dim3A : i32 to vector<16xi32>
      %get3A = arith.constant 0 : i32
      %get3A_35 = arith.constant 0 : i32
      %get3A_36 = arith.index_cast %get3A : i32 to index
      %get3A_37 = arith.index_cast %get3A_35 : i32 to index
      %get3A_38 = arith.constant 0 : index
      %get3A_39 = tpu.vector_load %arg8[%get3A_36, %get3A_37, %get3A_38] {strides = array<i32>} : memref<2x8x16xf32, #tpu.memory_space<vmem>>, vector<16xf32>,
      %mul3A_40 = arith.constant 3.200000e+01 : f32
      %mul3A_41 = vector.broadcast %mul3A_40 : f32 to vector<16xf32>
      %mul3A_42 = arith.mulf %get3A_39, %mul3A_41 : vector<16xf32>
      %jit3A = arith.constant 0.000000e+00 : f32
      %jit3A_43 = arith.constant 3.100000e+01 : f32
      %max3A = vector.broadcast %jit3A : f32 to vector<16xf32>
      %max3A_44 = arith.maximumf %max3A, %mul3A_42 : vector<16xf32>
      %min3A = vector.broadcast %jit3A_43 : f32 to vector<16xf32>
      %min3A_45 = arith.minimumf %min3A, %max3A_44 : vector<16xf32>
      %convert_element_type3A_46 = arith.fptosi %min3A_45 : vector<16xf32> to vector<16xi32>
      %get3A_47 = arith.constant 1 : i32
      %get3A_48 = arith.constant 0 : i32
      %get3A_49 = arith.index_cast %get3A_47 : i32 to index
      %get3A_50 = arith.index_cast %get3A_48 : i32 to index
      %get3A_51 = arith.constant 0 : index
      %get3A_52 = tpu.vector_load %arg8[%get3A_49, %get3A_50, %get3A_51] {strides = array<i32>} : memref<2x8x16xf32, #tpu.memory_space<vmem>>, vector<16xf32>,
      %mul3A_53 = arith.constant 3.200000e+01 : f32
      %mul3A_54 = vector.broadcast %mul3A_53 : f32 to vector<16xf32>
      %mul3A_55 = arith.mulf %get3A_52, %mul3A_54 : vector<16xf32>
      %jit3A_56 = arith.constant 0.000000e+00 : f32
      %jit3A_57 = arith.constant 3.100000e+01 : f32
      %max3A_58 = vector.broadcast %jit3A_56 : f32 to vector<16xf32>
      %max3A_59 = arith.maximumf %max3A_58, %mul3A_55 : vector<16xf32>
      %min3A_60 = vector.broadcast %jit3A_57 : f32 to vector<16xf32>
      %min3A_61 = arith.minimumf %min3A_60, %max3A_59 : vector<16xf32>
      %convert_element_type3A_62 = arith.fptosi %min3A_61 : vector<16xf32> to vector<16xi32>
      %get3A_63 = arith.constant 0 : i32
      %get3A_64 = arith.constant 0 : i32
      %get3A_65 = arith.index_cast %get3A_63 : i32 to index
      %get3A_66 = arith.index_cast %get3A_64 : i32 to index
      %get3A_67 = arith.constant 0 : index
      %get3A_68 = tpu.vector_load %arg9[%get3A_65, %get3A_66, %get3A_67] {strides = array<i32>} : memref<2x8x16xf32, #tpu.memory_space<vmem>>, vector<16xf32>,
      %mul3A_69 = arith.constant 1.600000e+01 : f32
      %mul3A_70 = vector.broadcast %mul3A_69 : f32 to vector<16xf32>
      %mul3A_71 = arith.mulf %get3A_68, %mul3A_70 : vector<16xf32>
      %jit3A_72 = arith.constant 0.000000e+00 : f32
      %jit3A_73 = arith.constant 1.500000e+01 : f32
      %max3A_74 = vector.broadcast %jit3A_72 : f32 to vector<16xf32>
      %max3A_75 = arith.maximumf %max3A_74, %mul3A_71 : vector<16xf32>
      %min3A_76 = vector.broadcast %jit3A_73 : f32 to vector<16xf32>
      %min3A_77 = arith.minimumf %min3A_76, %max3A_75 : vector<16xf32>
      %convert_element_type3A_78 = arith.fptosi %min3A_77 : vector<16xf32> to vector<16xi32>
      %get3A_79 = arith.constant 1 : i32
      %get3A_80 = arith.constant 0 : i32
      %get3A_81 = arith.index_cast %get3A_79 : i32 to index
      %get3A_82 = arith.index_cast %get3A_80 : i32 to index
      %get3A_83 = arith.constant 0 : index
      %get3A_84 = tpu.vector_load %arg9[%get3A_81, %get3A_82, %get3A_83] {strides = array<i32>} : memref<2x8x16xf32, #tpu.memory_space<vmem>>, vector<16xf32>,
      %mul3A_85 = arith.constant 1.600000e+01 : f32
      %mul3A_86 = vector.broadcast %mul3A_85 : f32 to vector<16xf32>
      %mul3A_87 = arith.mulf %get3A_84, %mul3A_86 : vector<16xf32>
      %jit3A_88 = arith.constant 0.000000e+00 : f32
      %jit3A_89 = arith.constant 1.500000e+01 : f32
      %max3A_90 = vector.broadcast %jit3A_88 : f32 to vector<16xf32>
      %max3A_91 = arith.maximumf %max3A_90, %mul3A_87 : vector<16xf32>
      %min3A_92 = vector.broadcast %jit3A_89 : f32 to vector<16xf32>
      %min3A_93 = arith.minimumf %min3A_92, %max3A_91 : vector<16xf32>
      %convert_element_type3A_94 = arith.fptosi %min3A_93 : vector<16xf32> to vector<16xi32>
      %mul3A_95 = arith.constant 1024 : i32
      %mul3A_96 = arith.muli %add3A, %mul3A_95 : i32
      %mul3A_97 = arith.constant 32 : i32
      %mul3A_98 = vector.broadcast %mul3A_97 : i32 to vector<16xi32>
      %mul3A_99 = arith.muli %convert_element_type3A_62, %mul3A_98 : vector<16xi32>
      %add3A_100 = vector.broadcast %mul3A_96 : i32 to vector<16xi32>
      %add3A_101 = arith.addi %add3A_100, %mul3A_99 : vector<16xi32>
      %add3A_102 = arith.addi %add3A_101, %convert_element_type3A_46 : vector<16xi32>
      %select_n3A = arith.select %eq3A_33, %add3A_102, %broadcast_in_dim3A_34 : vector<16xi1>, vector<16xi32>
      %reduce_sum3A = arith.constant true
      %reduce_sum3A_103 = vector.broadcast %reduce_sum3A : i1 to vector<16xi1>
      %reduce_sum3A_104 = tpu.scan <sum>, %select_n3A masked %reduce_sum3A_103 : vector<16xi32>, vector<16xi1> -> vector<16xi32>
      %reduce_sum3A_105 = vector.extract %reduce_sum3A_104[15] : i32 from vector<16xi32>
      %mul3A_106 = arith.constant 256 : i32
      %mul3A_107 = arith.muli %add3A, %mul3A_106 : i32
      %mul3A_108 = arith.constant 16 : i32
      %mul3A_109 = vector.broadcast %mul3A_108 : i32 to vector<16xi32>
      %mul3A_110 = arith.muli %convert_element_type3A_94, %mul3A_109 : vector<16xi32>
      %add3A_111 = vector.broadcast %mul3A_107 : i32 to vector<16xi32>
      %add3A_112 = arith.addi %add3A_111, %mul3A_110 : vector<16xi32>
      %add3A_113 = arith.addi %add3A_112, %convert_element_type3A_78 : vector<16xi32>
      %select_n3A_114 = arith.select %eq3A_33, %add3A_113, %broadcast_in_dim3A_34 : vector<16xi1>, vector<16xi32>
      %reduce_sum3A_115 = arith.constant true
      %reduce_sum3A_116 = vector.broadcast %reduce_sum3A_115 : i1 to vector<16xi1>
      %reduce_sum3A_117 = tpu.scan <sum>, %select_n3A_114 masked %reduce_sum3A_116 : vector<16xi32>, vector<16xi1> -> vector<16xi32>
      %reduce_sum3A_118 = vector.extract %reduce_sum3A_117[15] : i32 from vector<16xi32>
      %dma_start3A_119 = arith.constant 0 : i32
      %dma_start3A_120 = arith.constant 0 : i32
      %dma_start3A_121 = tpu.memref_slice %arg10[%dma_start3A_119, %dma_start3A_120] : memref<8x81xf32, #tpu.memory_space<vmem>> -> memref<1x81xf32, #tpu.memory_space<vmem>>
      %dma_start3A_122 = arith.constant 0 : i32
      %dma_start3A_123 = tpu.memref_slice %arg2[%reduce_sum3A_105, %dma_start3A_122] : memref<16384x81xf32, #tpu.memory_space<hbm>> -> memref<1x81xf32, #tpu.memory_space<hbm>>
      %dma_start3A_124 = arith.constant 0 : i32
      %dma_start3A_125 = arith.constant 0 : i32
      %dma_start3A_126 = tpu.memref_slice %arg10[%dma_start3A_124, %dma_start3A_125] : memref<8x81xf32, #tpu.memory_space<vmem>> -> memref<1x81xf32, #tpu.memory_space<vmem>>
      %dma_start3A_127 = arith.constant 0 : i32
      %dma_start3A_128 = tpu.memref_slice %arg2[%reduce_sum3A_105, %dma_start3A_127] : memref<16384x81xf32, #tpu.memory_space<hbm>> -> memref<1x81xf32, #tpu.memory_space<hbm>>
      tpu.enqueue_dma source(%dma_start3A_128 : memref<1x81xf32, #tpu.memory_space<hbm>>) target(%dma_start3A_126 : memref<1x81xf32, #tpu.memory_space<vmem>>) target_semaphore(%arg12 : memref<!tpu.dma_semaphore, #tpu.memory_space<semaphore_mem>>)
      %dma_start3A_129 = arith.constant 0 : i32
      %dma_start3A_130 = arith.constant 0 : i32
      %dma_start3A_131 = tpu.memref_slice %arg11[%dma_start3A_129, %dma_start3A_130] : memref<8x81xf32, #tpu.memory_space<vmem>> -> memref<1x81xf32, #tpu.memory_space<vmem>>
      %dma_start3A_132 = arith.constant 0 : i32
      %dma_start3A_133 = tpu.memref_slice %arg3[%reduce_sum3A_118, %dma_start3A_132] : memref<4096x81xf32, #tpu.memory_space<hbm>> -> memref<1x81xf32, #tpu.memory_space<hbm>>
      %dma_start3A_134 = arith.constant 0 : i32
      %dma_start3A_135 = arith.constant 0 : i32
      %dma_start3A_136 = tpu.memref_slice %arg11[%dma_start3A_134, %dma_start3A_135] : memref<8x81xf32, #tpu.memory_space<vmem>> -> memref<1x81xf32, #tpu.memory_space<vmem>>
      %dma_start3A_137 = arith.constant 0 : i32
      %dma_start3A_138 = tpu.memref_slice %arg3[%reduce_sum3A_118, %dma_start3A_137] : memref<4096x81xf32, #tpu.memory_space<hbm>> -> memref<1x81xf32, #tpu.memory_space<hbm>>
      tpu.enqueue_dma source(%dma_start3A_138 : memref<1x81xf32, #tpu.memory_space<hbm>>) target(%dma_start3A_136 : memref<1x81xf32, #tpu.memory_space<vmem>>) target_semaphore(%arg12 : memref<!tpu.dma_semaphore, #tpu.memory_space<semaphore_mem>>)
      %get3A_139 = arith.constant 0 : i32
      %get3A_140 = arith.constant 1 : i32
      %get3A_141 = arith.index_cast %get3A_139 : i32 to index
      %get3A_142 = arith.index_cast %get3A_140 : i32 to index
      %get3A_143 = arith.constant 0 : index
      %get3A_144 = tpu.vector_load %arg8[%get3A_141, %get3A_142, %get3A_143] {strides = array<i32>} : memref<2x8x16xf32, #tpu.memory_space<vmem>>, vector<16xf32>,
      %mul3A_145 = arith.constant 3.200000e+01 : f32
      %mul3A_146 = vector.broadcast %mul3A_145 : f32 to vector<16xf32>
      %mul3A_147 = arith.mulf %get3A_144, %mul3A_146 : vector<16xf32>
      %jit3A_148 = arith.constant 0.000000e+00 : f32
      %jit3A_149 = arith.constant 3.100000e+01 : f32
      %max3A_150 = vector.broadcast %jit3A_148 : f32 to vector<16xf32>
      %max3A_151 = arith.maximumf %max3A_150, %mul3A_147 : vector<16xf32>
      %min3A_152 = vector.broadcast %jit3A_149 : f32 to vector<16xf32>
      %min3A_153 = arith.minimumf %min3A_152, %max3A_151 : vector<16xf32>
      %convert_element_type3A_154 = arith.fptosi %min3A_153 : vector<16xf32> to vector<16xi32>
      %get3A_155 = arith.constant 1 : i32
      %get3A_156 = arith.constant 1 : i32
      %get3A_157 = arith.index_cast %get3A_155 : i32 to index
      %get3A_158 = arith.index_cast %get3A_156 : i32 to index
      %get3A_159 = arith.constant 0 : index
      %get3A_160 = tpu.vector_load %arg8[%get3A_157, %get3A_158, %get3A_159] {strides = array<i32>} : memref<2x8x16xf32, #tpu.memory_space<vmem>>, vector<16xf32>,
      %mul3A_161 = arith.constant 3.200000e+01 : f32
      %mul3A_162 = vector.broadcast %mul3A_161 : f32 to vector<16xf32>
      %mul3A_163 = arith.mulf %get3A_160, %mul3A_162 : vector<16xf32>
      %jit3A_164 = arith.constant 0.000000e+00 : f32
      %jit3A_165 = arith.constant 3.100000e+01 : f32
      %max3A_166 = vector.broadcast %jit3A_164 : f32 to vector<16xf32>
      %max3A_167 = arith.maximumf %max3A_166, %mul3A_163 : vector<16xf32>
      %min3A_168 = vector.broadcast %jit3A_165 : f32 to vector<16xf32>
      %min3A_169 = arith.minimumf %min3A_168, %max3A_167 : vector<16xf32>
      %convert_element_type3A_170 = arith.fptosi %min3A_169 : vector<16xf32> to vector<16xi32>
      %get3A_171 = arith.constant 0 : i32
      %get3A_172 = arith.constant 1 : i32
      %get3A_173 = arith.index_cast %get3A_171 : i32 to index
      %get3A_174 = arith.index_cast %get3A_172 : i32 to index
      %get3A_175 = arith.constant 0 : index
      %get3A_176 = tpu.vector_load %arg9[%get3A_173, %get3A_174, %get3A_175] {strides = array<i32>} : memref<2x8x16xf32, #tpu.memory_space<vmem>>, vector<16xf32>,
      %mul3A_177 = arith.constant 1.600000e+01 : f32
      %mul3A_178 = vector.broadcast %mul3A_177 : f32 to vector<16xf32>
      %mul3A_179 = arith.mulf %get3A_176, %mul3A_178 : vector<16xf32>
      %jit3A_180 = arith.constant 0.000000e+00 : f32
      %jit3A_181 = arith.constant 1.500000e+01 : f32
      %max3A_182 = vector.broadcast %jit3A_180 : f32 to vector<16xf32>
      %max3A_183 = arith.maximumf %max3A_182, %mul3A_179 : vector<16xf32>
      %min3A_184 = vector.broadcast %jit3A_181 : f32 to vector<16xf32>
      %min3A_185 = arith.minimumf %min3A_184, %max3A_183 : vector<16xf32>
      %convert_element_type3A_186 = arith.fptosi %min3A_185 : vector<16xf32> to vector<16xi32>
      %get3A_187 = arith.constant 1 : i32
      %get3A_188 = arith.constant 1 : i32
      %get3A_189 = arith.index_cast %get3A_187 : i32 to index
      %get3A_190 = arith.index_cast %get3A_188 : i32 to index
      %get3A_191 = arith.constant 0 : index
      %get3A_192 = tpu.vector_load %arg9[%get3A_189, %get3A_190, %get3A_191] {strides = array<i32>} : memref<2x8x16xf32, #tpu.memory_space<vmem>>, vector<16xf32>,
      %mul3A_193 = arith.constant 1.600000e+01 : f32
      %mul3A_194 = vector.broadcast %mul3A_193 : f32 to vector<16xf32>
      %mul3A_195 = arith.mulf %get3A_192, %mul3A_194 : vector<16xf32>
      %jit3A_196 = arith.constant 0.000000e+00 : f32
      %jit3A_197 = arith.constant 1.500000e+01 : f32
      %max3A_198 = vector.broadcast %jit3A_196 : f32 to vector<16xf32>
      %max3A_199 = arith.maximumf %max3A_198, %mul3A_195 : vector<16xf32>
      %min3A_200 = vector.broadcast %jit3A_197 : f32 to vector<16xf32>
      %min3A_201 = arith.minimumf %min3A_200, %max3A_199 : vector<16xf32>
      %convert_element_type3A_202 = arith.fptosi %min3A_201 : vector<16xf32> to vector<16xi32>
      %mul3A_203 = arith.constant 1024 : i32
      %mul3A_204 = arith.muli %add3A, %mul3A_203 : i32
      %mul3A_205 = arith.constant 32 : i32
      %mul3A_206 = vector.broadcast %mul3A_205 : i32 to vector<16xi32>
      %mul3A_207 = arith.muli %convert_element_type3A_170, %mul3A_206 : vector<16xi32>
      %add3A_208 = vector.broadcast %mul3A_204 : i32 to vector<16xi32>
      %add3A_209 = arith.addi %add3A_208, %mul3A_207 : vector<16xi32>
      %add3A_210 = arith.addi %add3A_209, %convert_element_type3A_154 : vector<16xi32>
      %select_n3A_211 = arith.select %eq3A_33, %add3A_210, %broadcast_in_dim3A_34 : vector<16xi1>, vector<16xi32>
      %reduce_sum3A_212 = arith.constant true
      %reduce_sum3A_213 = vector.broadcast %reduce_sum3A_212 : i1 to vector<16xi1>
      %reduce_sum3A_214 = tpu.scan <sum>, %select_n3A_211 masked %reduce_sum3A_213 : vector<16xi32>, vector<16xi1> -> vector<16xi32>
      %reduce_sum3A_215 = vector.extract %reduce_sum3A_214[15] : i32 from vector<16xi32>
      %mul3A_216 = arith.constant 256 : i32
      %mul3A_217 = arith.muli %add3A, %mul3A_216 : i32
      %mul3A_218 = arith.constant 16 : i32
      %mul3A_219 = vector.broadcast %mul3A_218 : i32 to vector<16xi32>
      %mul3A_220 = arith.muli %convert_element_type3A_202, %mul3A_219 : vector<16xi32>
      %add3A_221 = vector.broadcast %mul3A_217 : i32 to vector<16xi32>
      %add3A_222 = arith.addi %add3A_221, %mul3A_220 : vector<16xi32>
      %add3A_223 = arith.addi %add3A_222, %convert_element_type3A_186 : vector<16xi32>
      %select_n3A_224 = arith.select %eq3A_33, %add3A_223, %broadcast_in_dim3A_34 : vector<16xi1>, vector<16xi32>
      %reduce_sum3A_225 = arith.constant true
      %reduce_sum3A_226 = vector.broadcast %reduce_sum3A_225 : i1 to vector<16xi1>
      %reduce_sum3A_227 = tpu.scan <sum>, %select_n3A_224 masked %reduce_sum3A_226 : vector<16xi32>, vector<16xi1> -> vector<16xi32>
      %reduce_sum3A_228 = vector.extract %reduce_sum3A_227[15] : i32 from vector<16xi32>
      %dma_start3A_229 = arith.constant 1 : i32
      %dma_start3A_230 = arith.constant 0 : i32
      %dma_start3A_231 = tpu.memref_slice %arg10[%dma_start3A_229, %dma_start3A_230] : memref<8x81xf32, #tpu.memory_space<vmem>> -> memref<1x81xf32, #tpu.memory_space<vmem>>
      %dma_start3A_232 = arith.constant 0 : i32
      %dma_start3A_233 = tpu.memref_slice %arg2[%reduce_sum3A_215, %dma_start3A_232] : memref<16384x81xf32, #tpu.memory_space<hbm>> -> memref<1x81xf32, #tpu.memory_space<hbm>>
      %dma_start3A_234 = arith.constant 1 : i32
      %dma_start3A_235 = arith.constant 0 : i32
      %dma_start3A_236 = tpu.memref_slice %arg10[%dma_start3A_234, %dma_start3A_235] : memref<8x81xf32, #tpu.memory_space<vmem>> -> memref<1x81xf32, #tpu.memory_space<vmem>>
      %dma_start3A_237 = arith.constant 0 : i32
      %dma_start3A_238 = tpu.memref_slice %arg2[%reduce_sum3A_215, %dma_start3A_237] : memref<16384x81xf32, #tpu.memory_space<hbm>> -> memref<1x81xf32, #tpu.memory_space<hbm>>
      tpu.enqueue_dma source(%dma_start3A_238 : memref<1x81xf32, #tpu.memory_space<hbm>>) target(%dma_start3A_236 : memref<1x81xf32, #tpu.memory_space<vmem>>) target_semaphore(%arg12 : memref<!tpu.dma_semaphore, #tpu.memory_space<semaphore_mem>>)
      %dma_start3A_239 = arith.constant 1 : i32
      %dma_start3A_240 = arith.constant 0 : i32
      %dma_start3A_241 = tpu.memref_slice %arg11[%dma_start3A_239, %dma_start3A_240] : memref<8x81xf32, #tpu.memory_space<vmem>> -> memref<1x81xf32, #tpu.memory_space<vmem>>
      %dma_start3A_242 = arith.constant 0 : i32
      %dma_start3A_243 = tpu.memref_slice %arg3[%reduce_sum3A_228, %dma_start3A_242] : memref<4096x81xf32, #tpu.memory_space<hbm>> -> memref<1x81xf32, #tpu.memory_space<hbm>>
      %dma_start3A_244 = arith.constant 1 : i32
      %dma_start3A_245 = arith.constant 0 : i32
      %dma_start3A_246 = tpu.memref_slice %arg11[%dma_start3A_244, %dma_start3A_245] : memref<8x81xf32, #tpu.memory_space<vmem>> -> memref<1x81xf32, #tpu.memory_space<vmem>>
      %dma_start3A_247 = arith.constant 0 : i32
      %dma_start3A_248 = tpu.memref_slice %arg3[%reduce_sum3A_228, %dma_start3A_247] : memref<4096x81xf32, #tpu.memory_space<hbm>> -> memref<1x81xf32, #tpu.memory_space<hbm>>
      tpu.enqueue_dma source(%dma_start3A_248 : memref<1x81xf32, #tpu.memory_space<hbm>>) target(%dma_start3A_246 : memref<1x81xf32, #tpu.memory_space<vmem>>) target_semaphore(%arg12 : memref<!tpu.dma_semaphore, #tpu.memory_space<semaphore_mem>>)
      %get3A_249 = arith.constant 0 : i32
      %get3A_250 = arith.constant 2 : i32
      %get3A_251 = arith.index_cast %get3A_249 : i32 to index
      %get3A_252 = arith.index_cast %get3A_250 : i32 to index
      %get3A_253 = arith.constant 0 : index
      %get3A_254 = tpu.vector_load %arg8[%get3A_251, %get3A_252, %get3A_253] {strides = array<i32>} : memref<2x8x16xf32, #tpu.memory_space<vmem>>, vector<16xf32>,
      %mul3A_255 = arith.constant 3.200000e+01 : f32
      %mul3A_256 = vector.broadcast %mul3A_255 : f32 to vector<16xf32>
      %mul3A_257 = arith.mulf %get3A_254, %mul3A_256 : vector<16xf32>
      %jit3A_258 = arith.constant 0.000000e+00 : f32
      %jit3A_259 = arith.constant 3.100000e+01 : f32
      %max3A_260 = vector.broadcast %jit3A_258 : f32 to vector<16xf32>
      %max3A_261 = arith.maximumf %max3A_260, %mul3A_257 : vector<16xf32>
      %min3A_262 = vector.broadcast %jit3A_259 : f32 to vector<16xf32>
      %min3A_263 = arith.minimumf %min3A_262, %max3A_261 : vector<16xf32>
      %convert_element_type3A_264 = arith.fptosi %min3A_263 : vector<16xf32> to vector<16xi32>
      %get3A_265 = arith.constant 1 : i32
      %get3A_266 = arith.constant 2 : i32
      %get3A_267 = arith.index_cast %get3A_265 : i32 to index
      %get3A_268 = arith.index_cast %get3A_266 : i32 to index
      %get3A_269 = arith.constant 0 : index
      %get3A_270 = tpu.vector_load %arg8[%get3A_267, %get3A_268, %get3A_269] {strides = array<i32>} : memref<2x8x16xf32, #tpu.memory_space<vmem>>, vector<16xf32>,
      %mul3A_271 = arith.constant 3.200000e+01 : f32
      %mul3A_272 = vector.broadcast %mul3A_271 : f32 to vector<16xf32>
      %mul3A_273 = arith.mulf %get3A_270, %mul3A_272 : vector<16xf32>
      %jit3A_274 = arith.constant 0.000000e+00 : f32
      %jit3A_275 = arith.constant 3.100000e+01 : f32
      %max3A_276 = vector.broadcast %jit3A_274 : f32 to vector<16xf32>
      %max3A_277 = arith.maximumf %max3A_276, %mul3A_273 : vector<16xf32>
      %min3A_278 = vector.broadcast %jit3A_275 : f32 to vector<16xf32>
      %min3A_279 = arith.minimumf %min3A_278, %max3A_277 : vector<16xf32>
      %convert_element_type3A_280 = arith.fptosi %min3A_279 : vector<16xf32> to vector<16xi32>
      %get3A_281 = arith.constant 0 : i32
      %get3A_282 = arith.constant 2 : i32
      %get3A_283 = arith.index_cast %get3A_281 : i32 to index
      %get3A_284 = arith.index_cast %get3A_282 : i32 to index
      %get3A_285 = arith.constant 0 : index
      %get3A_286 = tpu.vector_load %arg9[%get3A_283, %get3A_284, %get3A_285] {strides = array<i32>} : memref<2x8x16xf32, #tpu.memory_space<vmem>>, vector<16xf32>,
      %mul3A_287 = arith.constant 1.600000e+01 : f32
      %mul3A_288 = vector.broadcast %mul3A_287 : f32 to vector<16xf32>
      %mul3A_289 = arith.mulf %get3A_286, %mul3A_288 : vector<16xf32>
      %jit3A_290 = arith.constant 0.000000e+00 : f32
      %jit3A_291 = arith.constant 1.500000e+01 : f32
      %max3A_292 = vector.broadcast %jit3A_290 : f32 to vector<16xf32>
      %max3A_293 = arith.maximumf %max3A_292, %mul3A_289 : vector<16xf32>
      %min3A_294 = vector.broadcast %jit3A_291 : f32 to vector<16xf32>
      %min3A_295 = arith.minimumf %min3A_294, %max3A_293 : vector<16xf32>
      %convert_element_type3A_296 = arith.fptosi %min3A_295 : vector<16xf32> to vector<16xi32>
      %get3A_297 = arith.constant 1 : i32
      %get3A_298 = arith.constant 2 : i32
      %get3A_299 = arith.index_cast %get3A_297 : i32 to index
      %get3A_300 = arith.index_cast %get3A_298 : i32 to index
      %get3A_301 = arith.constant 0 : index
      %get3A_302 = tpu.vector_load %arg9[%get3A_299, %get3A_300, %get3A_301] {strides = array<i32>} : memref<2x8x16xf32, #tpu.memory_space<vmem>>, vector<16xf32>,
      %mul3A_303 = arith.constant 1.600000e+01 : f32
      %mul3A_304 = vector.broadcast %mul3A_303 : f32 to vector<16xf32>
      %mul3A_305 = arith.mulf %get3A_302, %mul3A_304 : vector<16xf32>
      %jit3A_306 = arith.constant 0.000000e+00 : f32
      %jit3A_307 = arith.constant 1.500000e+01 : f32
      %max3A_308 = vector.broadcast %jit3A_306 : f32 to vector<16xf32>
      %max3A_309 = arith.maximumf %max3A_308, %mul3A_305 : vector<16xf32>
      %min3A_310 = vector.broadcast %jit3A_307 : f32 to vector<16xf32>
      %min3A_311 = arith.minimumf %min3A_310, %max3A_309 : vector<16xf32>
      %convert_element_type3A_312 = arith.fptosi %min3A_311 : vector<16xf32> to vector<16xi32>
      %mul3A_313 = arith.constant 1024 : i32
      %mul3A_314 = arith.muli %add3A, %mul3A_313 : i32
      %mul3A_315 = arith.constant 32 : i32
      %mul3A_316 = vector.broadcast %mul3A_315 : i32 to vector<16xi32>
      %mul3A_317 = arith.muli %convert_element_type3A_280, %mul3A_316 : vector<16xi32>
      %add3A_318 = vector.broadcast %mul3A_314 : i32 to vector<16xi32>
      %add3A_319 = arith.addi %add3A_318, %mul3A_317 : vector<16xi32>
      %add3A_320 = arith.addi %add3A_319, %convert_element_type3A_264 : vector<16xi32>
      %select_n3A_321 = arith.select %eq3A_33, %add3A_320, %broadcast_in_dim3A_34 : vector<16xi1>, vector<16xi32>
      %reduce_sum3A_322 = arith.constant true
      %reduce_sum3A_323 = vector.broadcast %reduce_sum3A_322 : i1 to vector<16xi1>
      %reduce_sum3A_324 = tpu.scan <sum>, %select_n3A_321 masked %reduce_sum3A_323 : vector<16xi32>, vector<16xi1> -> vector<16xi32>
      %reduce_sum3A_325 = vector.extract %reduce_sum3A_324[15] : i32 from vector<16xi32>
      %mul3A_326 = arith.constant 256 : i32
      %mul3A_327 = arith.muli %add3A, %mul3A_326 : i32
      %mul3A_328 = arith.constant 16 : i32
      %mul3A_329 = vector.broadcast %mul3A_328 : i32 to vector<16xi32>
      %mul3A_330 = arith.muli %convert_element_type3A_312, %mul3A_329 : vector<16xi32>
      %add3A_331 = vector.broadcast %mul3A_327 : i32 to vector<16xi32>
      %add3A_332 = arith.addi %add3A_331, %mul3A_330 : vector<16xi32>
      %add3A_333 = arith.addi %add3A_332, %convert_element_type3A_296 : vector<16xi32>
      %select_n3A_334 = arith.select %eq3A_33, %add3A_333, %broadcast_in_dim3A_34 : vector<16xi1>, vector<16xi32>
      %reduce_sum3A_335 = arith.constant true
      %reduce_sum3A_336 = vector.broadcast %reduce_sum3A_335 : i1 to vector<16xi1>
      %reduce_sum3A_337 = tpu.scan <sum>, %select_n3A_334 masked %reduce_sum3A_336 : vector<16xi32>, vector<16xi1> -> vector<16xi32>
      %reduce_sum3A_338 = vector.extract %reduce_sum3A_337[15] : i32 from vector<16xi32>
      %dma_start3A_339 = arith.constant 2 : i32
      %dma_start3A_340 = arith.constant 0 : i32
      %dma_start3A_341 = tpu.memref_slice %arg10[%dma_start3A_339, %dma_start3A_340] : memref<8x81xf32, #tpu.memory_space<vmem>> -> memref<1x81xf32, #tpu.memory_space<vmem>>
      %dma_start3A_342 = arith.constant 0 : i32
      %dma_start3A_343 = tpu.memref_slice %arg2[%reduce_sum3A_325, %dma_start3A_342] : memref<16384x81xf32, #tpu.memory_space<hbm>> -> memref<1x81xf32, #tpu.memory_space<hbm>>
      %dma_start3A_344 = arith.constant 2 : i32
      %dma_start3A_345 = arith.constant 0 : i32
      %dma_start3A_346 = tpu.memref_slice %arg10[%dma_start3A_344, %dma_start3A_345] : memref<8x81xf32, #tpu.memory_space<vmem>> -> memref<1x81xf32, #tpu.memory_space<vmem>>
      %dma_start3A_347 = arith.constant 0 : i32
      %dma_start3A_348 = tpu.memref_slice %arg2[%reduce_sum3A_325, %dma_start3A_347] : memref<16384x81xf32, #tpu.memory_space<hbm>> -> memref<1x81xf32, #tpu.memory_space<hbm>>
      tpu.enqueue_dma source(%dma_start3A_348 : memref<1x81xf32, #tpu.memory_space<hbm>>) target(%dma_start3A_346 : memref<1x81xf32, #tpu.memory_space<vmem>>) target_semaphore(%arg12 : memref<!tpu.dma_semaphore, #tpu.memory_space<semaphore_mem>>)
      %dma_start3A_349 = arith.constant 2 : i32
      %dma_start3A_350 = arith.constant 0 : i32
      %dma_start3A_351 = tpu.memref_slice %arg11[%dma_start3A_349, %dma_start3A_350] : memref<8x81xf32, #tpu.memory_space<vmem>> -> memref<1x81xf32, #tpu.memory_space<vmem>>
      %dma_start3A_352 = arith.constant 0 : i32
      %dma_start3A_353 = tpu.memref_slice %arg3[%reduce_sum3A_338, %dma_start3A_352] : memref<4096x81xf32, #tpu.memory_space<hbm>> -> memref<1x81xf32, #tpu.memory_space<hbm>>
      %dma_start3A_354 = arith.constant 2 : i32
      %dma_start3A_355 = arith.constant 0 : i32
      %dma_start3A_356 = tpu.memref_slice %arg11[%dma_start3A_354, %dma_start3A_355] : memref<8x81xf32, #tpu.memory_space<vmem>> -> memref<1x81xf32, #tpu.memory_space<vmem>>
      %dma_start3A_357 = arith.constant 0 : i32
      %dma_start3A_358 = tpu.memref_slice %arg3[%reduce_sum3A_338, %dma_start3A_357] : memref<4096x81xf32, #tpu.memory_space<hbm>> -> memref<1x81xf32, #tpu.memory_space<hbm>>
      tpu.enqueue_dma source(%dma_start3A_358 : memref<1x81xf32, #tpu.memory_space<hbm>>) target(%dma_start3A_356 : memref<1x81xf32, #tpu.memory_space<vmem>>) target_semaphore(%arg12 : memref<!tpu.dma_semaphore, #tpu.memory_space<semaphore_mem>>)
      %get3A_359 = arith.constant 0 : i32
      %get3A_360 = arith.constant 3 : i32
      %get3A_361 = arith.index_cast %get3A_359 : i32 to index
      %get3A_362 = arith.index_cast %get3A_360 : i32 to index
      %get3A_363 = arith.constant 0 : index
      %get3A_364 = tpu.vector_load %arg8[%get3A_361, %get3A_362, %get3A_363] {strides = array<i32>} : memref<2x8x16xf32, #tpu.memory_space<vmem>>, vector<16xf32>,
      %mul3A_365 = arith.constant 3.200000e+01 : f32
      %mul3A_366 = vector.broadcast %mul3A_365 : f32 to vector<16xf32>
      %mul3A_367 = arith.mulf %get3A_364, %mul3A_366 : vector<16xf32>
      %jit3A_368 = arith.constant 0.000000e+00 : f32
      %jit3A_369 = arith.constant 3.100000e+01 : f32
      %max3A_370 = vector.broadcast %jit3A_368 : f32 to vector<16xf32>
      %max3A_371 = arith.maximumf %max3A_370, %mul3A_367 : vector<16xf32>
      %min3A_372 = vector.broadcast %jit3A_369 : f32 to vector<16xf32>
      %min3A_373 = arith.minimumf %min3A_372, %max3A_371 : vector<16xf32>
      %convert_element_type3A_374 = arith.fptosi %min3A_373 : vector<16xf32> to vector<16xi32>
      %get3A_375 = arith.constant 1 : i32
      %get3A_376 = arith.constant 3 : i32
      %get3A_377 = arith.index_cast %get3A_375 : i32 to index
      %get3A_378 = arith.index_cast %get3A_376 : i32 to index
      %get3A_379 = arith.constant 0 : index
      %get3A_380 = tpu.vector_load %arg8[%get3A_377, %get3A_378, %get3A_379] {strides = array<i32>} : memref<2x8x16xf32, #tpu.memory_space<vmem>>, vector<16xf32>,
      %mul3A_381 = arith.constant 3.200000e+01 : f32
      %mul3A_382 = vector.broadcast %mul3A_381 : f32 to vector<16xf32>
      %mul3A_383 = arith.mulf %get3A_380, %mul3A_382 : vector<16xf32>
      %jit3A_384 = arith.constant 0.000000e+00 : f32
      %jit3A_385 = arith.constant 3.100000e+01 : f32
      %max3A_386 = vector.broadcast %jit3A_384 : f32 to vector<16xf32>
      %max3A_387 = arith.maximumf %max3A_386, %mul3A_383 : vector<16xf32>
      %min3A_388 = vector.broadcast %jit3A_385 : f32 to vector<16xf32>
      %min3A_389 = arith.minimumf %min3A_388, %max3A_387 : vector<16xf32>
      %convert_element_type3A_390 = arith.fptosi %min3A_389 : vector<16xf32> to vector<16xi32>
      %get3A_391 = arith.constant 0 : i32
      %get3A_392 = arith.constant 3 : i32
      %get3A_393 = arith.index_cast %get3A_391 : i32 to index
      %get3A_394 = arith.index_cast %get3A_392 : i32 to index
      %get3A_395 = arith.constant 0 : index
      %get3A_396 = tpu.vector_load %arg9[%get3A_393, %get3A_394, %get3A_395] {strides = array<i32>} : memref<2x8x16xf32, #tpu.memory_space<vmem>>, vector<16xf32>,
      %mul3A_397 = arith.constant 1.600000e+01 : f32
      %mul3A_398 = vector.broadcast %mul3A_397 : f32 to vector<16xf32>
      %mul3A_399 = arith.mulf %get3A_396, %mul3A_398 : vector<16xf32>
      %jit3A_400 = arith.constant 0.000000e+00 : f32
      %jit3A_401 = arith.constant 1.500000e+01 : f32
      %max3A_402 = vector.broadcast %jit3A_400 : f32 to vector<16xf32>
      %max3A_403 = arith.maximumf %max3A_402, %mul3A_399 : vector<16xf32>
      %min3A_404 = vector.broadcast %jit3A_401 : f32 to vector<16xf32>
      %min3A_405 = arith.minimumf %min3A_404, %max3A_403 : vector<16xf32>
      %convert_element_type3A_406 = arith.fptosi %min3A_405 : vector<16xf32> to vector<16xi32>
      %get3A_407 = arith.constant 1 : i32
      %get3A_408 = arith.constant 3 : i32
      %get3A_409 = arith.index_cast %get3A_407 : i32 to index
      %get3A_410 = arith.index_cast %get3A_408 : i32 to index
      %get3A_411 = arith.constant 0 : index
      %get3A_412 = tpu.vector_load %arg9[%get3A_409, %get3A_410, %get3A_411] {strides = array<i32>} : memref<2x8x16xf32, #tpu.memory_space<vmem>>, vector<16xf32>,
      %mul3A_413 = arith.constant 1.600000e+01 : f32
      %mul3A_414 = vector.broadcast %mul3A_413 : f32 to vector<16xf32>
      %mul3A_415 = arith.mulf %get3A_412, %mul3A_414 : vector<16xf32>
      %jit3A_416 = arith.constant 0.000000e+00 : f32
      %jit3A_417 = arith.constant 1.500000e+01 : f32
      %max3A_418 = vector.broadcast %jit3A_416 : f32 to vector<16xf32>
      %max3A_419 = arith.maximumf %max3A_418, %mul3A_415 : vector<16xf32>
      %min3A_420 = vector.broadcast %jit3A_417 : f32 to vector<16xf32>
      %min3A_421 = arith.minimumf %min3A_420, %max3A_419 : vector<16xf32>
      %convert_element_type3A_422 = arith.fptosi %min3A_421 : vector<16xf32> to vector<16xi32>
      %mul3A_423 = arith.constant 1024 : i32
      %mul3A_424 = arith.muli %add3A, %mul3A_423 : i32
      %mul3A_425 = arith.constant 32 : i32
      %mul3A_426 = vector.broadcast %mul3A_425 : i32 to vector<16xi32>
      %mul3A_427 = arith.muli %convert_element_type3A_390, %mul3A_426 : vector<16xi32>
      %add3A_428 = vector.broadcast %mul3A_424 : i32 to vector<16xi32>
      %add3A_429 = arith.addi %add3A_428, %mul3A_427 : vector<16xi32>
      %add3A_430 = arith.addi %add3A_429, %convert_element_type3A_374 : vector<16xi32>
      %select_n3A_431 = arith.select %eq3A_33, %add3A_430, %broadcast_in_dim3A_34 : vector<16xi1>, vector<16xi32>
      %reduce_sum3A_432 = arith.constant true
      %reduce_sum3A_433 = vector.broadcast %reduce_sum3A_432 : i1 to vector<16xi1>
      %reduce_sum3A_434 = tpu.scan <sum>, %select_n3A_431 masked %reduce_sum3A_433 : vector<16xi32>, vector<16xi1> -> vector<16xi32>
      %reduce_sum3A_435 = vector.extract %reduce_sum3A_434[15] : i32 from vector<16xi32>
      %mul3A_436 = arith.constant 256 : i32
      %mul3A_437 = arith.muli %add3A, %mul3A_436 : i32
      %mul3A_438 = arith.constant 16 : i32
      %mul3A_439 = vector.broadcast %mul3A_438 : i32 to vector<16xi32>
      %mul3A_440 = arith.muli %convert_element_type3A_422, %mul3A_439 : vector<16xi32>
      %add3A_441 = vector.broadcast %mul3A_437 : i32 to vector<16xi32>
      %add3A_442 = arith.addi %add3A_441, %mul3A_440 : vector<16xi32>
      %add3A_443 = arith.addi %add3A_442, %convert_element_type3A_406 : vector<16xi32>
      %select_n3A_444 = arith.select %eq3A_33, %add3A_443, %broadcast_in_dim3A_34 : vector<16xi1>, vector<16xi32>
      %reduce_sum3A_445 = arith.constant true
      %reduce_sum3A_446 = vector.broadcast %reduce_sum3A_445 : i1 to vector<16xi1>
      %reduce_sum3A_447 = tpu.scan <sum>, %select_n3A_444 masked %reduce_sum3A_446 : vector<16xi32>, vector<16xi1> -> vector<16xi32>
      %reduce_sum3A_448 = vector.extract %reduce_sum3A_447[15] : i32 from vector<16xi32>
      %dma_start3A_449 = arith.constant 3 : i32
      %dma_start3A_450 = arith.constant 0 : i32
      %dma_start3A_451 = tpu.memref_slice %arg10[%dma_start3A_449, %dma_start3A_450] : memref<8x81xf32, #tpu.memory_space<vmem>> -> memref<1x81xf32, #tpu.memory_space<vmem>>
      %dma_start3A_452 = arith.constant 0 : i32
      %dma_start3A_453 = tpu.memref_slice %arg2[%reduce_sum3A_435, %dma_start3A_452] : memref<16384x81xf32, #tpu.memory_space<hbm>> -> memref<1x81xf32, #tpu.memory_space<hbm>>
      %dma_start3A_454 = arith.constant 3 : i32
      %dma_start3A_455 = arith.constant 0 : i32
      %dma_start3A_456 = tpu.memref_slice %arg10[%dma_start3A_454, %dma_start3A_455] : memref<8x81xf32, #tpu.memory_space<vmem>> -> memref<1x81xf32, #tpu.memory_space<vmem>>
      %dma_start3A_457 = arith.constant 0 : i32
      %dma_start3A_458 = tpu.memref_slice %arg2[%reduce_sum3A_435, %dma_start3A_457] : memref<16384x81xf32, #tpu.memory_space<hbm>> -> memref<1x81xf32, #tpu.memory_space<hbm>>
      tpu.enqueue_dma source(%dma_start3A_458 : memref<1x81xf32, #tpu.memory_space<hbm>>) target(%dma_start3A_456 : memref<1x81xf32, #tpu.memory_space<vmem>>) target_semaphore(%arg12 : memref<!tpu.dma_semaphore, #tpu.memory_space<semaphore_mem>>)
      %dma_start3A_459 = arith.constant 3 : i32
      %dma_start3A_460 = arith.constant 0 : i32
      %dma_start3A_461 = tpu.memref_slice %arg11[%dma_start3A_459, %dma_start3A_460] : memref<8x81xf32, #tpu.memory_space<vmem>> -> memref<1x81xf32, #tpu.memory_space<vmem>>
      %dma_start3A_462 = arith.constant 0 : i32
      %dma_start3A_463 = tpu.memref_slice %arg3[%reduce_sum3A_448, %dma_start3A_462] : memref<4096x81xf32, #tpu.memory_space<hbm>> -> memref<1x81xf32, #tpu.memory_space<hbm>>
      %dma_start3A_464 = arith.constant 3 : i32
      %dma_start3A_465 = arith.constant 0 : i32
      %dma_start3A_466 = tpu.memref_slice %arg11[%dma_start3A_464, %dma_start3A_465] : memref<8x81xf32, #tpu.memory_space<vmem>> -> memref<1x81xf32, #tpu.memory_space<vmem>>
      %dma_start3A_467 = arith.constant 0 : i32
      %dma_start3A_468 = tpu.memref_slice %arg3[%reduce_sum3A_448, %dma_start3A_467] : memref<4096x81xf32, #tpu.memory_space<hbm>> -> memref<1x81xf32, #tpu.memory_space<hbm>>
      tpu.enqueue_dma source(%dma_start3A_468 : memref<1x81xf32, #tpu.memory_space<hbm>>) target(%dma_start3A_466 : memref<1x81xf32, #tpu.memory_space<vmem>>) target_semaphore(%arg12 : memref<!tpu.dma_semaphore, #tpu.memory_space<semaphore_mem>>)
      %get3A_469 = arith.constant 0 : i32
      %get3A_470 = arith.constant 4 : i32
      %get3A_471 = arith.index_cast %get3A_469 : i32 to index
      %get3A_472 = arith.index_cast %get3A_470 : i32 to index
      %get3A_473 = arith.constant 0 : index
      %get3A_474 = tpu.vector_load %arg8[%get3A_471, %get3A_472, %get3A_473] {strides = array<i32>} : memref<2x8x16xf32, #tpu.memory_space<vmem>>, vector<16xf32>,
      %mul3A_475 = arith.constant 3.200000e+01 : f32
      %mul3A_476 = vector.broadcast %mul3A_475 : f32 to vector<16xf32>
      %mul3A_477 = arith.mulf %get3A_474, %mul3A_476 : vector<16xf32>
      %jit3A_478 = arith.constant 0.000000e+00 : f32
      %jit3A_479 = arith.constant 3.100000e+01 : f32
      %max3A_480 = vector.broadcast %jit3A_478 : f32 to vector<16xf32>
      %max3A_481 = arith.maximumf %max3A_480, %mul3A_477 : vector<16xf32>
      %min3A_482 = vector.broadcast %jit3A_479 : f32 to vector<16xf32>
      %min3A_483 = arith.minimumf %min3A_482, %max3A_481 : vector<16xf32>
      %convert_element_type3A_484 = arith.fptosi %min3A_483 : vector<16xf32> to vector<16xi32>
      %get3A_485 = arith.constant 1 : i32
      %get3A_486 = arith.constant 4 : i32
      %get3A_487 = arith.index_cast %get3A_485 : i32 to index
      %get3A_488 = arith.index_cast %get3A_486 : i32 to index
      %get3A_489 = arith.constant 0 : index
      %get3A_490 = tpu.vector_load %arg8[%get3A_487, %get3A_488, %get3A_489] {strides = array<i32>} : memref<2x8x16xf32, #tpu.memory_space<vmem>>, vector<16xf32>,
      %mul3A_491 = arith.constant 3.200000e+01 : f32
      %mul3A_492 = vector.broadcast %mul3A_491 : f32 to vector<16xf32>
      %mul3A_493 = arith.mulf %get3A_490, %mul3A_492 : vector<16xf32>
      %jit3A_494 = arith.constant 0.000000e+00 : f32
      %jit3A_495 = arith.constant 3.100000e+01 : f32
      %max3A_496 = vector.broadcast %jit3A_494 : f32 to vector<16xf32>
      %max3A_497 = arith.maximumf %max3A_496, %mul3A_493 : vector<16xf32>
      %min3A_498 = vector.broadcast %jit3A_495 : f32 to vector<16xf32>
      %min3A_499 = arith.minimumf %min3A_498, %max3A_497 : vector<16xf32>
      %convert_element_type3A_500 = arith.fptosi %min3A_499 : vector<16xf32> to vector<16xi32>
      %get3A_501 = arith.constant 0 : i32
      %get3A_502 = arith.constant 4 : i32
      %get3A_503 = arith.index_cast %get3A_501 : i32 to index
      %get3A_504 = arith.index_cast %get3A_502 : i32 to index
      %get3A_505 = arith.constant 0 : index
      %get3A_506 = tpu.vector_load %arg9[%get3A_503, %get3A_504, %get3A_505] {strides = array<i32>} : memref<2x8x16xf32, #tpu.memory_space<vmem>>, vector<16xf32>,
      %mul3A_507 = arith.constant 1.600000e+01 : f32
      %mul3A_508 = vector.broadcast %mul3A_507 : f32 to vector<16xf32>
      %mul3A_509 = arith.mulf %get3A_506, %mul3A_508 : vector<16xf32>
      %jit3A_510 = arith.constant 0.000000e+00 : f32
      %jit3A_511 = arith.constant 1.500000e+01 : f32
      %max3A_512 = vector.broadcast %jit3A_510 : f32 to vector<16xf32>
      %max3A_513 = arith.maximumf %max3A_512, %mul3A_509 : vector<16xf32>
      %min3A_514 = vector.broadcast %jit3A_511 : f32 to vector<16xf32>
      %min3A_515 = arith.minimumf %min3A_514, %max3A_513 : vector<16xf32>
      %convert_element_type3A_516 = arith.fptosi %min3A_515 : vector<16xf32> to vector<16xi32>
      %get3A_517 = arith.constant 1 : i32
      %get3A_518 = arith.constant 4 : i32
      %get3A_519 = arith.index_cast %get3A_517 : i32 to index
      %get3A_520 = arith.index_cast %get3A_518 : i32 to index
      %get3A_521 = arith.constant 0 : index
      %get3A_522 = tpu.vector_load %arg9[%get3A_519, %get3A_520, %get3A_521] {strides = array<i32>} : memref<2x8x16xf32, #tpu.memory_space<vmem>>, vector<16xf32>,
      %mul3A_523 = arith.constant 1.600000e+01 : f32
      %mul3A_524 = vector.broadcast %mul3A_523 : f32 to vector<16xf32>
      %mul3A_525 = arith.mulf %get3A_522, %mul3A_524 : vector<16xf32>
      %jit3A_526 = arith.constant 0.000000e+00 : f32
      %jit3A_527 = arith.constant 1.500000e+01 : f32
      %max3A_528 = vector.broadcast %jit3A_526 : f32 to vector<16xf32>
      %max3A_529 = arith.maximumf %max3A_528, %mul3A_525 : vector<16xf32>
      %min3A_530 = vector.broadcast %jit3A_527 : f32 to vector<16xf32>
      %min3A_531 = arith.minimumf %min3A_530, %max3A_529 : vector<16xf32>
      %convert_element_type3A_532 = arith.fptosi %min3A_531 : vector<16xf32> to vector<16xi32>
      %mul3A_533 = arith.constant 1024 : i32
      %mul3A_534 = arith.muli %add3A, %mul3A_533 : i32
      %mul3A_535 = arith.constant 32 : i32
      %mul3A_536 = vector.broadcast %mul3A_535 : i32 to vector<16xi32>
      %mul3A_537 = arith.muli %convert_element_type3A_500, %mul3A_536 : vector<16xi32>
      %add3A_538 = vector.broadcast %mul3A_534 : i32 to vector<16xi32>
      %add3A_539 = arith.addi %add3A_538, %mul3A_537 : vector<16xi32>
      %add3A_540 = arith.addi %add3A_539, %convert_element_type3A_484 : vector<16xi32>
      %select_n3A_541 = arith.select %eq3A_33, %add3A_540, %broadcast_in_dim3A_34 : vector<16xi1>, vector<16xi32>
      %reduce_sum3A_542 = arith.constant true
      %reduce_sum3A_543 = vector.broadcast %reduce_sum3A_542 : i1 to vector<16xi1>
      %reduce_sum3A_544 = tpu.scan <sum>, %select_n3A_541 masked %reduce_sum3A_543 : vector<16xi32>, vector<16xi1> -> vector<16xi32>
      %reduce_sum3A_545 = vector.extract %reduce_sum3A_544[15] : i32 from vector<16xi32>
      %mul3A_546 = arith.constant 256 : i32
      %mul3A_547 = arith.muli %add3A, %mul3A_546 : i32
      %mul3A_548 = arith.constant 16 : i32
      %mul3A_549 = vector.broadcast %mul3A_548 : i32 to vector<16xi32>
      %mul3A_550 = arith.muli %convert_element_type3A_532, %mul3A_549 : vector<16xi32>
      %add3A_551 = vector.broadcast %mul3A_547 : i32 to vector<16xi32>
      %add3A_552 = arith.addi %add3A_551, %mul3A_550 : vector<16xi32>
      %add3A_553 = arith.addi %add3A_552, %convert_element_type3A_516 : vector<16xi32>
      %select_n3A_554 = arith.select %eq3A_33, %add3A_553, %broadcast_in_dim3A_34 : vector<16xi1>, vector<16xi32>
      %reduce_sum3A_555 = arith.constant true
      %reduce_sum3A_556 = vector.broadcast %reduce_sum3A_555 : i1 to vector<16xi1>
      %reduce_sum3A_557 = tpu.scan <sum>, %select_n3A_554 masked %reduce_sum3A_556 : vector<16xi32>, vector<16xi1> -> vector<16xi32>
      %reduce_sum3A_558 = vector.extract %reduce_sum3A_557[15] : i32 from vector<16xi32>
      %dma_start3A_559 = arith.constant 4 : i32
      %dma_start3A_560 = arith.constant 0 : i32
      %dma_start3A_561 = tpu.memref_slice %arg10[%dma_start3A_559, %dma_start3A_560] : memref<8x81xf32, #tpu.memory_space<vmem>> -> memref<1x81xf32, #tpu.memory_space<vmem>>
      %dma_start3A_562 = arith.constant 0 : i32
      %dma_start3A_563 = tpu.memref_slice %arg2[%reduce_sum3A_545, %dma_start3A_562] : memref<16384x81xf32, #tpu.memory_space<hbm>> -> memref<1x81xf32, #tpu.memory_space<hbm>>
      %dma_start3A_564 = arith.constant 4 : i32
      %dma_start3A_565 = arith.constant 0 : i32
      %dma_start3A_566 = tpu.memref_slice %arg10[%dma_start3A_564, %dma_start3A_565] : memref<8x81xf32, #tpu.memory_space<vmem>> -> memref<1x81xf32, #tpu.memory_space<vmem>>
      %dma_start3A_567 = arith.constant 0 : i32
      %dma_start3A_568 = tpu.memref_slice %arg2[%reduce_sum3A_545, %dma_start3A_567] : memref<16384x81xf32, #tpu.memory_space<hbm>> -> memref<1x81xf32, #tpu.memory_space<hbm>>
      tpu.enqueue_dma source(%dma_start3A_568 : memref<1x81xf32, #tpu.memory_space<hbm>>) target(%dma_start3A_566 : memref<1x81xf32, #tpu.memory_space<vmem>>) target_semaphore(%arg12 : memref<!tpu.dma_semaphore, #tpu.memory_space<semaphore_mem>>)
      %dma_start3A_569 = arith.constant 4 : i32
      %dma_start3A_570 = arith.constant 0 : i32
      %dma_start3A_571 = tpu.memref_slice %arg11[%dma_start3A_569, %dma_start3A_570] : memref<8x81xf32, #tpu.memory_space<vmem>> -> memref<1x81xf32, #tpu.memory_space<vmem>>
      %dma_start3A_572 = arith.constant 0 : i32
      %dma_start3A_573 = tpu.memref_slice %arg3[%reduce_sum3A_558, %dma_start3A_572] : memref<4096x81xf32, #tpu.memory_space<hbm>> -> memref<1x81xf32, #tpu.memory_space<hbm>>
      %dma_start3A_574 = arith.constant 4 : i32
      %dma_start3A_575 = arith.constant 0 : i32
      %dma_start3A_576 = tpu.memref_slice %arg11[%dma_start3A_574, %dma_start3A_575] : memref<8x81xf32, #tpu.memory_space<vmem>> -> memref<1x81xf32, #tpu.memory_space<vmem>>
      %dma_start3A_577 = arith.constant 0 : i32
      %dma_start3A_578 = tpu.memref_slice %arg3[%reduce_sum3A_558, %dma_start3A_577] : memref<4096x81xf32, #tpu.memory_space<hbm>> -> memref<1x81xf32, #tpu.memory_space<hbm>>
      tpu.enqueue_dma source(%dma_start3A_578 : memref<1x81xf32, #tpu.memory_space<hbm>>) target(%dma_start3A_576 : memref<1x81xf32, #tpu.memory_space<vmem>>) target_semaphore(%arg12 : memref<!tpu.dma_semaphore, #tpu.memory_space<semaphore_mem>>)
      %get3A_579 = arith.constant 0 : i32
      %get3A_580 = arith.constant 5 : i32
      %get3A_581 = arith.index_cast %get3A_579 : i32 to index
      %get3A_582 = arith.index_cast %get3A_580 : i32 to index
      %get3A_583 = arith.constant 0 : index
      %get3A_584 = tpu.vector_load %arg8[%get3A_581, %get3A_582, %get3A_583] {strides = array<i32>} : memref<2x8x16xf32, #tpu.memory_space<vmem>>, vector<16xf32>,
      %mul3A_585 = arith.constant 3.200000e+01 : f32
      %mul3A_586 = vector.broadcast %mul3A_585 : f32 to vector<16xf32>
      %mul3A_587 = arith.mulf %get3A_584, %mul3A_586 : vector<16xf32>
      %jit3A_588 = arith.constant 0.000000e+00 : f32
      %jit3A_589 = arith.constant 3.100000e+01 : f32
      %max3A_590 = vector.broadcast %jit3A_588 : f32 to vector<16xf32>
      %max3A_591 = arith.maximumf %max3A_590, %mul3A_587 : vector<16xf32>
      %min3A_592 = vector.broadcast %jit3A_589 : f32 to vector<16xf32>
      %min3A_593 = arith.minimumf %min3A_592, %max3A_591 : vector<16xf32>
      %convert_element_type3A_594 = arith.fptosi %min3A_593 : vector<16xf32> to vector<16xi32>
      %get3A_595 = arith.constant 1 : i32
      %get3A_596 = arith.constant 5 : i32
      %get3A_597 = arith.index_cast %get3A_595 : i32 to index
      %get3A_598 = arith.index_cast %get3A_596 : i32 to index
      %get3A_599 = arith.constant 0 : index
      %get3A_600 = tpu.vector_load %arg8[%get3A_597, %get3A_598, %get3A_599] {strides = array<i32>} : memref<2x8x16xf32, #tpu.memory_space<vmem>>, vector<16xf32>,
      %mul3A_601 = arith.constant 3.200000e+01 : f32
      %mul3A_602 = vector.broadcast %mul3A_601 : f32 to vector<16xf32>
      %mul3A_603 = arith.mulf %get3A_600, %mul3A_602 : vector<16xf32>
      %jit3A_604 = arith.constant 0.000000e+00 : f32
      %jit3A_605 = arith.constant 3.100000e+01 : f32
      %max3A_606 = vector.broadcast %jit3A_604 : f32 to vector<16xf32>
      %max3A_607 = arith.maximumf %max3A_606, %mul3A_603 : vector<16xf32>
      %min3A_608 = vector.broadcast %jit3A_605 : f32 to vector<16xf32>
      %min3A_609 = arith.minimumf %min3A_608, %max3A_607 : vector<16xf32>
      %convert_element_type3A_610 = arith.fptosi %min3A_609 : vector<16xf32> to vector<16xi32>
      %get3A_611 = arith.constant 0 : i32
      %get3A_612 = arith.constant 5 : i32
      %get3A_613 = arith.index_cast %get3A_611 : i32 to index
      %get3A_614 = arith.index_cast %get3A_612 : i32 to index
      %get3A_615 = arith.constant 0 : index
      %get3A_616 = tpu.vector_load %arg9[%get3A_613, %get3A_614, %get3A_615] {strides = array<i32>} : memref<2x8x16xf32, #tpu.memory_space<vmem>>, vector<16xf32>,
      %mul3A_617 = arith.constant 1.600000e+01 : f32
      %mul3A_618 = vector.broadcast %mul3A_617 : f32 to vector<16xf32>
      %mul3A_619 = arith.mulf %get3A_616, %mul3A_618 : vector<16xf32>
      %jit3A_620 = arith.constant 0.000000e+00 : f32
      %jit3A_621 = arith.constant 1.500000e+01 : f32
      %max3A_622 = vector.broadcast %jit3A_620 : f32 to vector<16xf32>
      %max3A_623 = arith.maximumf %max3A_622, %mul3A_619 : vector<16xf32>
      %min3A_624 = vector.broadcast %jit3A_621 : f32 to vector<16xf32>
      %min3A_625 = arith.minimumf %min3A_624, %max3A_623 : vector<16xf32>
      %convert_element_type3A_626 = arith.fptosi %min3A_625 : vector<16xf32> to vector<16xi32>
      %get3A_627 = arith.constant 1 : i32
      %get3A_628 = arith.constant 5 : i32
      %get3A_629 = arith.index_cast %get3A_627 : i32 to index
      %get3A_630 = arith.index_cast %get3A_628 : i32 to index
      %get3A_631 = arith.constant 0 : index
      %get3A_632 = tpu.vector_load %arg9[%get3A_629, %get3A_630, %get3A_631] {strides = array<i32>} : memref<2x8x16xf32, #tpu.memory_space<vmem>>, vector<16xf32>,
      %mul3A_633 = arith.constant 1.600000e+01 : f32
      %mul3A_634 = vector.broadcast %mul3A_633 : f32 to vector<16xf32>
      %mul3A_635 = arith.mulf %get3A_632, %mul3A_634 : vector<16xf32>
      %jit3A_636 = arith.constant 0.000000e+00 : f32
      %jit3A_637 = arith.constant 1.500000e+01 : f32
      %max3A_638 = vector.broadcast %jit3A_636 : f32 to vector<16xf32>
      %max3A_639 = arith.maximumf %max3A_638, %mul3A_635 : vector<16xf32>
      %min3A_640 = vector.broadcast %jit3A_637 : f32 to vector<16xf32>
      %min3A_641 = arith.minimumf %min3A_640, %max3A_639 : vector<16xf32>
      %convert_element_type3A_642 = arith.fptosi %min3A_641 : vector<16xf32> to vector<16xi32>
      %mul3A_643 = arith.constant 1024 : i32
      %mul3A_644 = arith.muli %add3A, %mul3A_643 : i32
      %mul3A_645 = arith.constant 32 : i32
      %mul3A_646 = vector.broadcast %mul3A_645 : i32 to vector<16xi32>
      %mul3A_647 = arith.muli %convert_element_type3A_610, %mul3A_646 : vector<16xi32>
      %add3A_648 = vector.broadcast %mul3A_644 : i32 to vector<16xi32>
      %add3A_649 = arith.addi %add3A_648, %mul3A_647 : vector<16xi32>
      %add3A_650 = arith.addi %add3A_649, %convert_element_type3A_594 : vector<16xi32>
      %select_n3A_651 = arith.select %eq3A_33, %add3A_650, %broadcast_in_dim3A_34 : vector<16xi1>, vector<16xi32>
      %reduce_sum3A_652 = arith.constant true
      %reduce_sum3A_653 = vector.broadcast %reduce_sum3A_652 : i1 to vector<16xi1>
      %reduce_sum3A_654 = tpu.scan <sum>, %select_n3A_651 masked %reduce_sum3A_653 : vector<16xi32>, vector<16xi1> -> vector<16xi32>
      %reduce_sum3A_655 = vector.extract %reduce_sum3A_654[15] : i32 from vector<16xi32>
      %mul3A_656 = arith.constant 256 : i32
      %mul3A_657 = arith.muli %add3A, %mul3A_656 : i32
      %mul3A_658 = arith.constant 16 : i32
      %mul3A_659 = vector.broadcast %mul3A_658 : i32 to vector<16xi32>
      %mul3A_660 = arith.muli %convert_element_type3A_642, %mul3A_659 : vector<16xi32>
      %add3A_661 = vector.broadcast %mul3A_657 : i32 to vector<16xi32>
      %add3A_662 = arith.addi %add3A_661, %mul3A_660 : vector<16xi32>
      %add3A_663 = arith.addi %add3A_662, %convert_element_type3A_626 : vector<16xi32>
      %select_n3A_664 = arith.select %eq3A_33, %add3A_663, %broadcast_in_dim3A_34 : vector<16xi1>, vector<16xi32>
      %reduce_sum3A_665 = arith.constant true
      %reduce_sum3A_666 = vector.broadcast %reduce_sum3A_665 : i1 to vector<16xi1>
      %reduce_sum3A_667 = tpu.scan <sum>, %select_n3A_664 masked %reduce_sum3A_666 : vector<16xi32>, vector<16xi1> -> vector<16xi32>
      %reduce_sum3A_668 = vector.extract %reduce_sum3A_667[15] : i32 from vector<16xi32>
      %dma_start3A_669 = arith.constant 5 : i32
      %dma_start3A_670 = arith.constant 0 : i32
      %dma_start3A_671 = tpu.memref_slice %arg10[%dma_start3A_669, %dma_start3A_670] : memref<8x81xf32, #tpu.memory_space<vmem>> -> memref<1x81xf32, #tpu.memory_space<vmem>>
      %dma_start3A_672 = arith.constant 0 : i32
      %dma_start3A_673 = tpu.memref_slice %arg2[%reduce_sum3A_655, %dma_start3A_672] : memref<16384x81xf32, #tpu.memory_space<hbm>> -> memref<1x81xf32, #tpu.memory_space<hbm>>
      %dma_start3A_674 = arith.constant 5 : i32
      %dma_start3A_675 = arith.constant 0 : i32
      %dma_start3A_676 = tpu.memref_slice %arg10[%dma_start3A_674, %dma_start3A_675] : memref<8x81xf32, #tpu.memory_space<vmem>> -> memref<1x81xf32, #tpu.memory_space<vmem>>
      %dma_start3A_677 = arith.constant 0 : i32
      %dma_start3A_678 = tpu.memref_slice %arg2[%reduce_sum3A_655, %dma_start3A_677] : memref<16384x81xf32, #tpu.memory_space<hbm>> -> memref<1x81xf32, #tpu.memory_space<hbm>>
      tpu.enqueue_dma source(%dma_start3A_678 : memref<1x81xf32, #tpu.memory_space<hbm>>) target(%dma_start3A_676 : memref<1x81xf32, #tpu.memory_space<vmem>>) target_semaphore(%arg12 : memref<!tpu.dma_semaphore, #tpu.memory_space<semaphore_mem>>)
      %dma_start3A_679 = arith.constant 5 : i32
      %dma_start3A_680 = arith.constant 0 : i32
      %dma_start3A_681 = tpu.memref_slice %arg11[%dma_start3A_679, %dma_start3A_680] : memref<8x81xf32, #tpu.memory_space<vmem>> -> memref<1x81xf32, #tpu.memory_space<vmem>>
      %dma_start3A_682 = arith.constant 0 : i32
      %dma_start3A_683 = tpu.memref_slice %arg3[%reduce_sum3A_668, %dma_start3A_682] : memref<4096x81xf32, #tpu.memory_space<hbm>> -> memref<1x81xf32, #tpu.memory_space<hbm>>
      %dma_start3A_684 = arith.constant 5 : i32
      %dma_start3A_685 = arith.constant 0 : i32
      %dma_start3A_686 = tpu.memref_slice %arg11[%dma_start3A_684, %dma_start3A_685] : memref<8x81xf32, #tpu.memory_space<vmem>> -> memref<1x81xf32, #tpu.memory_space<vmem>>
      %dma_start3A_687 = arith.constant 0 : i32
      %dma_start3A_688 = tpu.memref_slice %arg3[%reduce_sum3A_668, %dma_start3A_687] : memref<4096x81xf32, #tpu.memory_space<hbm>> -> memref<1x81xf32, #tpu.memory_space<hbm>>
      tpu.enqueue_dma source(%dma_start3A_688 : memref<1x81xf32, #tpu.memory_space<hbm>>) target(%dma_start3A_686 : memref<1x81xf32, #tpu.memory_space<vmem>>) target_semaphore(%arg12 : memref<!tpu.dma_semaphore, #tpu.memory_space<semaphore_mem>>)
      %get3A_689 = arith.constant 0 : i32
      %get3A_690 = arith.constant 6 : i32
      %get3A_691 = arith.index_cast %get3A_689 : i32 to index
      %get3A_692 = arith.index_cast %get3A_690 : i32 to index
      %get3A_693 = arith.constant 0 : index
      %get3A_694 = tpu.vector_load %arg8[%get3A_691, %get3A_692, %get3A_693] {strides = array<i32>} : memref<2x8x16xf32, #tpu.memory_space<vmem>>, vector<16xf32>,
      %mul3A_695 = arith.constant 3.200000e+01 : f32
      %mul3A_696 = vector.broadcast %mul3A_695 : f32 to vector<16xf32>
      %mul3A_697 = arith.mulf %get3A_694, %mul3A_696 : vector<16xf32>
      %jit3A_698 = arith.constant 0.000000e+00 : f32
      %jit3A_699 = arith.constant 3.100000e+01 : f32
      %max3A_700 = vector.broadcast %jit3A_698 : f32 to vector<16xf32>
      %max3A_701 = arith.maximumf %max3A_700, %mul3A_697 : vector<16xf32>
      %min3A_702 = vector.broadcast %jit3A_699 : f32 to vector<16xf32>
      %min3A_703 = arith.minimumf %min3A_702, %max3A_701 : vector<16xf32>
      %convert_element_type3A_704 = arith.fptosi %min3A_703 : vector<16xf32> to vector<16xi32>
      %get3A_705 = arith.constant 1 : i32
      %get3A_706 = arith.constant 6 : i32
      %get3A_707 = arith.index_cast %get3A_705 : i32 to index
      %get3A_708 = arith.index_cast %get3A_706 : i32 to index
      %get3A_709 = arith.constant 0 : index
      %get3A_710 = tpu.vector_load %arg8[%get3A_707, %get3A_708, %get3A_709] {strides = array<i32>} : memref<2x8x16xf32, #tpu.memory_space<vmem>>, vector<16xf32>,
      %mul3A_711 = arith.constant 3.200000e+01 : f32
      %mul3A_712 = vector.broadcast %mul3A_711 : f32 to vector<16xf32>
      %mul3A_713 = arith.mulf %get3A_710, %mul3A_712 : vector<16xf32>
      %jit3A_714 = arith.constant 0.000000e+00 : f32
      %jit3A_715 = arith.constant 3.100000e+01 : f32
      %max3A_716 = vector.broadcast %jit3A_714 : f32 to vector<16xf32>
      %max3A_717 = arith.maximumf %max3A_716, %mul3A_713 : vector<16xf32>
      %min3A_718 = vector.broadcast %jit3A_715 : f32 to vector<16xf32>
      %min3A_719 = arith.minimumf %min3A_718, %max3A_717 : vector<16xf32>
      %convert_element_type3A_720 = arith.fptosi %min3A_719 : vector<16xf32> to vector<16xi32>
      %get3A_721 = arith.constant 0 : i32
      %get3A_722 = arith.constant 6 : i32
      %get3A_723 = arith.index_cast %get3A_721 : i32 to index
      %get3A_724 = arith.index_cast %get3A_722 : i32 to index
      %get3A_725 = arith.constant 0 : index
      %get3A_726 = tpu.vector_load %arg9[%get3A_723, %get3A_724, %get3A_725] {strides = array<i32>} : memref<2x8x16xf32, #tpu.memory_space<vmem>>, vector<16xf32>,
      %mul3A_727 = arith.constant 1.600000e+01 : f32
      %mul3A_728 = vector.broadcast %mul3A_727 : f32 to vector<16xf32>
      %mul3A_729 = arith.mulf %get3A_726, %mul3A_728 : vector<16xf32>
      %jit3A_730 = arith.constant 0.000000e+00 : f32
      %jit3A_731 = arith.constant 1.500000e+01 : f32
      %max3A_732 = vector.broadcast %jit3A_730 : f32 to vector<16xf32>
      %max3A_733 = arith.maximumf %max3A_732, %mul3A_729 : vector<16xf32>
      %min3A_734 = vector.broadcast %jit3A_731 : f32 to vector<16xf32>
      %min3A_735 = arith.minimumf %min3A_734, %max3A_733 : vector<16xf32>
      %convert_element_type3A_736 = arith.fptosi %min3A_735 : vector<16xf32> to vector<16xi32>
      %get3A_737 = arith.constant 1 : i32
      %get3A_738 = arith.constant 6 : i32
      %get3A_739 = arith.index_cast %get3A_737 : i32 to index
      %get3A_740 = arith.index_cast %get3A_738 : i32 to index
      %get3A_741 = arith.constant 0 : index
      %get3A_742 = tpu.vector_load %arg9[%get3A_739, %get3A_740, %get3A_741] {strides = array<i32>} : memref<2x8x16xf32, #tpu.memory_space<vmem>>, vector<16xf32>,
      %mul3A_743 = arith.constant 1.600000e+01 : f32
      %mul3A_744 = vector.broadcast %mul3A_743 : f32 to vector<16xf32>
      %mul3A_745 = arith.mulf %get3A_742, %mul3A_744 : vector<16xf32>
      %jit3A_746 = arith.constant 0.000000e+00 : f32
      %jit3A_747 = arith.constant 1.500000e+01 : f32
      %max3A_748 = vector.broadcast %jit3A_746 : f32 to vector<16xf32>
      %max3A_749 = arith.maximumf %max3A_748, %mul3A_745 : vector<16xf32>
      %min3A_750 = vector.broadcast %jit3A_747 : f32 to vector<16xf32>
      %min3A_751 = arith.minimumf %min3A_750, %max3A_749 : vector<16xf32>
      %convert_element_type3A_752 = arith.fptosi %min3A_751 : vector<16xf32> to vector<16xi32>
      %mul3A_753 = arith.constant 1024 : i32
      %mul3A_754 = arith.muli %add3A, %mul3A_753 : i32
      %mul3A_755 = arith.constant 32 : i32
      %mul3A_756 = vector.broadcast %mul3A_755 : i32 to vector<16xi32>
      %mul3A_757 = arith.muli %convert_element_type3A_720, %mul3A_756 : vector<16xi32>
      %add3A_758 = vector.broadcast %mul3A_754 : i32 to vector<16xi32>
      %add3A_759 = arith.addi %add3A_758, %mul3A_757 : vector<16xi32>
      %add3A_760 = arith.addi %add3A_759, %convert_element_type3A_704 : vector<16xi32>
      %select_n3A_761 = arith.select %eq3A_33, %add3A_760, %broadcast_in_dim3A_34 : vector<16xi1>, vector<16xi32>
      %reduce_sum3A_762 = arith.constant true
      %reduce_sum3A_763 = vector.broadcast %reduce_sum3A_762 : i1 to vector<16xi1>
      %reduce_sum3A_764 = tpu.scan <sum>, %select_n3A_761 masked %reduce_sum3A_763 : vector<16xi32>, vector<16xi1> -> vector<16xi32>
      %reduce_sum3A_765 = vector.extract %reduce_sum3A_764[15] : i32 from vector<16xi32>
      %mul3A_766 = arith.constant 256 : i32
      %mul3A_767 = arith.muli %add3A, %mul3A_766 : i32
      %mul3A_768 = arith.constant 16 : i32
      %mul3A_769 = vector.broadcast %mul3A_768 : i32 to vector<16xi32>
      %mul3A_770 = arith.muli %convert_element_type3A_752, %mul3A_769 : vector<16xi32>
      %add3A_771 = vector.broadcast %mul3A_767 : i32 to vector<16xi32>
      %add3A_772 = arith.addi %add3A_771, %mul3A_770 : vector<16xi32>
      %add3A_773 = arith.addi %add3A_772, %convert_element_type3A_736 : vector<16xi32>
      %select_n3A_774 = arith.select %eq3A_33, %add3A_773, %broadcast_in_dim3A_34 : vector<16xi1>, vector<16xi32>
      %reduce_sum3A_775 = arith.constant true
      %reduce_sum3A_776 = vector.broadcast %reduce_sum3A_775 : i1 to vector<16xi1>
      %reduce_sum3A_777 = tpu.scan <sum>, %select_n3A_774 masked %reduce_sum3A_776 : vector<16xi32>, vector<16xi1> -> vector<16xi32>
      %reduce_sum3A_778 = vector.extract %reduce_sum3A_777[15] : i32 from vector<16xi32>
      %dma_start3A_779 = arith.constant 6 : i32
      %dma_start3A_780 = arith.constant 0 : i32
      %dma_start3A_781 = tpu.memref_slice %arg10[%dma_start3A_779, %dma_start3A_780] : memref<8x81xf32, #tpu.memory_space<vmem>> -> memref<1x81xf32, #tpu.memory_space<vmem>>
      %dma_start3A_782 = arith.constant 0 : i32
      %dma_start3A_783 = tpu.memref_slice %arg2[%reduce_sum3A_765, %dma_start3A_782] : memref<16384x81xf32, #tpu.memory_space<hbm>> -> memref<1x81xf32, #tpu.memory_space<hbm>>
      %dma_start3A_784 = arith.constant 6 : i32
      %dma_start3A_785 = arith.constant 0 : i32
      %dma_start3A_786 = tpu.memref_slice %arg10[%dma_start3A_784, %dma_start3A_785] : memref<8x81xf32, #tpu.memory_space<vmem>> -> memref<1x81xf32, #tpu.memory_space<vmem>>
      %dma_start3A_787 = arith.constant 0 : i32
      %dma_start3A_788 = tpu.memref_slice %arg2[%reduce_sum3A_765, %dma_start3A_787] : memref<16384x81xf32, #tpu.memory_space<hbm>> -> memref<1x81xf32, #tpu.memory_space<hbm>>
      tpu.enqueue_dma source(%dma_start3A_788 : memref<1x81xf32, #tpu.memory_space<hbm>>) target(%dma_start3A_786 : memref<1x81xf32, #tpu.memory_space<vmem>>) target_semaphore(%arg12 : memref<!tpu.dma_semaphore, #tpu.memory_space<semaphore_mem>>)
      %dma_start3A_789 = arith.constant 6 : i32
      %dma_start3A_790 = arith.constant 0 : i32
      %dma_start3A_791 = tpu.memref_slice %arg11[%dma_start3A_789, %dma_start3A_790] : memref<8x81xf32, #tpu.memory_space<vmem>> -> memref<1x81xf32, #tpu.memory_space<vmem>>
      %dma_start3A_792 = arith.constant 0 : i32
      %dma_start3A_793 = tpu.memref_slice %arg3[%reduce_sum3A_778, %dma_start3A_792] : memref<4096x81xf32, #tpu.memory_space<hbm>> -> memref<1x81xf32, #tpu.memory_space<hbm>>
      %dma_start3A_794 = arith.constant 6 : i32
      %dma_start3A_795 = arith.constant 0 : i32
      %dma_start3A_796 = tpu.memref_slice %arg11[%dma_start3A_794, %dma_start3A_795] : memref<8x81xf32, #tpu.memory_space<vmem>> -> memref<1x81xf32, #tpu.memory_space<vmem>>
      %dma_start3A_797 = arith.constant 0 : i32
      %dma_start3A_798 = tpu.memref_slice %arg3[%reduce_sum3A_778, %dma_start3A_797] : memref<4096x81xf32, #tpu.memory_space<hbm>> -> memref<1x81xf32, #tpu.memory_space<hbm>>
      tpu.enqueue_dma source(%dma_start3A_798 : memref<1x81xf32, #tpu.memory_space<hbm>>) target(%dma_start3A_796 : memref<1x81xf32, #tpu.memory_space<vmem>>) target_semaphore(%arg12 : memref<!tpu.dma_semaphore, #tpu.memory_space<semaphore_mem>>)
      %get3A_799 = arith.constant 0 : i32
      %get3A_800 = arith.constant 7 : i32
      %get3A_801 = arith.index_cast %get3A_799 : i32 to index
      %get3A_802 = arith.index_cast %get3A_800 : i32 to index
      %get3A_803 = arith.constant 0 : index
      %get3A_804 = tpu.vector_load %arg8[%get3A_801, %get3A_802, %get3A_803] {strides = array<i32>} : memref<2x8x16xf32, #tpu.memory_space<vmem>>, vector<16xf32>,
      %mul3A_805 = arith.constant 3.200000e+01 : f32
      %mul3A_806 = vector.broadcast %mul3A_805 : f32 to vector<16xf32>
      %mul3A_807 = arith.mulf %get3A_804, %mul3A_806 : vector<16xf32>
      %jit3A_808 = arith.constant 0.000000e+00 : f32
      %jit3A_809 = arith.constant 3.100000e+01 : f32
      %max3A_810 = vector.broadcast %jit3A_808 : f32 to vector<16xf32>
      %max3A_811 = arith.maximumf %max3A_810, %mul3A_807 : vector<16xf32>
      %min3A_812 = vector.broadcast %jit3A_809 : f32 to vector<16xf32>
      %min3A_813 = arith.minimumf %min3A_812, %max3A_811 : vector<16xf32>
      %convert_element_type3A_814 = arith.fptosi %min3A_813 : vector<16xf32> to vector<16xi32>
      %get3A_815 = arith.constant 1 : i32
      %get3A_816 = arith.constant 7 : i32
      %get3A_817 = arith.index_cast %get3A_815 : i32 to index
      %get3A_818 = arith.index_cast %get3A_816 : i32 to index
      %get3A_819 = arith.constant 0 : index
      %get3A_820 = tpu.vector_load %arg8[%get3A_817, %get3A_818, %get3A_819] {strides = array<i32>} : memref<2x8x16xf32, #tpu.memory_space<vmem>>, vector<16xf32>,
      %mul3A_821 = arith.constant 3.200000e+01 : f32
      %mul3A_822 = vector.broadcast %mul3A_821 : f32 to vector<16xf32>
      %mul3A_823 = arith.mulf %get3A_820, %mul3A_822 : vector<16xf32>
      %jit3A_824 = arith.constant 0.000000e+00 : f32
      %jit3A_825 = arith.constant 3.100000e+01 : f32
      %max3A_826 = vector.broadcast %jit3A_824 : f32 to vector<16xf32>
      %max3A_827 = arith.maximumf %max3A_826, %mul3A_823 : vector<16xf32>
      %min3A_828 = vector.broadcast %jit3A_825 : f32 to vector<16xf32>
      %min3A_829 = arith.minimumf %min3A_828, %max3A_827 : vector<16xf32>
      %convert_element_type3A_830 = arith.fptosi %min3A_829 : vector<16xf32> to vector<16xi32>
      %get3A_831 = arith.constant 0 : i32
      %get3A_832 = arith.constant 7 : i32
      %get3A_833 = arith.index_cast %get3A_831 : i32 to index
      %get3A_834 = arith.index_cast %get3A_832 : i32 to index
      %get3A_835 = arith.constant 0 : index
      %get3A_836 = tpu.vector_load %arg9[%get3A_833, %get3A_834, %get3A_835] {strides = array<i32>} : memref<2x8x16xf32, #tpu.memory_space<vmem>>, vector<16xf32>,
      %mul3A_837 = arith.constant 1.600000e+01 : f32
      %mul3A_838 = vector.broadcast %mul3A_837 : f32 to vector<16xf32>
      %mul3A_839 = arith.mulf %get3A_836, %mul3A_838 : vector<16xf32>
      %jit3A_840 = arith.constant 0.000000e+00 : f32
      %jit3A_841 = arith.constant 1.500000e+01 : f32
      %max3A_842 = vector.broadcast %jit3A_840 : f32 to vector<16xf32>
      %max3A_843 = arith.maximumf %max3A_842, %mul3A_839 : vector<16xf32>
      %min3A_844 = vector.broadcast %jit3A_841 : f32 to vector<16xf32>
      %min3A_845 = arith.minimumf %min3A_844, %max3A_843 : vector<16xf32>
      %convert_element_type3A_846 = arith.fptosi %min3A_845 : vector<16xf32> to vector<16xi32>
      %get3A_847 = arith.constant 1 : i32
      %get3A_848 = arith.constant 7 : i32
      %get3A_849 = arith.index_cast %get3A_847 : i32 to index
      %get3A_850 = arith.index_cast %get3A_848 : i32 to index
      %get3A_851 = arith.constant 0 : index
      %get3A_852 = tpu.vector_load %arg9[%get3A_849, %get3A_850, %get3A_851] {strides = array<i32>} : memref<2x8x16xf32, #tpu.memory_space<vmem>>, vector<16xf32>,
      %mul3A_853 = arith.constant 1.600000e+01 : f32
      %mul3A_854 = vector.broadcast %mul3A_853 : f32 to vector<16xf32>
      %mul3A_855 = arith.mulf %get3A_852, %mul3A_854 : vector<16xf32>
      %jit3A_856 = arith.constant 0.000000e+00 : f32
      %jit3A_857 = arith.constant 1.500000e+01 : f32
      %max3A_858 = vector.broadcast %jit3A_856 : f32 to vector<16xf32>
      %max3A_859 = arith.maximumf %max3A_858, %mul3A_855 : vector<16xf32>
      %min3A_860 = vector.broadcast %jit3A_857 : f32 to vector<16xf32>
      %min3A_861 = arith.minimumf %min3A_860, %max3A_859 : vector<16xf32>
      %convert_element_type3A_862 = arith.fptosi %min3A_861 : vector<16xf32> to vector<16xi32>
      %mul3A_863 = arith.constant 1024 : i32
      %mul3A_864 = arith.muli %add3A, %mul3A_863 : i32
      %mul3A_865 = arith.constant 32 : i32
      %mul3A_866 = vector.broadcast %mul3A_865 : i32 to vector<16xi32>
      %mul3A_867 = arith.muli %convert_element_type3A_830, %mul3A_866 : vector<16xi32>
      %add3A_868 = vector.broadcast %mul3A_864 : i32 to vector<16xi32>
      %add3A_869 = arith.addi %add3A_868, %mul3A_867 : vector<16xi32>
      %add3A_870 = arith.addi %add3A_869, %convert_element_type3A_814 : vector<16xi32>
      %select_n3A_871 = arith.select %eq3A_33, %add3A_870, %broadcast_in_dim3A_34 : vector<16xi1>, vector<16xi32>
      %reduce_sum3A_872 = arith.constant true
      %reduce_sum3A_873 = vector.broadcast %reduce_sum3A_872 : i1 to vector<16xi1>
      %reduce_sum3A_874 = tpu.scan <sum>, %select_n3A_871 masked %reduce_sum3A_873 : vector<16xi32>, vector<16xi1> -> vector<16xi32>
      %reduce_sum3A_875 = vector.extract %reduce_sum3A_874[15] : i32 from vector<16xi32>
      %mul3A_876 = arith.constant 256 : i32
      %mul3A_877 = arith.muli %add3A, %mul3A_876 : i32
      %mul3A_878 = arith.constant 16 : i32
      %mul3A_879 = vector.broadcast %mul3A_878 : i32 to vector<16xi32>
      %mul3A_880 = arith.muli %convert_element_type3A_862, %mul3A_879 : vector<16xi32>
      %add3A_881 = vector.broadcast %mul3A_877 : i32 to vector<16xi32>
      %add3A_882 = arith.addi %add3A_881, %mul3A_880 : vector<16xi32>
      %add3A_883 = arith.addi %add3A_882, %convert_element_type3A_846 : vector<16xi32>
      %select_n3A_884 = arith.select %eq3A_33, %add3A_883, %broadcast_in_dim3A_34 : vector<16xi1>, vector<16xi32>
      %reduce_sum3A_885 = arith.constant true
      %reduce_sum3A_886 = vector.broadcast %reduce_sum3A_885 : i1 to vector<16xi1>
      %reduce_sum3A_887 = tpu.scan <sum>, %select_n3A_884 masked %reduce_sum3A_886 : vector<16xi32>, vector<16xi1> -> vector<16xi32>
      %reduce_sum3A_888 = vector.extract %reduce_sum3A_887[15] : i32 from vector<16xi32>
      %dma_start3A_889 = arith.constant 7 : i32
      %dma_start3A_890 = arith.constant 0 : i32
      %dma_start3A_891 = tpu.memref_slice %arg10[%dma_start3A_889, %dma_start3A_890] : memref<8x81xf32, #tpu.memory_space<vmem>> -> memref<1x81xf32, #tpu.memory_space<vmem>>
      %dma_start3A_892 = arith.constant 0 : i32
      %dma_start3A_893 = tpu.memref_slice %arg2[%reduce_sum3A_875, %dma_start3A_892] : memref<16384x81xf32, #tpu.memory_space<hbm>> -> memref<1x81xf32, #tpu.memory_space<hbm>>
      %dma_start3A_894 = arith.constant 7 : i32
      %dma_start3A_895 = arith.constant 0 : i32
      %dma_start3A_896 = tpu.memref_slice %arg10[%dma_start3A_894, %dma_start3A_895] : memref<8x81xf32, #tpu.memory_space<vmem>> -> memref<1x81xf32, #tpu.memory_space<vmem>>
      %dma_start3A_897 = arith.constant 0 : i32
      %dma_start3A_898 = tpu.memref_slice %arg2[%reduce_sum3A_875, %dma_start3A_897] : memref<16384x81xf32, #tpu.memory_space<hbm>> -> memref<1x81xf32, #tpu.memory_space<hbm>>
      tpu.enqueue_dma source(%dma_start3A_898 : memref<1x81xf32, #tpu.memory_space<hbm>>) target(%dma_start3A_896 : memref<1x81xf32, #tpu.memory_space<vmem>>) target_semaphore(%arg12 : memref<!tpu.dma_semaphore, #tpu.memory_space<semaphore_mem>>)
      %dma_start3A_899 = arith.constant 7 : i32
      %dma_start3A_900 = arith.constant 0 : i32
      %dma_start3A_901 = tpu.memref_slice %arg11[%dma_start3A_899, %dma_start3A_900] : memref<8x81xf32, #tpu.memory_space<vmem>> -> memref<1x81xf32, #tpu.memory_space<vmem>>
      %dma_start3A_902 = arith.constant 0 : i32
      %dma_start3A_903 = tpu.memref_slice %arg3[%reduce_sum3A_888, %dma_start3A_902] : memref<4096x81xf32, #tpu.memory_space<hbm>> -> memref<1x81xf32, #tpu.memory_space<hbm>>
      %dma_start3A_904 = arith.constant 7 : i32
      %dma_start3A_905 = arith.constant 0 : i32
      %dma_start3A_906 = tpu.memref_slice %arg11[%dma_start3A_904, %dma_start3A_905] : memref<8x81xf32, #tpu.memory_space<vmem>> -> memref<1x81xf32, #tpu.memory_space<vmem>>
      %dma_start3A_907 = arith.constant 0 : i32
      %dma_start3A_908 = tpu.memref_slice %arg3[%reduce_sum3A_888, %dma_start3A_907] : memref<4096x81xf32, #tpu.memory_space<hbm>> -> memref<1x81xf32, #tpu.memory_space<hbm>>
      tpu.enqueue_dma source(%dma_start3A_908 : memref<1x81xf32, #tpu.memory_space<hbm>>) target(%dma_start3A_906 : memref<1x81xf32, #tpu.memory_space<vmem>>) target_semaphore(%arg12 : memref<!tpu.dma_semaphore, #tpu.memory_space<semaphore_mem>>)
      %dma_wait3A_909 = arith.constant 0 : i32
      %dma_wait3A_910 = arith.constant 0 : i32
      %dma_wait3A_911 = tpu.memref_slice %arg10[%dma_wait3A_909, %dma_wait3A_910] : memref<8x81xf32, #tpu.memory_space<vmem>> -> memref<1x81xf32, #tpu.memory_space<vmem>>
      %dma_wait3A_912 = arith.constant 0 : i32
      %dma_wait3A_913 = tpu.memref_slice %arg2[%reduce_sum3A_105, %dma_wait3A_912] : memref<16384x81xf32, #tpu.memory_space<hbm>> -> memref<1x81xf32, #tpu.memory_space<hbm>>
      %dma_wait3A_914 = arith.constant 0 : i32
      %dma_wait3A_915 = arith.constant 0 : i32
      %dma_wait3A_916 = tpu.memref_slice %arg10[%dma_wait3A_914, %dma_wait3A_915] : memref<8x81xf32, #tpu.memory_space<vmem>> -> memref<1x81xf32, #tpu.memory_space<vmem>>
      %dma_wait3A_917 = arith.constant 0 : i32
      %dma_wait3A_918 = tpu.memref_slice %arg2[%reduce_sum3A_105, %dma_wait3A_917] : memref<16384x81xf32, #tpu.memory_space<hbm>> -> memref<1x81xf32, #tpu.memory_space<hbm>>
      tpu.wait_dma2 semaphore(%arg12 : memref<!tpu.dma_semaphore, #tpu.memory_space<semaphore_mem>>) src(%dma_wait3A_918 : memref<1x81xf32, #tpu.memory_space<hbm>>) dst(%dma_wait3A_916 : memref<1x81xf32, #tpu.memory_space<vmem>>)
      %dma_wait3A_919 = arith.constant 0 : i32
      %dma_wait3A_920 = arith.constant 0 : i32
      %dma_wait3A_921 = tpu.memref_slice %arg11[%dma_wait3A_919, %dma_wait3A_920] : memref<8x81xf32, #tpu.memory_space<vmem>> -> memref<1x81xf32, #tpu.memory_space<vmem>>
      %dma_wait3A_922 = arith.constant 0 : i32
      %dma_wait3A_923 = tpu.memref_slice %arg3[%reduce_sum3A_118, %dma_wait3A_922] : memref<4096x81xf32, #tpu.memory_space<hbm>> -> memref<1x81xf32, #tpu.memory_space<hbm>>
      %dma_wait3A_924 = arith.constant 0 : i32
      %dma_wait3A_925 = arith.constant 0 : i32
      %dma_wait3A_926 = tpu.memref_slice %arg11[%dma_wait3A_924, %dma_wait3A_925] : memref<8x81xf32, #tpu.memory_space<vmem>> -> memref<1x81xf32, #tpu.memory_space<vmem>>
      %dma_wait3A_927 = arith.constant 0 : i32
      %dma_wait3A_928 = tpu.memref_slice %arg3[%reduce_sum3A_118, %dma_wait3A_927] : memref<4096x81xf32, #tpu.memory_space<hbm>> -> memref<1x81xf32, #tpu.memory_space<hbm>>
      tpu.wait_dma2 semaphore(%arg12 : memref<!tpu.dma_semaphore, #tpu.memory_space<semaphore_mem>>) src(%dma_wait3A_928 : memref<1x81xf32, #tpu.memory_space<hbm>>) dst(%dma_wait3A_926 : memref<1x81xf32, #tpu.memory_space<vmem>>)
      %dma_wait3A_929 = arith.constant 1 : i32
      %dma_wait3A_930 = arith.constant 0 : i32
      %dma_wait3A_931 = tpu.memref_slice %arg10[%dma_wait3A_929, %dma_wait3A_930] : memref<8x81xf32, #tpu.memory_space<vmem>> -> memref<1x81xf32, #tpu.memory_space<vmem>>
      %dma_wait3A_932 = arith.constant 0 : i32
      %dma_wait3A_933 = tpu.memref_slice %arg2[%reduce_sum3A_215, %dma_wait3A_932] : memref<16384x81xf32, #tpu.memory_space<hbm>> -> memref<1x81xf32, #tpu.memory_space<hbm>>
      %dma_wait3A_934 = arith.constant 1 : i32
      %dma_wait3A_935 = arith.constant 0 : i32
      %dma_wait3A_936 = tpu.memref_slice %arg10[%dma_wait3A_934, %dma_wait3A_935] : memref<8x81xf32, #tpu.memory_space<vmem>> -> memref<1x81xf32, #tpu.memory_space<vmem>>
      %dma_wait3A_937 = arith.constant 0 : i32
      %dma_wait3A_938 = tpu.memref_slice %arg2[%reduce_sum3A_215, %dma_wait3A_937] : memref<16384x81xf32, #tpu.memory_space<hbm>> -> memref<1x81xf32, #tpu.memory_space<hbm>>
      tpu.wait_dma2 semaphore(%arg12 : memref<!tpu.dma_semaphore, #tpu.memory_space<semaphore_mem>>) src(%dma_wait3A_938 : memref<1x81xf32, #tpu.memory_space<hbm>>) dst(%dma_wait3A_936 : memref<1x81xf32, #tpu.memory_space<vmem>>)
      %dma_wait3A_939 = arith.constant 1 : i32
      %dma_wait3A_940 = arith.constant 0 : i32
      %dma_wait3A_941 = tpu.memref_slice %arg11[%dma_wait3A_939, %dma_wait3A_940] : memref<8x81xf32, #tpu.memory_space<vmem>> -> memref<1x81xf32, #tpu.memory_space<vmem>>
      %dma_wait3A_942 = arith.constant 0 : i32
      %dma_wait3A_943 = tpu.memref_slice %arg3[%reduce_sum3A_228, %dma_wait3A_942] : memref<4096x81xf32, #tpu.memory_space<hbm>> -> memref<1x81xf32, #tpu.memory_space<hbm>>
      %dma_wait3A_944 = arith.constant 1 : i32
      %dma_wait3A_945 = arith.constant 0 : i32
      %dma_wait3A_946 = tpu.memref_slice %arg11[%dma_wait3A_944, %dma_wait3A_945] : memref<8x81xf32, #tpu.memory_space<vmem>> -> memref<1x81xf32, #tpu.memory_space<vmem>>
      %dma_wait3A_947 = arith.constant 0 : i32
      %dma_wait3A_948 = tpu.memref_slice %arg3[%reduce_sum3A_228, %dma_wait3A_947] : memref<4096x81xf32, #tpu.memory_space<hbm>> -> memref<1x81xf32, #tpu.memory_space<hbm>>
      tpu.wait_dma2 semaphore(%arg12 : memref<!tpu.dma_semaphore, #tpu.memory_space<semaphore_mem>>) src(%dma_wait3A_948 : memref<1x81xf32, #tpu.memory_space<hbm>>) dst(%dma_wait3A_946 : memref<1x81xf32, #tpu.memory_space<vmem>>)
      %dma_wait3A_949 = arith.constant 2 : i32
      %dma_wait3A_950 = arith.constant 0 : i32
      %dma_wait3A_951 = tpu.memref_slice %arg10[%dma_wait3A_949, %dma_wait3A_950] : memref<8x81xf32, #tpu.memory_space<vmem>> -> memref<1x81xf32, #tpu.memory_space<vmem>>
      %dma_wait3A_952 = arith.constant 0 : i32
      %dma_wait3A_953 = tpu.memref_slice %arg2[%reduce_sum3A_325, %dma_wait3A_952] : memref<16384x81xf32, #tpu.memory_space<hbm>> -> memref<1x81xf32, #tpu.memory_space<hbm>>
      %dma_wait3A_954 = arith.constant 2 : i32
      %dma_wait3A_955 = arith.constant 0 : i32
      %dma_wait3A_956 = tpu.memref_slice %arg10[%dma_wait3A_954, %dma_wait3A_955] : memref<8x81xf32, #tpu.memory_space<vmem>> -> memref<1x81xf32, #tpu.memory_space<vmem>>
      %dma_wait3A_957 = arith.constant 0 : i32
      %dma_wait3A_958 = tpu.memref_slice %arg2[%reduce_sum3A_325, %dma_wait3A_957] : memref<16384x81xf32, #tpu.memory_space<hbm>> -> memref<1x81xf32, #tpu.memory_space<hbm>>
      tpu.wait_dma2 semaphore(%arg12 : memref<!tpu.dma_semaphore, #tpu.memory_space<semaphore_mem>>) src(%dma_wait3A_958 : memref<1x81xf32, #tpu.memory_space<hbm>>) dst(%dma_wait3A_956 : memref<1x81xf32, #tpu.memory_space<vmem>>)
      %dma_wait3A_959 = arith.constant 2 : i32
      %dma_wait3A_960 = arith.constant 0 : i32
      %dma_wait3A_961 = tpu.memref_slice %arg11[%dma_wait3A_959, %dma_wait3A_960] : memref<8x81xf32, #tpu.memory_space<vmem>> -> memref<1x81xf32, #tpu.memory_space<vmem>>
      %dma_wait3A_962 = arith.constant 0 : i32
      %dma_wait3A_963 = tpu.memref_slice %arg3[%reduce_sum3A_338, %dma_wait3A_962] : memref<4096x81xf32, #tpu.memory_space<hbm>> -> memref<1x81xf32, #tpu.memory_space<hbm>>
      %dma_wait3A_964 = arith.constant 2 : i32
      %dma_wait3A_965 = arith.constant 0 : i32
      %dma_wait3A_966 = tpu.memref_slice %arg11[%dma_wait3A_964, %dma_wait3A_965] : memref<8x81xf32, #tpu.memory_space<vmem>> -> memref<1x81xf32, #tpu.memory_space<vmem>>
      %dma_wait3A_967 = arith.constant 0 : i32
      %dma_wait3A_968 = tpu.memref_slice %arg3[%reduce_sum3A_338, %dma_wait3A_967] : memref<4096x81xf32, #tpu.memory_space<hbm>> -> memref<1x81xf32, #tpu.memory_space<hbm>>
      tpu.wait_dma2 semaphore(%arg12 : memref<!tpu.dma_semaphore, #tpu.memory_space<semaphore_mem>>) src(%dma_wait3A_968 : memref<1x81xf32, #tpu.memory_space<hbm>>) dst(%dma_wait3A_966 : memref<1x81xf32, #tpu.memory_space<vmem>>)
      %dma_wait3A_969 = arith.constant 3 : i32
      %dma_wait3A_970 = arith.constant 0 : i32
      %dma_wait3A_971 = tpu.memref_slice %arg10[%dma_wait3A_969, %dma_wait3A_970] : memref<8x81xf32, #tpu.memory_space<vmem>> -> memref<1x81xf32, #tpu.memory_space<vmem>>
      %dma_wait3A_972 = arith.constant 0 : i32
      %dma_wait3A_973 = tpu.memref_slice %arg2[%reduce_sum3A_435, %dma_wait3A_972] : memref<16384x81xf32, #tpu.memory_space<hbm>> -> memref<1x81xf32, #tpu.memory_space<hbm>>
      %dma_wait3A_974 = arith.constant 3 : i32
      %dma_wait3A_975 = arith.constant 0 : i32
      %dma_wait3A_976 = tpu.memref_slice %arg10[%dma_wait3A_974, %dma_wait3A_975] : memref<8x81xf32, #tpu.memory_space<vmem>> -> memref<1x81xf32, #tpu.memory_space<vmem>>
      %dma_wait3A_977 = arith.constant 0 : i32
      %dma_wait3A_978 = tpu.memref_slice %arg2[%reduce_sum3A_435, %dma_wait3A_977] : memref<16384x81xf32, #tpu.memory_space<hbm>> -> memref<1x81xf32, #tpu.memory_space<hbm>>
      tpu.wait_dma2 semaphore(%arg12 : memref<!tpu.dma_semaphore, #tpu.memory_space<semaphore_mem>>) src(%dma_wait3A_978 : memref<1x81xf32, #tpu.memory_space<hbm>>) dst(%dma_wait3A_976 : memref<1x81xf32, #tpu.memory_space<vmem>>)
      %dma_wait3A_979 = arith.constant 3 : i32
      %dma_wait3A_980 = arith.constant 0 : i32
      %dma_wait3A_981 = tpu.memref_slice %arg11[%dma_wait3A_979, %dma_wait3A_980] : memref<8x81xf32, #tpu.memory_space<vmem>> -> memref<1x81xf32, #tpu.memory_space<vmem>>
      %dma_wait3A_982 = arith.constant 0 : i32
      %dma_wait3A_983 = tpu.memref_slice %arg3[%reduce_sum3A_448, %dma_wait3A_982] : memref<4096x81xf32, #tpu.memory_space<hbm>> -> memref<1x81xf32, #tpu.memory_space<hbm>>
      %dma_wait3A_984 = arith.constant 3 : i32
      %dma_wait3A_985 = arith.constant 0 : i32
      %dma_wait3A_986 = tpu.memref_slice %arg11[%dma_wait3A_984, %dma_wait3A_985] : memref<8x81xf32, #tpu.memory_space<vmem>> -> memref<1x81xf32, #tpu.memory_space<vmem>>
      %dma_wait3A_987 = arith.constant 0 : i32
      %dma_wait3A_988 = tpu.memref_slice %arg3[%reduce_sum3A_448, %dma_wait3A_987] : memref<4096x81xf32, #tpu.memory_space<hbm>> -> memref<1x81xf32, #tpu.memory_space<hbm>>
      tpu.wait_dma2 semaphore(%arg12 : memref<!tpu.dma_semaphore, #tpu.memory_space<semaphore_mem>>) src(%dma_wait3A_988 : memref<1x81xf32, #tpu.memory_space<hbm>>) dst(%dma_wait3A_986 : memref<1x81xf32, #tpu.memory_space<vmem>>)
      %dma_wait3A_989 = arith.constant 4 : i32
      %dma_wait3A_990 = arith.constant 0 : i32
      %dma_wait3A_991 = tpu.memref_slice %arg10[%dma_wait3A_989, %dma_wait3A_990] : memref<8x81xf32, #tpu.memory_space<vmem>> -> memref<1x81xf32, #tpu.memory_space<vmem>>
      %dma_wait3A_992 = arith.constant 0 : i32
      %dma_wait3A_993 = tpu.memref_slice %arg2[%reduce_sum3A_545, %dma_wait3A_992] : memref<16384x81xf32, #tpu.memory_space<hbm>> -> memref<1x81xf32, #tpu.memory_space<hbm>>
      %dma_wait3A_994 = arith.constant 4 : i32
      %dma_wait3A_995 = arith.constant 0 : i32
      %dma_wait3A_996 = tpu.memref_slice %arg10[%dma_wait3A_994, %dma_wait3A_995] : memref<8x81xf32, #tpu.memory_space<vmem>> -> memref<1x81xf32, #tpu.memory_space<vmem>>
      %dma_wait3A_997 = arith.constant 0 : i32
      %dma_wait3A_998 = tpu.memref_slice %arg2[%reduce_sum3A_545, %dma_wait3A_997] : memref<16384x81xf32, #tpu.memory_space<hbm>> -> memref<1x81xf32, #tpu.memory_space<hbm>>
      tpu.wait_dma2 semaphore(%arg12 : memref<!tpu.dma_semaphore, #tpu.memory_space<semaphore_mem>>) src(%dma_wait3A_998 : memref<1x81xf32, #tpu.memory_space<hbm>>) dst(%dma_wait3A_996 : memref<1x81xf32, #tpu.memory_space<vmem>>)
      %dma_wait3A_999 = arith.constant 4 : i32
      %dma_wait3A_1000 = arith.constant 0 : i32
      %dma_wait3A_1001 = tpu.memref_slice %arg11[%dma_wait3A_999, %dma_wait3A_1000] : memref<8x81xf32, #tpu.memory_space<vmem>> -> memref<1x81xf32, #tpu.memory_space<vmem>>
      %dma_wait3A_1002 = arith.constant 0 : i32
      %dma_wait3A_1003 = tpu.memref_slice %arg3[%reduce_sum3A_558, %dma_wait3A_1002] : memref<4096x81xf32, #tpu.memory_space<hbm>> -> memref<1x81xf32, #tpu.memory_space<hbm>>
      %dma_wait3A_1004 = arith.constant 4 : i32
      %dma_wait3A_1005 = arith.constant 0 : i32
      %dma_wait3A_1006 = tpu.memref_slice %arg11[%dma_wait3A_1004, %dma_wait3A_1005] : memref<8x81xf32, #tpu.memory_space<vmem>> -> memref<1x81xf32, #tpu.memory_space<vmem>>
      %dma_wait3A_1007 = arith.constant 0 : i32
      %dma_wait3A_1008 = tpu.memref_slice %arg3[%reduce_sum3A_558, %dma_wait3A_1007] : memref<4096x81xf32, #tpu.memory_space<hbm>> -> memref<1x81xf32, #tpu.memory_space<hbm>>
      tpu.wait_dma2 semaphore(%arg12 : memref<!tpu.dma_semaphore, #tpu.memory_space<semaphore_mem>>) src(%dma_wait3A_1008 : memref<1x81xf32, #tpu.memory_space<hbm>>) dst(%dma_wait3A_1006 : memref<1x81xf32, #tpu.memory_space<vmem>>)
      %dma_wait3A_1009 = arith.constant 5 : i32
      %dma_wait3A_1010 = arith.constant 0 : i32
      %dma_wait3A_1011 = tpu.memref_slice %arg10[%dma_wait3A_1009, %dma_wait3A_1010] : memref<8x81xf32, #tpu.memory_space<vmem>> -> memref<1x81xf32, #tpu.memory_space<vmem>>
      %dma_wait3A_1012 = arith.constant 0 : i32
      %dma_wait3A_1013 = tpu.memref_slice %arg2[%reduce_sum3A_655, %dma_wait3A_1012] : memref<16384x81xf32, #tpu.memory_space<hbm>> -> memref<1x81xf32, #tpu.memory_space<hbm>>
      %dma_wait3A_1014 = arith.constant 5 : i32
      %dma_wait3A_1015 = arith.constant 0 : i32
      %dma_wait3A_1016 = tpu.memref_slice %arg10[%dma_wait3A_1014, %dma_wait3A_1015] : memref<8x81xf32, #tpu.memory_space<vmem>> -> memref<1x81xf32, #tpu.memory_space<vmem>>
      %dma_wait3A_1017 = arith.constant 0 : i32
      %dma_wait3A_1018 = tpu.memref_slice %arg2[%reduce_sum3A_655, %dma_wait3A_1017] : memref<16384x81xf32, #tpu.memory_space<hbm>> -> memref<1x81xf32, #tpu.memory_space<hbm>>
      tpu.wait_dma2 semaphore(%arg12 : memref<!tpu.dma_semaphore, #tpu.memory_space<semaphore_mem>>) src(%dma_wait3A_1018 : memref<1x81xf32, #tpu.memory_space<hbm>>) dst(%dma_wait3A_1016 : memref<1x81xf32, #tpu.memory_space<vmem>>)
      %dma_wait3A_1019 = arith.constant 5 : i32
      %dma_wait3A_1020 = arith.constant 0 : i32
      %dma_wait3A_1021 = tpu.memref_slice %arg11[%dma_wait3A_1019, %dma_wait3A_1020] : memref<8x81xf32, #tpu.memory_space<vmem>> -> memref<1x81xf32, #tpu.memory_space<vmem>>
      %dma_wait3A_1022 = arith.constant 0 : i32
      %dma_wait3A_1023 = tpu.memref_slice %arg3[%reduce_sum3A_668, %dma_wait3A_1022] : memref<4096x81xf32, #tpu.memory_space<hbm>> -> memref<1x81xf32, #tpu.memory_space<hbm>>
      %dma_wait3A_1024 = arith.constant 5 : i32
      %dma_wait3A_1025 = arith.constant 0 : i32
      %dma_wait3A_1026 = tpu.memref_slice %arg11[%dma_wait3A_1024, %dma_wait3A_1025] : memref<8x81xf32, #tpu.memory_space<vmem>> -> memref<1x81xf32, #tpu.memory_space<vmem>>
      %dma_wait3A_1027 = arith.constant 0 : i32
      %dma_wait3A_1028 = tpu.memref_slice %arg3[%reduce_sum3A_668, %dma_wait3A_1027] : memref<4096x81xf32, #tpu.memory_space<hbm>> -> memref<1x81xf32, #tpu.memory_space<hbm>>
      tpu.wait_dma2 semaphore(%arg12 : memref<!tpu.dma_semaphore, #tpu.memory_space<semaphore_mem>>) src(%dma_wait3A_1028 : memref<1x81xf32, #tpu.memory_space<hbm>>) dst(%dma_wait3A_1026 : memref<1x81xf32, #tpu.memory_space<vmem>>)
      %dma_wait3A_1029 = arith.constant 6 : i32
      %dma_wait3A_1030 = arith.constant 0 : i32
      %dma_wait3A_1031 = tpu.memref_slice %arg10[%dma_wait3A_1029, %dma_wait3A_1030] : memref<8x81xf32, #tpu.memory_space<vmem>> -> memref<1x81xf32, #tpu.memory_space<vmem>>
      %dma_wait3A_1032 = arith.constant 0 : i32
      %dma_wait3A_1033 = tpu.memref_slice %arg2[%reduce_sum3A_765, %dma_wait3A_1032] : memref<16384x81xf32, #tpu.memory_space<hbm>> -> memref<1x81xf32, #tpu.memory_space<hbm>>
      %dma_wait3A_1034 = arith.constant 6 : i32
      %dma_wait3A_1035 = arith.constant 0 : i32
      %dma_wait3A_1036 = tpu.memref_slice %arg10[%dma_wait3A_1034, %dma_wait3A_1035] : memref<8x81xf32, #tpu.memory_space<vmem>> -> memref<1x81xf32, #tpu.memory_space<vmem>>
      %dma_wait3A_1037 = arith.constant 0 : i32
      %dma_wait3A_1038 = tpu.memref_slice %arg2[%reduce_sum3A_765, %dma_wait3A_1037] : memref<16384x81xf32, #tpu.memory_space<hbm>> -> memref<1x81xf32, #tpu.memory_space<hbm>>
      tpu.wait_dma2 semaphore(%arg12 : memref<!tpu.dma_semaphore, #tpu.memory_space<semaphore_mem>>) src(%dma_wait3A_1038 : memref<1x81xf32, #tpu.memory_space<hbm>>) dst(%dma_wait3A_1036 : memref<1x81xf32, #tpu.memory_space<vmem>>)
      %dma_wait3A_1039 = arith.constant 6 : i32
      %dma_wait3A_1040 = arith.constant 0 : i32
      %dma_wait3A_1041 = tpu.memref_slice %arg11[%dma_wait3A_1039, %dma_wait3A_1040] : memref<8x81xf32, #tpu.memory_space<vmem>> -> memref<1x81xf32, #tpu.memory_space<vmem>>
      %dma_wait3A_1042 = arith.constant 0 : i32
      %dma_wait3A_1043 = tpu.memref_slice %arg3[%reduce_sum3A_778, %dma_wait3A_1042] : memref<4096x81xf32, #tpu.memory_space<hbm>> -> memref<1x81xf32, #tpu.memory_space<hbm>>
      %dma_wait3A_1044 = arith.constant 6 : i32
      %dma_wait3A_1045 = arith.constant 0 : i32
      %dma_wait3A_1046 = tpu.memref_slice %arg11[%dma_wait3A_1044, %dma_wait3A_1045] : memref<8x81xf32, #tpu.memory_space<vmem>> -> memref<1x81xf32, #tpu.memory_space<vmem>>
      %dma_wait3A_1047 = arith.constant 0 : i32
      %dma_wait3A_1048 = tpu.memref_slice %arg3[%reduce_sum3A_778, %dma_wait3A_1047] : memref<4096x81xf32, #tpu.memory_space<hbm>> -> memref<1x81xf32, #tpu.memory_space<hbm>>
      tpu.wait_dma2 semaphore(%arg12 : memref<!tpu.dma_semaphore, #tpu.memory_space<semaphore_mem>>) src(%dma_wait3A_1048 : memref<1x81xf32, #tpu.memory_space<hbm>>) dst(%dma_wait3A_1046 : memref<1x81xf32, #tpu.memory_space<vmem>>)
      %dma_wait3A_1049 = arith.constant 7 : i32
      %dma_wait3A_1050 = arith.constant 0 : i32
      %dma_wait3A_1051 = tpu.memref_slice %arg10[%dma_wait3A_1049, %dma_wait3A_1050] : memref<8x81xf32, #tpu.memory_space<vmem>> -> memref<1x81xf32, #tpu.memory_space<vmem>>
      %dma_wait3A_1052 = arith.constant 0 : i32
      %dma_wait3A_1053 = tpu.memref_slice %arg2[%reduce_sum3A_875, %dma_wait3A_1052] : memref<16384x81xf32, #tpu.memory_space<hbm>> -> memref<1x81xf32, #tpu.memory_space<hbm>>
      %dma_wait3A_1054 = arith.constant 7 : i32
      %dma_wait3A_1055 = arith.constant 0 : i32
      %dma_wait3A_1056 = tpu.memref_slice %arg10[%dma_wait3A_1054, %dma_wait3A_1055] : memref<8x81xf32, #tpu.memory_space<vmem>> -> memref<1x81xf32, #tpu.memory_space<vmem>>
      %dma_wait3A_1057 = arith.constant 0 : i32
      %dma_wait3A_1058 = tpu.memref_slice %arg2[%reduce_sum3A_875, %dma_wait3A_1057] : memref<16384x81xf32, #tpu.memory_space<hbm>> -> memref<1x81xf32, #tpu.memory_space<hbm>>
      tpu.wait_dma2 semaphore(%arg12 : memref<!tpu.dma_semaphore, #tpu.memory_space<semaphore_mem>>) src(%dma_wait3A_1058 : memref<1x81xf32, #tpu.memory_space<hbm>>) dst(%dma_wait3A_1056 : memref<1x81xf32, #tpu.memory_space<vmem>>)
      %dma_wait3A_1059 = arith.constant 7 : i32
      %dma_wait3A_1060 = arith.constant 0 : i32
      %dma_wait3A_1061 = tpu.memref_slice %arg11[%dma_wait3A_1059, %dma_wait3A_1060] : memref<8x81xf32, #tpu.memory_space<vmem>> -> memref<1x81xf32, #tpu.memory_space<vmem>>
      %dma_wait3A_1062 = arith.constant 0 : i32
      %dma_wait3A_1063 = tpu.memref_slice %arg3[%reduce_sum3A_888, %dma_wait3A_1062] : memref<4096x81xf32, #tpu.memory_space<hbm>> -> memref<1x81xf32, #tpu.memory_space<hbm>>
      %dma_wait3A_1064 = arith.constant 7 : i32
      %dma_wait3A_1065 = arith.constant 0 : i32
      %dma_wait3A_1066 = tpu.memref_slice %arg11[%dma_wait3A_1064, %dma_wait3A_1065] : memref<8x81xf32, #tpu.memory_space<vmem>> -> memref<1x81xf32, #tpu.memory_space<vmem>>
      %dma_wait3A_1067 = arith.constant 0 : i32
      %dma_wait3A_1068 = tpu.memref_slice %arg3[%reduce_sum3A_888, %dma_wait3A_1067] : memref<4096x81xf32, #tpu.memory_space<hbm>> -> memref<1x81xf32, #tpu.memory_space<hbm>>
      tpu.wait_dma2 semaphore(%arg12 : memref<!tpu.dma_semaphore, #tpu.memory_space<semaphore_mem>>) src(%dma_wait3A_1068 : memref<1x81xf32, #tpu.memory_space<hbm>>) dst(%dma_wait3A_1066 : memref<1x81xf32, #tpu.memory_space<vmem>>)
      %mul3A_1069 = arith.constant 8 : i32
      %mul3A_1070 = arith.muli %add3A, %mul3A_1069 : i32
      "tpu.region"() ({
        %run_scoped3A = tpu.sem_alloc : memref<!tpu.dma_semaphore, #tpu.memory_space<semaphore_mem>>
        %dma_start3A_1073 = arith.constant 0 : i32
        %dma_start3A_1074 = tpu.memref_slice %arg6[%mul3A_1070, %dma_start3A_1073] : memref<128x81xf32, #tpu.memory_space<hbm>> -> memref<8x81xf32, #tpu.memory_space<hbm>>
        %dma_start3A_1075 = arith.constant 0 : i32
        %dma_start3A_1076 = tpu.memref_slice %arg6[%mul3A_1070, %dma_start3A_1075] : memref<128x81xf32, #tpu.memory_space<hbm>> -> memref<8x81xf32, #tpu.memory_space<hbm>>
        tpu.enqueue_dma source(%arg10 : memref<8x81xf32, #tpu.memory_space<vmem>>) target(%dma_start3A_1076 : memref<8x81xf32, #tpu.memory_space<hbm>>) target_semaphore(%run_scoped3A : memref<!tpu.dma_semaphore, #tpu.memory_space<semaphore_mem>>)
        %dma_wait3A_1077 = arith.constant 0 : i32
        %dma_wait3A_1078 = tpu.memref_slice %arg6[%mul3A_1070, %dma_wait3A_1077] : memref<128x81xf32, #tpu.memory_space<hbm>> -> memref<8x81xf32, #tpu.memory_space<hbm>>
        %dma_wait3A_1079 = arith.constant 0 : i32
        %dma_wait3A_1080 = tpu.memref_slice %arg6[%mul3A_1070, %dma_wait3A_1079] : memref<128x81xf32, #tpu.memory_space<hbm>> -> memref<8x81xf32, #tpu.memory_space<hbm>>
        tpu.wait_dma2 semaphore(%run_scoped3A : memref<!tpu.dma_semaphore, #tpu.memory_space<semaphore_mem>>) src(%arg10 : memref<8x81xf32, #tpu.memory_space<vmem>>) dst(%dma_wait3A_1080 : memref<8x81xf32, #tpu.memory_space<hbm>>)
        tpu.yield
      }) : () -> ()
      %mul3A_1071 = arith.constant 8 : i32
      %mul3A_1072 = arith.muli %add3A, %mul3A_1071 : i32
      "tpu.region"() ({
        %run_scoped3A = tpu.sem_alloc : memref<!tpu.dma_semaphore, #tpu.memory_space<semaphore_mem>>
        %dma_start3A_1073 = arith.constant 0 : i32
        %dma_start3A_1074 = tpu.memref_slice %arg7[%mul3A_1072, %dma_start3A_1073] : memref<128x81xf32, #tpu.memory_space<hbm>> -> memref<8x81xf32, #tpu.memory_space<hbm>>
        %dma_start3A_1075 = arith.constant 0 : i32
        %dma_start3A_1076 = tpu.memref_slice %arg7[%mul3A_1072, %dma_start3A_1075] : memref<128x81xf32, #tpu.memory_space<hbm>> -> memref<8x81xf32, #tpu.memory_space<hbm>>
        tpu.enqueue_dma source(%arg11 : memref<8x81xf32, #tpu.memory_space<vmem>>) target(%dma_start3A_1076 : memref<8x81xf32, #tpu.memory_space<hbm>>) target_semaphore(%run_scoped3A : memref<!tpu.dma_semaphore, #tpu.memory_space<semaphore_mem>>)
        %dma_wait3A_1077 = arith.constant 0 : i32
        %dma_wait3A_1078 = tpu.memref_slice %arg7[%mul3A_1072, %dma_wait3A_1077] : memref<128x81xf32, #tpu.memory_space<hbm>> -> memref<8x81xf32, #tpu.memory_space<hbm>>
        %dma_wait3A_1079 = arith.constant 0 : i32
        %dma_wait3A_1080 = tpu.memref_slice %arg7[%mul3A_1072, %dma_wait3A_1079] : memref<128x81xf32, #tpu.memory_space<hbm>> -> memref<8x81xf32, #tpu.memory_space<hbm>>
        tpu.wait_dma2 semaphore(%run_scoped3A : memref<!tpu.dma_semaphore, #tpu.memory_space<semaphore_mem>>) src(%arg11 : memref<8x81xf32, #tpu.memory_space<vmem>>) dst(%dma_wait3A_1080 : memref<8x81xf32, #tpu.memory_space<hbm>>)
        tpu.yield
      }) : () -> ()
    } else {
    }
    return
  }
}

module attributes {stable_mosaic.version = 14 : i64} {
  func.func @_tc_body(%arg0: i32, %arg1: memref<16384xf32, #tpu.memory_space<vmem>>, %arg2: memref<4096xf32, #tpu.memory_space<vmem>>, %arg3: memref<128x81xf32, #tpu.memory_space<vmem>>, %arg4: memref<128x81xf32, #tpu.memory_space<vmem>>, %arg5: memref<16x4x32x32xf32, #tpu.memory_space<vmem>>, %arg6: memref<16x4x16x16xf32, #tpu.memory_space<vmem>>, %arg7: memref<128x5xf32, #tpu.memory_space<vmem>>, %arg8: memref<128x5xf32, #tpu.memory_space<vmem>>, %arg9: memref<1x1xf32, #tpu.memory_space<smem>>) attributes {dimension_semantics = [#tpu.dimension_semantics<arbitrary>], iteration_bounds = array<i64: 1>, scalar_prefetch = 0 : i64, scratch_operands = 0 : i64, tpu.core_type = #tpu.core_type<tc>, window_params = [{pipeline_mode = #tpu.pipeline_mode<synchronous>, transform_indices = @transform_0, window_bounds = array<i64: 16384>}, {pipeline_mode = #tpu.pipeline_mode<synchronous>, transform_indices = @transform_1, window_bounds = array<i64: 4096>}, {pipeline_mode = #tpu.pipeline_mode<synchronous>, transform_indices = @transform_2, window_bounds = array<i64: 128, 81>}, {pipeline_mode = #tpu.pipeline_mode<synchronous>, transform_indices = @transform_3, window_bounds = array<i64: 128, 81>}, {pipeline_mode = #tpu.pipeline_mode<synchronous>, transform_indices = @transform_4, window_bounds = array<i64: 16, 4, 32, 32>}, {pipeline_mode = #tpu.pipeline_mode<synchronous>, transform_indices = @transform_5, window_bounds = array<i64: 16, 4, 16, 16>}, {pipeline_mode = #tpu.pipeline_mode<synchronous>, transform_indices = @transform_6, window_bounds = array<i64: 128, 5>}, {pipeline_mode = #tpu.pipeline_mode<synchronous>, transform_indices = @transform_7, window_bounds = array<i64: 128, 5>}, {transform_indices = @transform_8, window_bounds = array<i64: 1, 1>}]} {
    %get3A = arith.constant 0 : index
    %get3A_0 = vector.load %arg1[%get3A] : memref<16384xf32, #tpu.memory_space<vmem>>, vector<16384xf32>
    %max3A = arith.constant 0.000000e+00 : f32
    %max3A_1 = vector.broadcast %max3A : f32 to vector<16384xf32>
    %max3A_2 = arith.maximumf %get3A_0, %max3A_1 : vector<16384xf32>
    %abs3A = math.absf %get3A_0 : vector<16384xf32>
    %neg3A = arith.constant 0.000000e+00 : f32
    %neg3A_3 = vector.broadcast %neg3A : f32 to vector<16384xf32>
    %neg3A_4 = arith.subf %neg3A_3, %abs3A : vector<16384xf32>
    %exp3A = math.exp %neg3A_4 : vector<16384xf32>
    %log1p3A = math.log1p %exp3A : vector<16384xf32>
    %add3A = arith.addf %max3A_2, %log1p3A : vector<16384xf32>
    %reduce_sum3A = vector.shape_cast %add3A : vector<16384xf32> to vector<1x16384xf32>
    %reduce_sum3A_5 = arith.constant dense<0.000000e+00> : vector<1xf32>
    %reduce_sum3A_6 = vector.multi_reduction <add>, %reduce_sum3A, %reduce_sum3A_5 [1] : vector<1x16384xf32> to vector<1xf32>
    %reduce_sum3A_7 = vector.shape_cast %reduce_sum3A_6 : vector<1xf32> to vector<1x1xf32>
    %reduce_sum3A_8 = vector.extract %reduce_sum3A_7[0, 0] : f32 from vector<1x1xf32>
    %get3A_9 = arith.constant 0 : index
    %get3A_10 = vector.load %arg2[%get3A_9] : memref<4096xf32, #tpu.memory_space<vmem>>, vector<4096xf32>
    %max3A_11 = arith.constant 0.000000e+00 : f32
    %max3A_12 = vector.broadcast %max3A_11 : f32 to vector<4096xf32>
    %max3A_13 = arith.maximumf %get3A_10, %max3A_12 : vector<4096xf32>
    %abs3A_14 = math.absf %get3A_10 : vector<4096xf32>
    %neg3A_15 = arith.constant 0.000000e+00 : f32
    %neg3A_16 = vector.broadcast %neg3A_15 : f32 to vector<4096xf32>
    %neg3A_17 = arith.subf %neg3A_16, %abs3A_14 : vector<4096xf32>
    %exp3A_18 = math.exp %neg3A_17 : vector<4096xf32>
    %log1p3A_19 = math.log1p %exp3A_18 : vector<4096xf32>
    %add3A_20 = arith.addf %max3A_13, %log1p3A_19 : vector<4096xf32>
    %reduce_sum3A_21 = vector.shape_cast %add3A_20 : vector<4096xf32> to vector<1x4096xf32>
    %reduce_sum3A_22 = arith.constant dense<0.000000e+00> : vector<1xf32>
    %reduce_sum3A_23 = vector.multi_reduction <add>, %reduce_sum3A_21, %reduce_sum3A_22 [1] : vector<1x4096xf32> to vector<1xf32>
    %reduce_sum3A_24 = vector.shape_cast %reduce_sum3A_23 : vector<1xf32> to vector<1x1xf32>
    %reduce_sum3A_25 = vector.extract %reduce_sum3A_24[0, 0] : f32 from vector<1x1xf32>
    %get3A_26 = arith.constant 0 : index
    %get3A_27 = arith.constant 0 : index
    %get3A_28 = vector.load %arg3[%get3A_26, %get3A_27] : memref<128x81xf32, #tpu.memory_space<vmem>>, vector<128x81xf32>
    %get3A_29 = arith.constant 0 : index
    %get3A_30 = arith.constant 0 : index
    %get3A_31 = arith.constant 0 : index
    %get3A_32 = arith.constant 0 : index
    %get3A_33 = vector.load %arg5[%get3A_29, %get3A_30, %get3A_31, %get3A_32] : memref<16x4x32x32xf32, #tpu.memory_space<vmem>>, vector<16x4x32x32xf32>
    %get3A_34 = arith.constant 0 : index
    %get3A_35 = arith.constant 0 : index
    %get3A_36 = vector.load %arg7[%get3A_34, %get3A_35] : memref<128x5xf32, #tpu.memory_space<vmem>>, vector<128x5xf32>
    %transpose3A = tpu.transpose %get3A_36, [1, 0] : vector<128x5xf32> -> vector<5x128xf32>
    %slice3A = vector.extract_strided_slice %get3A_36 {offsets = [0, 0], sizes = [128, 1], strides = [1, 1]} : vector<128x5xf32> to vector<128x1xf32>
    %convert_element_type3A = arith.fptosi %slice3A : vector<128x1xf32> to vector<128x1xi32>
    %slice3A_37 = vector.extract_strided_slice %get3A_36 {offsets = [0, 1], sizes = [128, 1], strides = [1, 1]} : vector<128x5xf32> to vector<128x1xf32>
    %mul3A = arith.constant 3.200000e+01 : f32
    %mul3A_38 = vector.broadcast %mul3A : f32 to vector<128x1xf32>
    %mul3A_39 = arith.mulf %slice3A_37, %mul3A_38 : vector<128x1xf32>
    %jit3A = arith.constant 0.000000e+00 : f32
    %jit3A_40 = arith.constant 3.100000e+01 : f32
    %max3A_41 = vector.broadcast %jit3A : f32 to vector<128x1xf32>
    %max3A_42 = arith.maximumf %max3A_41, %mul3A_39 : vector<128x1xf32>
    %min3A = vector.broadcast %jit3A_40 : f32 to vector<128x1xf32>
    %min3A_43 = arith.minimumf %min3A, %max3A_42 : vector<128x1xf32>
    %convert_element_type3A_44 = arith.fptosi %min3A_43 : vector<128x1xf32> to vector<128x1xi32>
    %slice3A_45 = vector.extract_strided_slice %get3A_36 {offsets = [0, 2], sizes = [128, 1], strides = [1, 1]} : vector<128x5xf32> to vector<128x1xf32>
    %mul3A_46 = arith.constant 3.200000e+01 : f32
    %mul3A_47 = vector.broadcast %mul3A_46 : f32 to vector<128x1xf32>
    %mul3A_48 = arith.mulf %slice3A_45, %mul3A_47 : vector<128x1xf32>
    %jit3A_49 = arith.constant 0.000000e+00 : f32
    %jit3A_50 = arith.constant 3.100000e+01 : f32
    %max3A_51 = vector.broadcast %jit3A_49 : f32 to vector<128x1xf32>
    %max3A_52 = arith.maximumf %max3A_51, %mul3A_48 : vector<128x1xf32>
    %min3A_53 = vector.broadcast %jit3A_50 : f32 to vector<128x1xf32>
    %min3A_54 = arith.minimumf %min3A_53, %max3A_52 : vector<128x1xf32>
    %convert_element_type3A_55 = arith.fptosi %min3A_54 : vector<128x1xf32> to vector<128x1xi32>
    %slice3A_56 = vector.extract_strided_slice %transpose3A {offsets = [1, 0], sizes = [1, 128], strides = [1, 1]} : vector<5x128xf32> to vector<1x128xf32>
    %mul3A_57 = arith.constant 3.200000e+01 : f32
    %mul3A_58 = vector.broadcast %mul3A_57 : f32 to vector<1x128xf32>
    %mul3A_59 = arith.mulf %slice3A_56, %mul3A_58 : vector<1x128xf32>
    %slice3A_60 = vector.extract_strided_slice %transpose3A {offsets = [2, 0], sizes = [1, 128], strides = [1, 1]} : vector<5x128xf32> to vector<1x128xf32>
    %mul3A_61 = arith.constant 3.200000e+01 : f32
    %mul3A_62 = vector.broadcast %mul3A_61 : f32 to vector<1x128xf32>
    %mul3A_63 = arith.mulf %slice3A_60, %mul3A_62 : vector<1x128xf32>
    %slice3A_64 = vector.extract_strided_slice %transpose3A {offsets = [3, 0], sizes = [1, 128], strides = [1, 1]} : vector<5x128xf32> to vector<1x128xf32>
    %mul3A_65 = arith.constant 3.200000e+01 : f32
    %mul3A_66 = vector.broadcast %mul3A_65 : f32 to vector<1x128xf32>
    %mul3A_67 = arith.mulf %slice3A_64, %mul3A_66 : vector<1x128xf32>
    %slice3A_68 = vector.extract_strided_slice %transpose3A {offsets = [4, 0], sizes = [1, 128], strides = [1, 1]} : vector<5x128xf32> to vector<1x128xf32>
    %mul3A_69 = arith.constant 3.200000e+01 : f32
    %mul3A_70 = vector.broadcast %mul3A_69 : f32 to vector<1x128xf32>
    %mul3A_71 = arith.mulf %slice3A_68, %mul3A_70 : vector<1x128xf32>
    %jit3A_72 = arith.constant 0.000000e+00 : f32
    %jit3A_73 = arith.constant 3.100000e+01 : f32
    %max3A_74 = vector.broadcast %jit3A_72 : f32 to vector<1x128xf32>
    %max3A_75 = arith.maximumf %max3A_74, %mul3A_59 : vector<1x128xf32>
    %min3A_76 = vector.broadcast %jit3A_73 : f32 to vector<1x128xf32>
    %min3A_77 = arith.minimumf %min3A_76, %max3A_75 : vector<1x128xf32>
    %convert_element_type3A_78 = arith.fptosi %min3A_77 : vector<1x128xf32> to vector<1x128xi32>
    %jit3A_79 = arith.constant 0.000000e+00 : f32
    %jit3A_80 = arith.constant 3.100000e+01 : f32
    %max3A_81 = vector.broadcast %jit3A_79 : f32 to vector<1x128xf32>
    %max3A_82 = arith.maximumf %max3A_81, %mul3A_63 : vector<1x128xf32>
    %min3A_83 = vector.broadcast %jit3A_80 : f32 to vector<1x128xf32>
    %min3A_84 = arith.minimumf %min3A_83, %max3A_82 : vector<1x128xf32>
    %convert_element_type3A_85 = arith.fptosi %min3A_84 : vector<1x128xf32> to vector<1x128xi32>
    %reshape3A = vector.shape_cast %get3A_33 : vector<16x4x32x32xf32> to vector<2048x32xf32>
    %iota3A = tpu.iota {dimensions = array<i32: 0>} : vector<32x128xi32>
    %eq3A = vector.broadcast %convert_element_type3A_78 : vector<1x128xi32> to vector<32x128xi32>
    %eq3A_86 = arith.cmpi eq, %iota3A, %eq3A : vector<32x128xi32>
    %convert_element_type3A_87 = arith.extui %eq3A_86 : vector<32x128xi1> to vector<32x128xi32>
    %convert_element_type3A_88 = arith.sitofp %convert_element_type3A_87 : vector<32x128xi32> to vector<32x128xf32>
    %dot_general3A = arith.constant dense<0.000000e+00> : vector<2048x128xf32>
    %dot_general3A_89 = tpu.matmul %reshape3A, %convert_element_type3A_88, %dot_general3A {dimension_numbers = #tpu.dot_dimension_numbers<[1], [0], [0], [1], [0, 0, 1, 1], [], []>, transpose_lhs_hint = false} : vector<2048x32xf32>, vector<32x128xf32>, vector<2048x128xf32> -> vector<2048x128xf32>
    %iota3A_90 = tpu.iota {dimensions = array<i32: 0>} : vector<2048x128xi32>
    %iota3A_91 = tpu.iota {dimensions = array<i32: 1>} : vector<2048x128xi32>
    %jit3A_92 = arith.constant 128 : i32
    %div3A = vector.broadcast %jit3A_92 : i32 to vector<2048x128xi32>
    %div3A_93 = arith.divsi %iota3A_90, %div3A : vector<2048x128xi32>
    %sign3A = arith.constant 0 : i32
    %sign3A_94 = vector.broadcast %sign3A : i32 to vector<2048x128xi32>
    %sign3A_95 = arith.cmpi sgt, %iota3A_90, %sign3A_94 : vector<2048x128xi32>
    %sign3A_96 = arith.extui %sign3A_95 : vector<2048x128xi1> to vector<2048x128xi32>
    %sign3A_97 = arith.constant 0 : i32
    %sign3A_98 = vector.broadcast %sign3A_97 : i32 to vector<2048x128xi32>
    %sign3A_99 = arith.cmpi slt, %iota3A_90, %sign3A_98 : vector<2048x128xi32>
    %sign3A_100 = arith.extui %sign3A_99 : vector<2048x128xi1> to vector<2048x128xi32>
    %sign3A_101 = arith.subi %sign3A_96, %sign3A_100 : vector<2048x128xi32>
    %sign3A_102 = arith.constant 0 : i32
    %sign3A_103 = arith.cmpi sgt, %jit3A_92, %sign3A_102 : i32
    %sign3A_104 = arith.extui %sign3A_103 : i1 to i32
    %sign3A_105 = arith.constant 0 : i32
    %sign3A_106 = arith.cmpi slt, %jit3A_92, %sign3A_105 : i32
    %sign3A_107 = arith.extui %sign3A_106 : i1 to i32
    %sign3A_108 = arith.subi %sign3A_104, %sign3A_107 : i32
    %ne3A = vector.broadcast %sign3A_108 : i32 to vector<2048x128xi32>
    %ne3A_109 = arith.cmpi ne, %sign3A_101, %ne3A : vector<2048x128xi32>
    %rem3A = vector.broadcast %jit3A_92 : i32 to vector<2048x128xi32>
    %rem3A_110 = arith.remsi %iota3A_90, %rem3A : vector<2048x128xi32>
    %ne3A_111 = arith.constant 0 : i32
    %ne3A_112 = vector.broadcast %ne3A_111 : i32 to vector<2048x128xi32>
    %ne3A_113 = arith.cmpi ne, %rem3A_110, %ne3A_112 : vector<2048x128xi32>
    %and3A = arith.andi %ne3A_109, %ne3A_113 : vector<2048x128xi1>
    %sub3A = arith.constant 1 : i32
    %sub3A_114 = vector.broadcast %sub3A : i32 to vector<2048x128xi32>
    %sub3A_115 = arith.subi %div3A_93, %sub3A_114 : vector<2048x128xi32>
    %select_n3A = arith.select %and3A, %sub3A_115, %div3A_93 : vector<2048x128xi1>, vector<2048x128xi32>
    %shift_right_arithmetic3A = arith.constant 3 : i32
    %shift_right_arithmetic3A_116 = vector.broadcast %shift_right_arithmetic3A : i32 to vector<2048x128xi32>
    %shift_right_arithmetic3A_117 = arith.shrsi %iota3A_91, %shift_right_arithmetic3A_116 : vector<2048x128xi32>
    %eq3A_118 = arith.cmpi eq, %select_n3A, %shift_right_arithmetic3A_117 : vector<2048x128xi32>
    %jit3A_119 = arith.constant 32 : i32
    %eq3A_120 = arith.constant 0 : i32
    %eq3A_121 = arith.cmpi eq, %jit3A_119, %eq3A_120 : i32
    %jit3A_122 = arith.constant 1 : i32
    %select_n3A_123 = arith.select %eq3A_121, %jit3A_122, %jit3A_119 : i32
    %rem3A_124 = vector.broadcast %select_n3A_123 : i32 to vector<2048x128xi32>
    %rem3A_125 = arith.remsi %iota3A_90, %rem3A_124 : vector<2048x128xi32>
    %ne3A_126 = arith.constant 0 : i32
    %ne3A_127 = vector.broadcast %ne3A_126 : i32 to vector<2048x128xi32>
    %ne3A_128 = arith.cmpi ne, %rem3A_125, %ne3A_127 : vector<2048x128xi32>
    %lt3A = arith.constant 0 : i32
    %lt3A_129 = vector.broadcast %lt3A : i32 to vector<2048x128xi32>
    %lt3A_130 = arith.cmpi slt, %rem3A_125, %lt3A_129 : vector<2048x128xi32>
    %lt3A_131 = arith.constant 0 : i32
    %lt3A_132 = arith.cmpi slt, %select_n3A_123, %lt3A_131 : i32
    %ne3A_133 = vector.broadcast %lt3A_132 : i1 to vector<2048x128xi1>
    %ne3A_134 = vector.broadcast %ne3A_133 : vector<2048x128xi1> to vector<2048x128xi1>
    %ne3A_135 = arith.xori %lt3A_130, %ne3A_134 : vector<2048x128xi1>
    %and3A_136 = arith.andi %ne3A_135, %ne3A_128 : vector<2048x128xi1>
    %add3A_137 = vector.broadcast %select_n3A_123 : i32 to vector<2048x128xi32>
    %add3A_138 = arith.addi %rem3A_125, %add3A_137 : vector<2048x128xi32>
    %select_n3A_139 = arith.select %and3A_136, %add3A_138, %rem3A_125 : vector<2048x128xi1>, vector<2048x128xi32>
    %eq3A_140 = vector.broadcast %convert_element_type3A_85 : vector<1x128xi32> to vector<2048x128xi32>
    %eq3A_141 = arith.cmpi eq, %select_n3A_139, %eq3A_140 : vector<2048x128xi32>
    %and3A_142 = arith.andi %eq3A_118, %eq3A_141 : vector<2048x128xi1>
    %convert_element_type3A_143 = arith.extui %and3A_142 : vector<2048x128xi1> to vector<2048x128xi32>
    %convert_element_type3A_144 = arith.sitofp %convert_element_type3A_143 : vector<2048x128xi32> to vector<2048x128xf32>
    %mul3A_145 = arith.mulf %dot_general3A_89, %convert_element_type3A_144 : vector<2048x128xf32>
    %reshape3A_146 = vector.shape_cast %mul3A_145 : vector<2048x128xf32> to vector<64x32x128xf32>
    %reduce_sum3A_147 = arith.constant dense<0.000000e+00> : vector<64x128xf32>
    %reduce_sum3A_148 = vector.multi_reduction <add>, %reshape3A_146, %reduce_sum3A_147 [1] : vector<64x32x128xf32> to vector<64x128xf32>
    %reshape3A_149 = vector.shape_cast %reduce_sum3A_148 : vector<64x128xf32> to vector<16x4x128xf32>
    %reduce_sum3A_150 = arith.constant dense<0.000000e+00> : vector<4x128xf32>
    %reduce_sum3A_151 = vector.multi_reduction <add>, %reshape3A_149, %reduce_sum3A_150 [0] : vector<16x4x128xf32> to vector<4x128xf32>
    %slice3A_152 = vector.extract_strided_slice %reduce_sum3A_151 {offsets = [0, 0], sizes = [1, 128], strides = [1, 1]} : vector<4x128xf32> to vector<1x128xf32>
    %neg3A_153 = arith.constant 0.000000e+00 : f32
    %neg3A_154 = vector.broadcast %neg3A_153 : f32 to vector<1x128xf32>
    %neg3A_155 = arith.subf %neg3A_154, %slice3A_152 : vector<1x128xf32>
    %exp3A_156 = math.exp %neg3A_155 : vector<1x128xf32>
    %add3A_157 = arith.constant 1.000000e+00 : f32
    %add3A_158 = vector.broadcast %add3A_157 : f32 to vector<1x128xf32>
    %add3A_159 = arith.addf %add3A_158, %exp3A_156 : vector<1x128xf32>
    %div3A_160 = arith.constant 1.000000e+00 : f32
    %div3A_161 = vector.broadcast %div3A_160 : f32 to vector<1x128xf32>
    %div3A_162 = arith.divf %div3A_161, %add3A_159 : vector<1x128xf32>
    %slice3A_163 = vector.extract_strided_slice %reduce_sum3A_151 {offsets = [1, 0], sizes = [1, 128], strides = [1, 1]} : vector<4x128xf32> to vector<1x128xf32>
    %neg3A_164 = arith.constant 0.000000e+00 : f32
    %neg3A_165 = vector.broadcast %neg3A_164 : f32 to vector<1x128xf32>
    %neg3A_166 = arith.subf %neg3A_165, %slice3A_163 : vector<1x128xf32>
    %exp3A_167 = math.exp %neg3A_166 : vector<1x128xf32>
    %add3A_168 = arith.constant 1.000000e+00 : f32
    %add3A_169 = vector.broadcast %add3A_168 : f32 to vector<1x128xf32>
    %add3A_170 = arith.addf %add3A_169, %exp3A_167 : vector<1x128xf32>
    %div3A_171 = arith.constant 1.000000e+00 : f32
    %div3A_172 = vector.broadcast %div3A_171 : f32 to vector<1x128xf32>
    %div3A_173 = arith.divf %div3A_172, %add3A_170 : vector<1x128xf32>
    %slice3A_174 = vector.extract_strided_slice %reduce_sum3A_151 {offsets = [2, 0], sizes = [1, 128], strides = [1, 1]} : vector<4x128xf32> to vector<1x128xf32>
    %jit3A_175 = arith.constant -4.000000e+00 : f32
    %jit3A_176 = arith.constant 4.000000e+00 : f32
    %max3A_177 = vector.broadcast %jit3A_175 : f32 to vector<1x128xf32>
    %max3A_178 = arith.maximumf %max3A_177, %slice3A_174 : vector<1x128xf32>
    %min3A_179 = vector.broadcast %jit3A_176 : f32 to vector<1x128xf32>
    %min3A_180 = arith.minimumf %min3A_179, %max3A_178 : vector<1x128xf32>
    %exp3A_181 = math.exp %min3A_180 : vector<1x128xf32>
    %slice3A_182 = vector.extract_strided_slice %reduce_sum3A_151 {offsets = [3, 0], sizes = [1, 128], strides = [1, 1]} : vector<4x128xf32> to vector<1x128xf32>
    %jit3A_183 = arith.constant -4.000000e+00 : f32
    %jit3A_184 = arith.constant 4.000000e+00 : f32
    %max3A_185 = vector.broadcast %jit3A_183 : f32 to vector<1x128xf32>
    %max3A_186 = arith.maximumf %max3A_185, %slice3A_182 : vector<1x128xf32>
    %min3A_187 = vector.broadcast %jit3A_184 : f32 to vector<1x128xf32>
    %min3A_188 = arith.minimumf %min3A_187, %max3A_186 : vector<1x128xf32>
    %exp3A_189 = math.exp %min3A_188 : vector<1x128xf32>
    %convert_element_type3A_190 = arith.sitofp %convert_element_type3A_78 : vector<1x128xi32> to vector<1x128xf32>
    %add3A_191 = arith.addf %convert_element_type3A_190, %div3A_162 : vector<1x128xf32>
    %convert_element_type3A_192 = arith.sitofp %convert_element_type3A_85 : vector<1x128xi32> to vector<1x128xf32>
    %add3A_193 = arith.addf %convert_element_type3A_192, %div3A_173 : vector<1x128xf32>
    %mul3A_194 = arith.constant 5.000000e-01 : f32
    %mul3A_195 = vector.broadcast %mul3A_194 : f32 to vector<1x128xf32>
    %mul3A_196 = arith.mulf %exp3A_181, %mul3A_195 : vector<1x128xf32>
    %sub3A_197 = arith.subf %add3A_191, %mul3A_196 : vector<1x128xf32>
    %mul3A_198 = arith.constant 5.000000e-01 : f32
    %mul3A_199 = vector.broadcast %mul3A_198 : f32 to vector<1x128xf32>
    %mul3A_200 = arith.mulf %mul3A_67, %mul3A_199 : vector<1x128xf32>
    %sub3A_201 = arith.subf %mul3A_59, %mul3A_200 : vector<1x128xf32>
    %sub3A_202 = arith.subf %sub3A_197, %sub3A_201 : vector<1x128xf32>
    %abs3A_203 = math.absf %sub3A_202 : vector<1x128xf32>
    %lt3A_204 = arith.constant 1.000000e+00 : f32
    %lt3A_205 = vector.broadcast %lt3A_204 : f32 to vector<1x128xf32>
    %lt3A_206 = arith.cmpf olt, %abs3A_203, %lt3A_205 : vector<1x128xf32>
    %mul3A_207 = arith.constant 5.000000e-01 : f32
    %mul3A_208 = vector.broadcast %mul3A_207 : f32 to vector<1x128xf32>
    %mul3A_209 = arith.mulf %mul3A_208, %sub3A_202 : vector<1x128xf32>
    %mul3A_210 = arith.mulf %mul3A_209, %sub3A_202 : vector<1x128xf32>
    %sub3A_211 = arith.constant 5.000000e-01 : f32
    %sub3A_212 = vector.broadcast %sub3A_211 : f32 to vector<1x128xf32>
    %sub3A_213 = arith.subf %abs3A_203, %sub3A_212 : vector<1x128xf32>
    %select_n3A_214 = arith.select %lt3A_206, %mul3A_210, %sub3A_213 : vector<1x128xi1>, vector<1x128xf32>
    %mul3A_215 = arith.constant 5.000000e-01 : f32
    %mul3A_216 = vector.broadcast %mul3A_215 : f32 to vector<1x128xf32>
    %mul3A_217 = arith.mulf %exp3A_189, %mul3A_216 : vector<1x128xf32>
    %sub3A_218 = arith.subf %add3A_193, %mul3A_217 : vector<1x128xf32>
    %mul3A_219 = arith.constant 5.000000e-01 : f32
    %mul3A_220 = vector.broadcast %mul3A_219 : f32 to vector<1x128xf32>
    %mul3A_221 = arith.mulf %mul3A_71, %mul3A_220 : vector<1x128xf32>
    %sub3A_222 = arith.subf %mul3A_63, %mul3A_221 : vector<1x128xf32>
    %sub3A_223 = arith.subf %sub3A_218, %sub3A_222 : vector<1x128xf32>
    %abs3A_224 = math.absf %sub3A_223 : vector<1x128xf32>
    %lt3A_225 = arith.constant 1.000000e+00 : f32
    %lt3A_226 = vector.broadcast %lt3A_225 : f32 to vector<1x128xf32>
    %lt3A_227 = arith.cmpf olt, %abs3A_224, %lt3A_226 : vector<1x128xf32>
    %mul3A_228 = arith.constant 5.000000e-01 : f32
    %mul3A_229 = vector.broadcast %mul3A_228 : f32 to vector<1x128xf32>
    %mul3A_230 = arith.mulf %mul3A_229, %sub3A_223 : vector<1x128xf32>
    %mul3A_231 = arith.mulf %mul3A_230, %sub3A_223 : vector<1x128xf32>
    %sub3A_232 = arith.constant 5.000000e-01 : f32
    %sub3A_233 = vector.broadcast %sub3A_232 : f32 to vector<1x128xf32>
    %sub3A_234 = arith.subf %abs3A_224, %sub3A_233 : vector<1x128xf32>
    %select_n3A_235 = arith.select %lt3A_227, %mul3A_231, %sub3A_234 : vector<1x128xi1>, vector<1x128xf32>
    %add3A_236 = arith.addf %select_n3A_214, %select_n3A_235 : vector<1x128xf32>
    %mul3A_237 = arith.constant 5.000000e-01 : f32
    %mul3A_238 = vector.broadcast %mul3A_237 : f32 to vector<1x128xf32>
    %mul3A_239 = arith.mulf %exp3A_181, %mul3A_238 : vector<1x128xf32>
    %add3A_240 = arith.addf %add3A_191, %mul3A_239 : vector<1x128xf32>
    %mul3A_241 = arith.constant 5.000000e-01 : f32
    %mul3A_242 = vector.broadcast %mul3A_241 : f32 to vector<1x128xf32>
    %mul3A_243 = arith.mulf %mul3A_67, %mul3A_242 : vector<1x128xf32>
    %add3A_244 = arith.addf %mul3A_59, %mul3A_243 : vector<1x128xf32>
    %sub3A_245 = arith.subf %add3A_240, %add3A_244 : vector<1x128xf32>
    %abs3A_246 = math.absf %sub3A_245 : vector<1x128xf32>
    %lt3A_247 = arith.constant 1.000000e+00 : f32
    %lt3A_248 = vector.broadcast %lt3A_247 : f32 to vector<1x128xf32>
    %lt3A_249 = arith.cmpf olt, %abs3A_246, %lt3A_248 : vector<1x128xf32>
    %mul3A_250 = arith.constant 5.000000e-01 : f32
    %mul3A_251 = vector.broadcast %mul3A_250 : f32 to vector<1x128xf32>
    %mul3A_252 = arith.mulf %mul3A_251, %sub3A_245 : vector<1x128xf32>
    %mul3A_253 = arith.mulf %mul3A_252, %sub3A_245 : vector<1x128xf32>
    %sub3A_254 = arith.constant 5.000000e-01 : f32
    %sub3A_255 = vector.broadcast %sub3A_254 : f32 to vector<1x128xf32>
    %sub3A_256 = arith.subf %abs3A_246, %sub3A_255 : vector<1x128xf32>
    %select_n3A_257 = arith.select %lt3A_249, %mul3A_253, %sub3A_256 : vector<1x128xi1>, vector<1x128xf32>
    %add3A_258 = arith.addf %add3A_236, %select_n3A_257 : vector<1x128xf32>
    %mul3A_259 = arith.constant 5.000000e-01 : f32
    %mul3A_260 = vector.broadcast %mul3A_259 : f32 to vector<1x128xf32>
    %mul3A_261 = arith.mulf %exp3A_189, %mul3A_260 : vector<1x128xf32>
    %add3A_262 = arith.addf %add3A_193, %mul3A_261 : vector<1x128xf32>
    %mul3A_263 = arith.constant 5.000000e-01 : f32
    %mul3A_264 = vector.broadcast %mul3A_263 : f32 to vector<1x128xf32>
    %mul3A_265 = arith.mulf %mul3A_71, %mul3A_264 : vector<1x128xf32>
    %add3A_266 = arith.addf %mul3A_63, %mul3A_265 : vector<1x128xf32>
    %sub3A_267 = arith.subf %add3A_262, %add3A_266 : vector<1x128xf32>
    %abs3A_268 = math.absf %sub3A_267 : vector<1x128xf32>
    %lt3A_269 = arith.constant 1.000000e+00 : f32
    %lt3A_270 = vector.broadcast %lt3A_269 : f32 to vector<1x128xf32>
    %lt3A_271 = arith.cmpf olt, %abs3A_268, %lt3A_270 : vector<1x128xf32>
    %mul3A_272 = arith.constant 5.000000e-01 : f32
    %mul3A_273 = vector.broadcast %mul3A_272 : f32 to vector<1x128xf32>
    %mul3A_274 = arith.mulf %mul3A_273, %sub3A_267 : vector<1x128xf32>
    %mul3A_275 = arith.mulf %mul3A_274, %sub3A_267 : vector<1x128xf32>
    %sub3A_276 = arith.constant 5.000000e-01 : f32
    %sub3A_277 = vector.broadcast %sub3A_276 : f32 to vector<1x128xf32>
    %sub3A_278 = arith.subf %abs3A_268, %sub3A_277 : vector<1x128xf32>
    %select_n3A_279 = arith.select %lt3A_271, %mul3A_275, %sub3A_278 : vector<1x128xi1>, vector<1x128xf32>
    %add3A_280 = arith.addf %add3A_258, %select_n3A_279 : vector<1x128xf32>
    %mul3A_281 = arith.constant 2.500000e-01 : f32
    %mul3A_282 = vector.broadcast %mul3A_281 : f32 to vector<1x128xf32>
    %mul3A_283 = arith.mulf %add3A_280, %mul3A_282 : vector<1x128xf32>
    %reduce_sum3A_284 = vector.shape_cast %mul3A_283 : vector<1x128xf32> to vector<1x1x128xf32>
    %reduce_sum3A_285 = arith.constant dense<0.000000e+00> : vector<1xf32>
    %reduce_sum3A_286 = vector.multi_reduction <add>, %reduce_sum3A_284, %reduce_sum3A_285 [1, 2] : vector<1x1x128xf32> to vector<1xf32>
    %reduce_sum3A_287 = vector.shape_cast %reduce_sum3A_286 : vector<1xf32> to vector<1x1x1xf32>
    %reduce_sum3A_288 = vector.extract %reduce_sum3A_287[0, 0, 0] : f32 from vector<1x1x1xf32>
    %slice3A_289 = vector.extract_strided_slice %get3A_28 {offsets = [0, 0], sizes = [128, 1], strides = [1, 1]} : vector<128x81xf32> to vector<128x1xf32>
    %neg3A_290 = arith.constant 0.000000e+00 : f32
    %neg3A_291 = vector.broadcast %neg3A_290 : f32 to vector<128x1xf32>
    %neg3A_292 = arith.subf %neg3A_291, %slice3A_289 : vector<128x1xf32>
    %max3A_293 = arith.constant 0.000000e+00 : f32
    %max3A_294 = vector.broadcast %max3A_293 : f32 to vector<128x1xf32>
    %max3A_295 = arith.maximumf %neg3A_292, %max3A_294 : vector<128x1xf32>
    %abs3A_296 = math.absf %neg3A_292 : vector<128x1xf32>
    %neg3A_297 = arith.constant 0.000000e+00 : f32
    %neg3A_298 = vector.broadcast %neg3A_297 : f32 to vector<128x1xf32>
    %neg3A_299 = arith.subf %neg3A_298, %abs3A_296 : vector<128x1xf32>
    %exp3A_300 = math.exp %neg3A_299 : vector<128x1xf32>
    %log1p3A_301 = math.log1p %exp3A_300 : vector<128x1xf32>
    %add3A_302 = arith.addf %max3A_295, %log1p3A_301 : vector<128x1xf32>
    %reduce_sum3A_303 = vector.shape_cast %add3A_302 : vector<128x1xf32> to vector<1x128x1xf32>
    %reduce_sum3A_304 = arith.constant dense<0.000000e+00> : vector<1xf32>
    %reduce_sum3A_305 = vector.multi_reduction <add>, %reduce_sum3A_303, %reduce_sum3A_304 [1, 2] : vector<1x128x1xf32> to vector<1xf32>
    %reduce_sum3A_306 = vector.shape_cast %reduce_sum3A_305 : vector<1xf32> to vector<1x1x1xf32>
    %reduce_sum3A_307 = vector.extract %reduce_sum3A_306[0, 0, 0] : f32 from vector<1x1x1xf32>
    %iota3A_308 = tpu.iota {dimensions = array<i32: 0>} : vector<128x128xi32>
    %iota3A_309 = tpu.iota {dimensions = array<i32: 1>} : vector<128x128xi32>
    %shift_right_arithmetic3A_310 = arith.constant 3 : i32
    %shift_right_arithmetic3A_311 = vector.broadcast %shift_right_arithmetic3A_310 : i32 to vector<128x128xi32>
    %shift_right_arithmetic3A_312 = arith.shrsi %iota3A_308, %shift_right_arithmetic3A_311 : vector<128x128xi32>
    %mul3A_313 = arith.constant 1024 : i32
    %mul3A_314 = vector.broadcast %mul3A_313 : i32 to vector<128x128xi32>
    %mul3A_315 = arith.muli %shift_right_arithmetic3A_312, %mul3A_314 : vector<128x128xi32>
    %mul3A_316 = arith.constant 32 : i32
    %mul3A_317 = vector.broadcast %mul3A_316 : i32 to vector<128x1xi32>
    %mul3A_318 = arith.muli %convert_element_type3A_55, %mul3A_317 : vector<128x1xi32>
    %add3A_319 = vector.broadcast %mul3A_318 : vector<128x1xi32> to vector<128x128xi32>
    %add3A_320 = arith.addi %mul3A_315, %add3A_319 : vector<128x128xi32>
    %add3A_321 = vector.broadcast %convert_element_type3A_44 : vector<128x1xi32> to vector<128x128xi32>
    %add3A_322 = arith.addi %add3A_320, %add3A_321 : vector<128x128xi32>
    %shift_right_arithmetic3A_323 = arith.constant 3 : i32
    %shift_right_arithmetic3A_324 = vector.broadcast %shift_right_arithmetic3A_323 : i32 to vector<128x128xi32>
    %shift_right_arithmetic3A_325 = arith.shrsi %iota3A_309, %shift_right_arithmetic3A_324 : vector<128x128xi32>
    %mul3A_326 = arith.constant 1024 : i32
    %mul3A_327 = vector.broadcast %mul3A_326 : i32 to vector<128x128xi32>
    %mul3A_328 = arith.muli %shift_right_arithmetic3A_325, %mul3A_327 : vector<128x128xi32>
    %mul3A_329 = arith.constant 32 : i32
    %mul3A_330 = vector.broadcast %mul3A_329 : i32 to vector<1x128xi32>
    %mul3A_331 = arith.muli %convert_element_type3A_85, %mul3A_330 : vector<1x128xi32>
    %add3A_332 = vector.broadcast %mul3A_331 : vector<1x128xi32> to vector<128x128xi32>
    %add3A_333 = arith.addi %mul3A_328, %add3A_332 : vector<128x128xi32>
    %add3A_334 = vector.broadcast %convert_element_type3A_78 : vector<1x128xi32> to vector<128x128xi32>
    %add3A_335 = arith.addi %add3A_333, %add3A_334 : vector<128x128xi32>
    %eq3A_336 = arith.cmpi eq, %add3A_322, %add3A_335 : vector<128x128xi32>
    %lt3A_337 = arith.cmpi slt, %iota3A_309, %iota3A_308 : vector<128x128xi32>
    %and3A_338 = arith.andi %eq3A_336, %lt3A_337 : vector<128x128xi1>
    %convert_element_type3A_339 = arith.extui %and3A_338 : vector<128x128xi1> to vector<128x128xi32>
    %convert_element_type3A_340 = arith.sitofp %convert_element_type3A_339 : vector<128x128xi32> to vector<128x128xf32>
    %reduce_max3A = arith.constant dense<0xFF800000> : vector<128xf32>
    %reduce_max3A_341 = vector.multi_reduction <maximumf>, %convert_element_type3A_340, %reduce_max3A [1] : vector<128x128xf32> to vector<128xf32>
    %broadcast_in_dim3A = vector.shape_cast %reduce_max3A_341 : vector<128xf32> to vector<128x1xf32>
    %sub3A_342 = arith.constant 1.000000e+00 : f32
    %sub3A_343 = vector.broadcast %sub3A_342 : f32 to vector<128x1xf32>
    %sub3A_344 = arith.subf %sub3A_343, %broadcast_in_dim3A : vector<128x1xf32>
    %max3A_345 = arith.constant 0.000000e+00 : f32
    %max3A_346 = vector.broadcast %max3A_345 : f32 to vector<128x1xf32>
    %max3A_347 = arith.maximumf %slice3A_289, %max3A_346 : vector<128x1xf32>
    %abs3A_348 = math.absf %slice3A_289 : vector<128x1xf32>
    %neg3A_349 = arith.constant 0.000000e+00 : f32
    %neg3A_350 = vector.broadcast %neg3A_349 : f32 to vector<128x1xf32>
    %neg3A_351 = arith.subf %neg3A_350, %abs3A_348 : vector<128x1xf32>
    %exp3A_352 = math.exp %neg3A_351 : vector<128x1xf32>
    %log1p3A_353 = math.log1p %exp3A_352 : vector<128x1xf32>
    %add3A_354 = arith.addf %max3A_347, %log1p3A_353 : vector<128x1xf32>
    %mul3A_355 = arith.mulf %sub3A_344, %add3A_354 : vector<128x1xf32>
    %reduce_sum3A_356 = vector.shape_cast %mul3A_355 : vector<128x1xf32> to vector<1x128x1xf32>
    %reduce_sum3A_357 = arith.constant dense<0.000000e+00> : vector<1xf32>
    %reduce_sum3A_358 = vector.multi_reduction <add>, %reduce_sum3A_356, %reduce_sum3A_357 [1, 2] : vector<1x128x1xf32> to vector<1xf32>
    %reduce_sum3A_359 = vector.shape_cast %reduce_sum3A_358 : vector<1xf32> to vector<1x1x1xf32>
    %reduce_sum3A_360 = vector.extract %reduce_sum3A_359[0, 0, 0] : f32 from vector<1x1x1xf32>
    %sub3A_361 = arith.subf %reduce_sum3A_8, %reduce_sum3A_360 : f32
    %reduce_sum3A_362 = vector.shape_cast %sub3A_344 : vector<128x1xf32> to vector<1x128x1xf32>
    %reduce_sum3A_363 = arith.constant dense<0.000000e+00> : vector<1xf32>
    %reduce_sum3A_364 = vector.multi_reduction <add>, %reduce_sum3A_362, %reduce_sum3A_363 [1, 2] : vector<1x128x1xf32> to vector<1xf32>
    %reduce_sum3A_365 = vector.shape_cast %reduce_sum3A_364 : vector<1xf32> to vector<1x1x1xf32>
    %reduce_sum3A_366 = vector.extract %reduce_sum3A_365[0, 0, 0] : f32 from vector<1x1x1xf32>
    %sub3A_367 = arith.constant 1.638400e+04 : f32
    %sub3A_368 = arith.subf %sub3A_367, %reduce_sum3A_366 : f32
    %mul3A_369 = arith.constant 5.000000e-02 : f32
    %mul3A_370 = arith.mulf %mul3A_369, %sub3A_361 : f32
    %div3A_371 = arith.divf %mul3A_370, %sub3A_368 : f32
    %add3A_372 = arith.addf %reduce_sum3A_307, %div3A_371 : f32
    %slice3A_373 = vector.extract_strided_slice %get3A_28 {offsets = [0, 1], sizes = [128, 80], strides = [1, 1]} : vector<128x81xf32> to vector<128x80xf32>
    %iota3A_374 = tpu.iota {dimensions = array<i32: 1>} : vector<128x80xi32>
    %eq3A_375 = vector.broadcast %convert_element_type3A : vector<128x1xi32> to vector<128x80xi32>
    %eq3A_376 = arith.cmpi eq, %iota3A_374, %eq3A_375 : vector<128x80xi32>
    %convert_element_type3A_377 = arith.extui %eq3A_376 : vector<128x80xi1> to vector<128x80xi32>
    %convert_element_type3A_378 = arith.sitofp %convert_element_type3A_377 : vector<128x80xi32> to vector<128x80xf32>
    %max3A_379 = arith.constant 0.000000e+00 : f32
    %max3A_380 = vector.broadcast %max3A_379 : f32 to vector<128x80xf32>
    %max3A_381 = arith.maximumf %slice3A_373, %max3A_380 : vector<128x80xf32>
    %abs3A_382 = math.absf %slice3A_373 : vector<128x80xf32>
    %neg3A_383 = arith.constant 0.000000e+00 : f32
    %neg3A_384 = vector.broadcast %neg3A_383 : f32 to vector<128x80xf32>
    %neg3A_385 = arith.subf %neg3A_384, %abs3A_382 : vector<128x80xf32>
    %exp3A_386 = math.exp %neg3A_385 : vector<128x80xf32>
    %log1p3A_387 = math.log1p %exp3A_386 : vector<128x80xf32>
    %add3A_388 = arith.addf %max3A_381, %log1p3A_387 : vector<128x80xf32>
    %mul3A_389 = arith.mulf %slice3A_373, %convert_element_type3A_378 : vector<128x80xf32>
    %sub3A_390 = arith.subf %add3A_388, %mul3A_389 : vector<128x80xf32>
    %neg3A_391 = arith.constant 0.000000e+00 : f32
    %neg3A_392 = vector.broadcast %neg3A_391 : f32 to vector<128x80xf32>
    %neg3A_393 = arith.subf %neg3A_392, %slice3A_373 : vector<128x80xf32>
    %exp3A_394 = math.exp %neg3A_393 : vector<128x80xf32>
    %add3A_395 = arith.constant 1.000000e+00 : f32
    %add3A_396 = vector.broadcast %add3A_395 : f32 to vector<128x80xf32>
    %add3A_397 = arith.addf %add3A_396, %exp3A_394 : vector<128x80xf32>
    %div3A_398 = arith.constant 1.000000e+00 : f32
    %div3A_399 = vector.broadcast %div3A_398 : f32 to vector<128x80xf32>
    %div3A_400 = arith.divf %div3A_399, %add3A_397 : vector<128x80xf32>
    %mul3A_401 = arith.mulf %div3A_400, %convert_element_type3A_378 : vector<128x80xf32>
    %sub3A_402 = arith.constant 1.000000e+00 : f32
    %sub3A_403 = vector.broadcast %sub3A_402 : f32 to vector<128x80xf32>
    %sub3A_404 = arith.subf %sub3A_403, %div3A_400 : vector<128x80xf32>
    %sub3A_405 = arith.constant 1.000000e+00 : f32
    %sub3A_406 = vector.broadcast %sub3A_405 : f32 to vector<128x80xf32>
    %sub3A_407 = arith.subf %sub3A_406, %convert_element_type3A_378 : vector<128x80xf32>
    %mul3A_408 = arith.mulf %sub3A_404, %sub3A_407 : vector<128x80xf32>
    %add3A_409 = arith.addf %mul3A_401, %mul3A_408 : vector<128x80xf32>
    %sub3A_410 = arith.constant 1.000000e+00 : f32
    %sub3A_411 = vector.broadcast %sub3A_410 : f32 to vector<128x80xf32>
    %sub3A_412 = arith.subf %sub3A_411, %add3A_409 : vector<128x80xf32>
    %mul3A_413 = arith.constant 2.500000e-01 : f32
    %mul3A_414 = vector.broadcast %mul3A_413 : f32 to vector<128x80xf32>
    %mul3A_415 = arith.mulf %mul3A_414, %sub3A_412 : vector<128x80xf32>
    %mul3A_416 = arith.mulf %mul3A_415, %sub3A_412 : vector<128x80xf32>
    %mul3A_417 = arith.mulf %mul3A_416, %sub3A_390 : vector<128x80xf32>
    %reduce_sum3A_418 = vector.shape_cast %mul3A_417 : vector<128x80xf32> to vector<1x128x80xf32>
    %reduce_sum3A_419 = arith.constant dense<0.000000e+00> : vector<1xf32>
    %reduce_sum3A_420 = vector.multi_reduction <add>, %reduce_sum3A_418, %reduce_sum3A_419 [1, 2] : vector<1x128x80xf32> to vector<1xf32>
    %reduce_sum3A_421 = vector.shape_cast %reduce_sum3A_420 : vector<1xf32> to vector<1x1x1xf32>
    %reduce_sum3A_422 = vector.extract %reduce_sum3A_421[0, 0, 0] : f32 from vector<1x1x1xf32>
    %mul3A_423 = arith.constant 1.250000e-02 : f32
    %mul3A_424 = arith.mulf %reduce_sum3A_422, %mul3A_423 : f32
    %get3A_425 = arith.constant 0 : index
    %get3A_426 = arith.constant 0 : index
    %get3A_427 = vector.load %arg4[%get3A_425, %get3A_426] : memref<128x81xf32, #tpu.memory_space<vmem>>, vector<128x81xf32>
    %get3A_428 = arith.constant 0 : index
    %get3A_429 = arith.constant 0 : index
    %get3A_430 = arith.constant 0 : index
    %get3A_431 = arith.constant 0 : index
    %get3A_432 = vector.load %arg6[%get3A_428, %get3A_429, %get3A_430, %get3A_431] : memref<16x4x16x16xf32, #tpu.memory_space<vmem>>, vector<16x4x16x16xf32>
    %get3A_433 = arith.constant 0 : index
    %get3A_434 = arith.constant 0 : index
    %get3A_435 = vector.load %arg8[%get3A_433, %get3A_434] : memref<128x5xf32, #tpu.memory_space<vmem>>, vector<128x5xf32>
    %transpose3A_436 = tpu.transpose %get3A_435, [1, 0] : vector<128x5xf32> -> vector<5x128xf32>
    %slice3A_437 = vector.extract_strided_slice %get3A_435 {offsets = [0, 0], sizes = [128, 1], strides = [1, 1]} : vector<128x5xf32> to vector<128x1xf32>
    %convert_element_type3A_438 = arith.fptosi %slice3A_437 : vector<128x1xf32> to vector<128x1xi32>
    %slice3A_439 = vector.extract_strided_slice %get3A_435 {offsets = [0, 1], sizes = [128, 1], strides = [1, 1]} : vector<128x5xf32> to vector<128x1xf32>
    %mul3A_440 = arith.constant 1.600000e+01 : f32
    %mul3A_441 = vector.broadcast %mul3A_440 : f32 to vector<128x1xf32>
    %mul3A_442 = arith.mulf %slice3A_439, %mul3A_441 : vector<128x1xf32>
    %jit3A_443 = arith.constant 0.000000e+00 : f32
    %jit3A_444 = arith.constant 1.500000e+01 : f32
    %max3A_445 = vector.broadcast %jit3A_443 : f32 to vector<128x1xf32>
    %max3A_446 = arith.maximumf %max3A_445, %mul3A_442 : vector<128x1xf32>
    %min3A_447 = vector.broadcast %jit3A_444 : f32 to vector<128x1xf32>
    %min3A_448 = arith.minimumf %min3A_447, %max3A_446 : vector<128x1xf32>
    %convert_element_type3A_449 = arith.fptosi %min3A_448 : vector<128x1xf32> to vector<128x1xi32>
    %slice3A_450 = vector.extract_strided_slice %get3A_435 {offsets = [0, 2], sizes = [128, 1], strides = [1, 1]} : vector<128x5xf32> to vector<128x1xf32>
    %mul3A_451 = arith.constant 1.600000e+01 : f32
    %mul3A_452 = vector.broadcast %mul3A_451 : f32 to vector<128x1xf32>
    %mul3A_453 = arith.mulf %slice3A_450, %mul3A_452 : vector<128x1xf32>
    %jit3A_454 = arith.constant 0.000000e+00 : f32
    %jit3A_455 = arith.constant 1.500000e+01 : f32
    %max3A_456 = vector.broadcast %jit3A_454 : f32 to vector<128x1xf32>
    %max3A_457 = arith.maximumf %max3A_456, %mul3A_453 : vector<128x1xf32>
    %min3A_458 = vector.broadcast %jit3A_455 : f32 to vector<128x1xf32>
    %min3A_459 = arith.minimumf %min3A_458, %max3A_457 : vector<128x1xf32>
    %convert_element_type3A_460 = arith.fptosi %min3A_459 : vector<128x1xf32> to vector<128x1xi32>
    %slice3A_461 = vector.extract_strided_slice %transpose3A_436 {offsets = [1, 0], sizes = [1, 128], strides = [1, 1]} : vector<5x128xf32> to vector<1x128xf32>
    %mul3A_462 = arith.constant 1.600000e+01 : f32
    %mul3A_463 = vector.broadcast %mul3A_462 : f32 to vector<1x128xf32>
    %mul3A_464 = arith.mulf %slice3A_461, %mul3A_463 : vector<1x128xf32>
    %slice3A_465 = vector.extract_strided_slice %transpose3A_436 {offsets = [2, 0], sizes = [1, 128], strides = [1, 1]} : vector<5x128xf32> to vector<1x128xf32>
    %mul3A_466 = arith.constant 1.600000e+01 : f32
    %mul3A_467 = vector.broadcast %mul3A_466 : f32 to vector<1x128xf32>
    %mul3A_468 = arith.mulf %slice3A_465, %mul3A_467 : vector<1x128xf32>
    %slice3A_469 = vector.extract_strided_slice %transpose3A_436 {offsets = [3, 0], sizes = [1, 128], strides = [1, 1]} : vector<5x128xf32> to vector<1x128xf32>
    %mul3A_470 = arith.constant 1.600000e+01 : f32
    %mul3A_471 = vector.broadcast %mul3A_470 : f32 to vector<1x128xf32>
    %mul3A_472 = arith.mulf %slice3A_469, %mul3A_471 : vector<1x128xf32>
    %slice3A_473 = vector.extract_strided_slice %transpose3A_436 {offsets = [4, 0], sizes = [1, 128], strides = [1, 1]} : vector<5x128xf32> to vector<1x128xf32>
    %mul3A_474 = arith.constant 1.600000e+01 : f32
    %mul3A_475 = vector.broadcast %mul3A_474 : f32 to vector<1x128xf32>
    %mul3A_476 = arith.mulf %slice3A_473, %mul3A_475 : vector<1x128xf32>
    %jit3A_477 = arith.constant 0.000000e+00 : f32
    %jit3A_478 = arith.constant 1.500000e+01 : f32
    %max3A_479 = vector.broadcast %jit3A_477 : f32 to vector<1x128xf32>
    %max3A_480 = arith.maximumf %max3A_479, %mul3A_464 : vector<1x128xf32>
    %min3A_481 = vector.broadcast %jit3A_478 : f32 to vector<1x128xf32>
    %min3A_482 = arith.minimumf %min3A_481, %max3A_480 : vector<1x128xf32>
    %convert_element_type3A_483 = arith.fptosi %min3A_482 : vector<1x128xf32> to vector<1x128xi32>
    %jit3A_484 = arith.constant 0.000000e+00 : f32
    %jit3A_485 = arith.constant 1.500000e+01 : f32
    %max3A_486 = vector.broadcast %jit3A_484 : f32 to vector<1x128xf32>
    %max3A_487 = arith.maximumf %max3A_486, %mul3A_468 : vector<1x128xf32>
    %min3A_488 = vector.broadcast %jit3A_485 : f32 to vector<1x128xf32>
    %min3A_489 = arith.minimumf %min3A_488, %max3A_487 : vector<1x128xf32>
    %convert_element_type3A_490 = arith.fptosi %min3A_489 : vector<1x128xf32> to vector<1x128xi32>
    %reshape3A_491 = vector.shape_cast %get3A_432 : vector<16x4x16x16xf32> to vector<1024x16xf32>
    %iota3A_492 = tpu.iota {dimensions = array<i32: 0>} : vector<16x128xi32>
    %eq3A_493 = vector.broadcast %convert_element_type3A_483 : vector<1x128xi32> to vector<16x128xi32>
    %eq3A_494 = arith.cmpi eq, %iota3A_492, %eq3A_493 : vector<16x128xi32>
    %convert_element_type3A_495 = arith.extui %eq3A_494 : vector<16x128xi1> to vector<16x128xi32>
    %convert_element_type3A_496 = arith.sitofp %convert_element_type3A_495 : vector<16x128xi32> to vector<16x128xf32>
    %dot_general3A_497 = arith.constant dense<0.000000e+00> : vector<1024x128xf32>
    %dot_general3A_498 = tpu.matmul %reshape3A_491, %convert_element_type3A_496, %dot_general3A_497 {dimension_numbers = #tpu.dot_dimension_numbers<[1], [0], [0], [1], [0, 0, 1, 1], [], []>, transpose_lhs_hint = false} : vector<1024x16xf32>, vector<16x128xf32>, vector<1024x128xf32> -> vector<1024x128xf32>
    %iota3A_499 = tpu.iota {dimensions = array<i32: 0>} : vector<1024x128xi32>
    %iota3A_500 = tpu.iota {dimensions = array<i32: 1>} : vector<1024x128xi32>
    %jit3A_501 = arith.constant 64 : i32
    %div3A_502 = vector.broadcast %jit3A_501 : i32 to vector<1024x128xi32>
    %div3A_503 = arith.divsi %iota3A_499, %div3A_502 : vector<1024x128xi32>
    %sign3A_504 = arith.constant 0 : i32
    %sign3A_505 = vector.broadcast %sign3A_504 : i32 to vector<1024x128xi32>
    %sign3A_506 = arith.cmpi sgt, %iota3A_499, %sign3A_505 : vector<1024x128xi32>
    %sign3A_507 = arith.extui %sign3A_506 : vector<1024x128xi1> to vector<1024x128xi32>
    %sign3A_508 = arith.constant 0 : i32
    %sign3A_509 = vector.broadcast %sign3A_508 : i32 to vector<1024x128xi32>
    %sign3A_510 = arith.cmpi slt, %iota3A_499, %sign3A_509 : vector<1024x128xi32>
    %sign3A_511 = arith.extui %sign3A_510 : vector<1024x128xi1> to vector<1024x128xi32>
    %sign3A_512 = arith.subi %sign3A_507, %sign3A_511 : vector<1024x128xi32>
    %sign3A_513 = arith.constant 0 : i32
    %sign3A_514 = arith.cmpi sgt, %jit3A_501, %sign3A_513 : i32
    %sign3A_515 = arith.extui %sign3A_514 : i1 to i32
    %sign3A_516 = arith.constant 0 : i32
    %sign3A_517 = arith.cmpi slt, %jit3A_501, %sign3A_516 : i32
    %sign3A_518 = arith.extui %sign3A_517 : i1 to i32
    %sign3A_519 = arith.subi %sign3A_515, %sign3A_518 : i32
    %ne3A_520 = vector.broadcast %sign3A_519 : i32 to vector<1024x128xi32>
    %ne3A_521 = arith.cmpi ne, %sign3A_512, %ne3A_520 : vector<1024x128xi32>
    %rem3A_522 = vector.broadcast %jit3A_501 : i32 to vector<1024x128xi32>
    %rem3A_523 = arith.remsi %iota3A_499, %rem3A_522 : vector<1024x128xi32>
    %ne3A_524 = arith.constant 0 : i32
    %ne3A_525 = vector.broadcast %ne3A_524 : i32 to vector<1024x128xi32>
    %ne3A_526 = arith.cmpi ne, %rem3A_523, %ne3A_525 : vector<1024x128xi32>
    %and3A_527 = arith.andi %ne3A_521, %ne3A_526 : vector<1024x128xi1>
    %sub3A_528 = arith.constant 1 : i32
    %sub3A_529 = vector.broadcast %sub3A_528 : i32 to vector<1024x128xi32>
    %sub3A_530 = arith.subi %div3A_503, %sub3A_529 : vector<1024x128xi32>
    %select_n3A_531 = arith.select %and3A_527, %sub3A_530, %div3A_503 : vector<1024x128xi1>, vector<1024x128xi32>
    %shift_right_arithmetic3A_532 = arith.constant 3 : i32
    %shift_right_arithmetic3A_533 = vector.broadcast %shift_right_arithmetic3A_532 : i32 to vector<1024x128xi32>
    %shift_right_arithmetic3A_534 = arith.shrsi %iota3A_500, %shift_right_arithmetic3A_533 : vector<1024x128xi32>
    %eq3A_535 = arith.cmpi eq, %select_n3A_531, %shift_right_arithmetic3A_534 : vector<1024x128xi32>
    %jit3A_536 = arith.constant 16 : i32
    %eq3A_537 = arith.constant 0 : i32
    %eq3A_538 = arith.cmpi eq, %jit3A_536, %eq3A_537 : i32
    %jit3A_539 = arith.constant 1 : i32
    %select_n3A_540 = arith.select %eq3A_538, %jit3A_539, %jit3A_536 : i32
    %rem3A_541 = vector.broadcast %select_n3A_540 : i32 to vector<1024x128xi32>
    %rem3A_542 = arith.remsi %iota3A_499, %rem3A_541 : vector<1024x128xi32>
    %ne3A_543 = arith.constant 0 : i32
    %ne3A_544 = vector.broadcast %ne3A_543 : i32 to vector<1024x128xi32>
    %ne3A_545 = arith.cmpi ne, %rem3A_542, %ne3A_544 : vector<1024x128xi32>
    %lt3A_546 = arith.constant 0 : i32
    %lt3A_547 = vector.broadcast %lt3A_546 : i32 to vector<1024x128xi32>
    %lt3A_548 = arith.cmpi slt, %rem3A_542, %lt3A_547 : vector<1024x128xi32>
    %lt3A_549 = arith.constant 0 : i32
    %lt3A_550 = arith.cmpi slt, %select_n3A_540, %lt3A_549 : i32
    %ne3A_551 = vector.broadcast %lt3A_550 : i1 to vector<1024x128xi1>
    %ne3A_552 = vector.broadcast %ne3A_551 : vector<1024x128xi1> to vector<1024x128xi1>
    %ne3A_553 = arith.xori %lt3A_548, %ne3A_552 : vector<1024x128xi1>
    %and3A_554 = arith.andi %ne3A_553, %ne3A_545 : vector<1024x128xi1>
    %add3A_555 = vector.broadcast %select_n3A_540 : i32 to vector<1024x128xi32>
    %add3A_556 = arith.addi %rem3A_542, %add3A_555 : vector<1024x128xi32>
    %select_n3A_557 = arith.select %and3A_554, %add3A_556, %rem3A_542 : vector<1024x128xi1>, vector<1024x128xi32>
    %eq3A_558 = vector.broadcast %convert_element_type3A_490 : vector<1x128xi32> to vector<1024x128xi32>
    %eq3A_559 = arith.cmpi eq, %select_n3A_557, %eq3A_558 : vector<1024x128xi32>
    %and3A_560 = arith.andi %eq3A_535, %eq3A_559 : vector<1024x128xi1>
    %convert_element_type3A_561 = arith.extui %and3A_560 : vector<1024x128xi1> to vector<1024x128xi32>
    %convert_element_type3A_562 = arith.sitofp %convert_element_type3A_561 : vector<1024x128xi32> to vector<1024x128xf32>
    %mul3A_563 = arith.mulf %dot_general3A_498, %convert_element_type3A_562 : vector<1024x128xf32>
    %reshape3A_564 = vector.shape_cast %mul3A_563 : vector<1024x128xf32> to vector<64x16x128xf32>
    %reduce_sum3A_565 = arith.constant dense<0.000000e+00> : vector<64x128xf32>
    %reduce_sum3A_566 = vector.multi_reduction <add>, %reshape3A_564, %reduce_sum3A_565 [1] : vector<64x16x128xf32> to vector<64x128xf32>
    %reshape3A_567 = vector.shape_cast %reduce_sum3A_566 : vector<64x128xf32> to vector<16x4x128xf32>
    %reduce_sum3A_568 = arith.constant dense<0.000000e+00> : vector<4x128xf32>
    %reduce_sum3A_569 = vector.multi_reduction <add>, %reshape3A_567, %reduce_sum3A_568 [0] : vector<16x4x128xf32> to vector<4x128xf32>
    %slice3A_570 = vector.extract_strided_slice %reduce_sum3A_569 {offsets = [0, 0], sizes = [1, 128], strides = [1, 1]} : vector<4x128xf32> to vector<1x128xf32>
    %neg3A_571 = arith.constant 0.000000e+00 : f32
    %neg3A_572 = vector.broadcast %neg3A_571 : f32 to vector<1x128xf32>
    %neg3A_573 = arith.subf %neg3A_572, %slice3A_570 : vector<1x128xf32>
    %exp3A_574 = math.exp %neg3A_573 : vector<1x128xf32>
    %add3A_575 = arith.constant 1.000000e+00 : f32
    %add3A_576 = vector.broadcast %add3A_575 : f32 to vector<1x128xf32>
    %add3A_577 = arith.addf %add3A_576, %exp3A_574 : vector<1x128xf32>
    %div3A_578 = arith.constant 1.000000e+00 : f32
    %div3A_579 = vector.broadcast %div3A_578 : f32 to vector<1x128xf32>
    %div3A_580 = arith.divf %div3A_579, %add3A_577 : vector<1x128xf32>
    %slice3A_581 = vector.extract_strided_slice %reduce_sum3A_569 {offsets = [1, 0], sizes = [1, 128], strides = [1, 1]} : vector<4x128xf32> to vector<1x128xf32>
    %neg3A_582 = arith.constant 0.000000e+00 : f32
    %neg3A_583 = vector.broadcast %neg3A_582 : f32 to vector<1x128xf32>
    %neg3A_584 = arith.subf %neg3A_583, %slice3A_581 : vector<1x128xf32>
    %exp3A_585 = math.exp %neg3A_584 : vector<1x128xf32>
    %add3A_586 = arith.constant 1.000000e+00 : f32
    %add3A_587 = vector.broadcast %add3A_586 : f32 to vector<1x128xf32>
    %add3A_588 = arith.addf %add3A_587, %exp3A_585 : vector<1x128xf32>
    %div3A_589 = arith.constant 1.000000e+00 : f32
    %div3A_590 = vector.broadcast %div3A_589 : f32 to vector<1x128xf32>
    %div3A_591 = arith.divf %div3A_590, %add3A_588 : vector<1x128xf32>
    %slice3A_592 = vector.extract_strided_slice %reduce_sum3A_569 {offsets = [2, 0], sizes = [1, 128], strides = [1, 1]} : vector<4x128xf32> to vector<1x128xf32>
    %jit3A_593 = arith.constant -4.000000e+00 : f32
    %jit3A_594 = arith.constant 4.000000e+00 : f32
    %max3A_595 = vector.broadcast %jit3A_593 : f32 to vector<1x128xf32>
    %max3A_596 = arith.maximumf %max3A_595, %slice3A_592 : vector<1x128xf32>
    %min3A_597 = vector.broadcast %jit3A_594 : f32 to vector<1x128xf32>
    %min3A_598 = arith.minimumf %min3A_597, %max3A_596 : vector<1x128xf32>
    %exp3A_599 = math.exp %min3A_598 : vector<1x128xf32>
    %slice3A_600 = vector.extract_strided_slice %reduce_sum3A_569 {offsets = [3, 0], sizes = [1, 128], strides = [1, 1]} : vector<4x128xf32> to vector<1x128xf32>
    %jit3A_601 = arith.constant -4.000000e+00 : f32
    %jit3A_602 = arith.constant 4.000000e+00 : f32
    %max3A_603 = vector.broadcast %jit3A_601 : f32 to vector<1x128xf32>
    %max3A_604 = arith.maximumf %max3A_603, %slice3A_600 : vector<1x128xf32>
    %min3A_605 = vector.broadcast %jit3A_602 : f32 to vector<1x128xf32>
    %min3A_606 = arith.minimumf %min3A_605, %max3A_604 : vector<1x128xf32>
    %exp3A_607 = math.exp %min3A_606 : vector<1x128xf32>
    %convert_element_type3A_608 = arith.sitofp %convert_element_type3A_483 : vector<1x128xi32> to vector<1x128xf32>
    %add3A_609 = arith.addf %convert_element_type3A_608, %div3A_580 : vector<1x128xf32>
    %convert_element_type3A_610 = arith.sitofp %convert_element_type3A_490 : vector<1x128xi32> to vector<1x128xf32>
    %add3A_611 = arith.addf %convert_element_type3A_610, %div3A_591 : vector<1x128xf32>
    %mul3A_612 = arith.constant 5.000000e-01 : f32
    %mul3A_613 = vector.broadcast %mul3A_612 : f32 to vector<1x128xf32>
    %mul3A_614 = arith.mulf %exp3A_599, %mul3A_613 : vector<1x128xf32>
    %sub3A_615 = arith.subf %add3A_609, %mul3A_614 : vector<1x128xf32>
    %mul3A_616 = arith.constant 5.000000e-01 : f32
    %mul3A_617 = vector.broadcast %mul3A_616 : f32 to vector<1x128xf32>
    %mul3A_618 = arith.mulf %mul3A_472, %mul3A_617 : vector<1x128xf32>
    %sub3A_619 = arith.subf %mul3A_464, %mul3A_618 : vector<1x128xf32>
    %sub3A_620 = arith.subf %sub3A_615, %sub3A_619 : vector<1x128xf32>
    %abs3A_621 = math.absf %sub3A_620 : vector<1x128xf32>
    %lt3A_622 = arith.constant 1.000000e+00 : f32
    %lt3A_623 = vector.broadcast %lt3A_622 : f32 to vector<1x128xf32>
    %lt3A_624 = arith.cmpf olt, %abs3A_621, %lt3A_623 : vector<1x128xf32>
    %mul3A_625 = arith.constant 5.000000e-01 : f32
    %mul3A_626 = vector.broadcast %mul3A_625 : f32 to vector<1x128xf32>
    %mul3A_627 = arith.mulf %mul3A_626, %sub3A_620 : vector<1x128xf32>
    %mul3A_628 = arith.mulf %mul3A_627, %sub3A_620 : vector<1x128xf32>
    %sub3A_629 = arith.constant 5.000000e-01 : f32
    %sub3A_630 = vector.broadcast %sub3A_629 : f32 to vector<1x128xf32>
    %sub3A_631 = arith.subf %abs3A_621, %sub3A_630 : vector<1x128xf32>
    %select_n3A_632 = arith.select %lt3A_624, %mul3A_628, %sub3A_631 : vector<1x128xi1>, vector<1x128xf32>
    %mul3A_633 = arith.constant 5.000000e-01 : f32
    %mul3A_634 = vector.broadcast %mul3A_633 : f32 to vector<1x128xf32>
    %mul3A_635 = arith.mulf %exp3A_607, %mul3A_634 : vector<1x128xf32>
    %sub3A_636 = arith.subf %add3A_611, %mul3A_635 : vector<1x128xf32>
    %mul3A_637 = arith.constant 5.000000e-01 : f32
    %mul3A_638 = vector.broadcast %mul3A_637 : f32 to vector<1x128xf32>
    %mul3A_639 = arith.mulf %mul3A_476, %mul3A_638 : vector<1x128xf32>
    %sub3A_640 = arith.subf %mul3A_468, %mul3A_639 : vector<1x128xf32>
    %sub3A_641 = arith.subf %sub3A_636, %sub3A_640 : vector<1x128xf32>
    %abs3A_642 = math.absf %sub3A_641 : vector<1x128xf32>
    %lt3A_643 = arith.constant 1.000000e+00 : f32
    %lt3A_644 = vector.broadcast %lt3A_643 : f32 to vector<1x128xf32>
    %lt3A_645 = arith.cmpf olt, %abs3A_642, %lt3A_644 : vector<1x128xf32>
    %mul3A_646 = arith.constant 5.000000e-01 : f32
    %mul3A_647 = vector.broadcast %mul3A_646 : f32 to vector<1x128xf32>
    %mul3A_648 = arith.mulf %mul3A_647, %sub3A_641 : vector<1x128xf32>
    %mul3A_649 = arith.mulf %mul3A_648, %sub3A_641 : vector<1x128xf32>
    %sub3A_650 = arith.constant 5.000000e-01 : f32
    %sub3A_651 = vector.broadcast %sub3A_650 : f32 to vector<1x128xf32>
    %sub3A_652 = arith.subf %abs3A_642, %sub3A_651 : vector<1x128xf32>
    %select_n3A_653 = arith.select %lt3A_645, %mul3A_649, %sub3A_652 : vector<1x128xi1>, vector<1x128xf32>
    %add3A_654 = arith.addf %select_n3A_632, %select_n3A_653 : vector<1x128xf32>
    %mul3A_655 = arith.constant 5.000000e-01 : f32
    %mul3A_656 = vector.broadcast %mul3A_655 : f32 to vector<1x128xf32>
    %mul3A_657 = arith.mulf %exp3A_599, %mul3A_656 : vector<1x128xf32>
    %add3A_658 = arith.addf %add3A_609, %mul3A_657 : vector<1x128xf32>
    %mul3A_659 = arith.constant 5.000000e-01 : f32
    %mul3A_660 = vector.broadcast %mul3A_659 : f32 to vector<1x128xf32>
    %mul3A_661 = arith.mulf %mul3A_472, %mul3A_660 : vector<1x128xf32>
    %add3A_662 = arith.addf %mul3A_464, %mul3A_661 : vector<1x128xf32>
    %sub3A_663 = arith.subf %add3A_658, %add3A_662 : vector<1x128xf32>
    %abs3A_664 = math.absf %sub3A_663 : vector<1x128xf32>
    %lt3A_665 = arith.constant 1.000000e+00 : f32
    %lt3A_666 = vector.broadcast %lt3A_665 : f32 to vector<1x128xf32>
    %lt3A_667 = arith.cmpf olt, %abs3A_664, %lt3A_666 : vector<1x128xf32>
    %mul3A_668 = arith.constant 5.000000e-01 : f32
    %mul3A_669 = vector.broadcast %mul3A_668 : f32 to vector<1x128xf32>
    %mul3A_670 = arith.mulf %mul3A_669, %sub3A_663 : vector<1x128xf32>
    %mul3A_671 = arith.mulf %mul3A_670, %sub3A_663 : vector<1x128xf32>
    %sub3A_672 = arith.constant 5.000000e-01 : f32
    %sub3A_673 = vector.broadcast %sub3A_672 : f32 to vector<1x128xf32>
    %sub3A_674 = arith.subf %abs3A_664, %sub3A_673 : vector<1x128xf32>
    %select_n3A_675 = arith.select %lt3A_667, %mul3A_671, %sub3A_674 : vector<1x128xi1>, vector<1x128xf32>
    %add3A_676 = arith.addf %add3A_654, %select_n3A_675 : vector<1x128xf32>
    %mul3A_677 = arith.constant 5.000000e-01 : f32
    %mul3A_678 = vector.broadcast %mul3A_677 : f32 to vector<1x128xf32>
    %mul3A_679 = arith.mulf %exp3A_607, %mul3A_678 : vector<1x128xf32>
    %add3A_680 = arith.addf %add3A_611, %mul3A_679 : vector<1x128xf32>
    %mul3A_681 = arith.constant 5.000000e-01 : f32
    %mul3A_682 = vector.broadcast %mul3A_681 : f32 to vector<1x128xf32>
    %mul3A_683 = arith.mulf %mul3A_476, %mul3A_682 : vector<1x128xf32>
    %add3A_684 = arith.addf %mul3A_468, %mul3A_683 : vector<1x128xf32>
    %sub3A_685 = arith.subf %add3A_680, %add3A_684 : vector<1x128xf32>
    %abs3A_686 = math.absf %sub3A_685 : vector<1x128xf32>
    %lt3A_687 = arith.constant 1.000000e+00 : f32
    %lt3A_688 = vector.broadcast %lt3A_687 : f32 to vector<1x128xf32>
    %lt3A_689 = arith.cmpf olt, %abs3A_686, %lt3A_688 : vector<1x128xf32>
    %mul3A_690 = arith.constant 5.000000e-01 : f32
    %mul3A_691 = vector.broadcast %mul3A_690 : f32 to vector<1x128xf32>
    %mul3A_692 = arith.mulf %mul3A_691, %sub3A_685 : vector<1x128xf32>
    %mul3A_693 = arith.mulf %mul3A_692, %sub3A_685 : vector<1x128xf32>
    %sub3A_694 = arith.constant 5.000000e-01 : f32
    %sub3A_695 = vector.broadcast %sub3A_694 : f32 to vector<1x128xf32>
    %sub3A_696 = arith.subf %abs3A_686, %sub3A_695 : vector<1x128xf32>
    %select_n3A_697 = arith.select %lt3A_689, %mul3A_693, %sub3A_696 : vector<1x128xi1>, vector<1x128xf32>
    %add3A_698 = arith.addf %add3A_676, %select_n3A_697 : vector<1x128xf32>
    %mul3A_699 = arith.constant 2.500000e-01 : f32
    %mul3A_700 = vector.broadcast %mul3A_699 : f32 to vector<1x128xf32>
    %mul3A_701 = arith.mulf %add3A_698, %mul3A_700 : vector<1x128xf32>
    %reduce_sum3A_702 = vector.shape_cast %mul3A_701 : vector<1x128xf32> to vector<1x1x128xf32>
    %reduce_sum3A_703 = arith.constant dense<0.000000e+00> : vector<1xf32>
    %reduce_sum3A_704 = vector.multi_reduction <add>, %reduce_sum3A_702, %reduce_sum3A_703 [1, 2] : vector<1x1x128xf32> to vector<1xf32>
    %reduce_sum3A_705 = vector.shape_cast %reduce_sum3A_704 : vector<1xf32> to vector<1x1x1xf32>
    %reduce_sum3A_706 = vector.extract %reduce_sum3A_705[0, 0, 0] : f32 from vector<1x1x1xf32>
    %slice3A_707 = vector.extract_strided_slice %get3A_427 {offsets = [0, 0], sizes = [128, 1], strides = [1, 1]} : vector<128x81xf32> to vector<128x1xf32>
    %neg3A_708 = arith.constant 0.000000e+00 : f32
    %neg3A_709 = vector.broadcast %neg3A_708 : f32 to vector<128x1xf32>
    %neg3A_710 = arith.subf %neg3A_709, %slice3A_707 : vector<128x1xf32>
    %max3A_711 = arith.constant 0.000000e+00 : f32
    %max3A_712 = vector.broadcast %max3A_711 : f32 to vector<128x1xf32>
    %max3A_713 = arith.maximumf %neg3A_710, %max3A_712 : vector<128x1xf32>
    %abs3A_714 = math.absf %neg3A_710 : vector<128x1xf32>
    %neg3A_715 = arith.constant 0.000000e+00 : f32
    %neg3A_716 = vector.broadcast %neg3A_715 : f32 to vector<128x1xf32>
    %neg3A_717 = arith.subf %neg3A_716, %abs3A_714 : vector<128x1xf32>
    %exp3A_718 = math.exp %neg3A_717 : vector<128x1xf32>
    %log1p3A_719 = math.log1p %exp3A_718 : vector<128x1xf32>
    %add3A_720 = arith.addf %max3A_713, %log1p3A_719 : vector<128x1xf32>
    %reduce_sum3A_721 = vector.shape_cast %add3A_720 : vector<128x1xf32> to vector<1x128x1xf32>
    %reduce_sum3A_722 = arith.constant dense<0.000000e+00> : vector<1xf32>
    %reduce_sum3A_723 = vector.multi_reduction <add>, %reduce_sum3A_721, %reduce_sum3A_722 [1, 2] : vector<1x128x1xf32> to vector<1xf32>
    %reduce_sum3A_724 = vector.shape_cast %reduce_sum3A_723 : vector<1xf32> to vector<1x1x1xf32>
    %reduce_sum3A_725 = vector.extract %reduce_sum3A_724[0, 0, 0] : f32 from vector<1x1x1xf32>
    %iota3A_726 = tpu.iota {dimensions = array<i32: 0>} : vector<128x128xi32>
    %iota3A_727 = tpu.iota {dimensions = array<i32: 1>} : vector<128x128xi32>
    %shift_right_arithmetic3A_728 = arith.constant 3 : i32
    %shift_right_arithmetic3A_729 = vector.broadcast %shift_right_arithmetic3A_728 : i32 to vector<128x128xi32>
    %shift_right_arithmetic3A_730 = arith.shrsi %iota3A_726, %shift_right_arithmetic3A_729 : vector<128x128xi32>
    %mul3A_731 = arith.constant 256 : i32
    %mul3A_732 = vector.broadcast %mul3A_731 : i32 to vector<128x128xi32>
    %mul3A_733 = arith.muli %shift_right_arithmetic3A_730, %mul3A_732 : vector<128x128xi32>
    %mul3A_734 = arith.constant 16 : i32
    %mul3A_735 = vector.broadcast %mul3A_734 : i32 to vector<128x1xi32>
    %mul3A_736 = arith.muli %convert_element_type3A_460, %mul3A_735 : vector<128x1xi32>
    %add3A_737 = vector.broadcast %mul3A_736 : vector<128x1xi32> to vector<128x128xi32>
    %add3A_738 = arith.addi %mul3A_733, %add3A_737 : vector<128x128xi32>
    %add3A_739 = vector.broadcast %convert_element_type3A_449 : vector<128x1xi32> to vector<128x128xi32>
    %add3A_740 = arith.addi %add3A_738, %add3A_739 : vector<128x128xi32>
    %shift_right_arithmetic3A_741 = arith.constant 3 : i32
    %shift_right_arithmetic3A_742 = vector.broadcast %shift_right_arithmetic3A_741 : i32 to vector<128x128xi32>
    %shift_right_arithmetic3A_743 = arith.shrsi %iota3A_727, %shift_right_arithmetic3A_742 : vector<128x128xi32>
    %mul3A_744 = arith.constant 256 : i32
    %mul3A_745 = vector.broadcast %mul3A_744 : i32 to vector<128x128xi32>
    %mul3A_746 = arith.muli %shift_right_arithmetic3A_743, %mul3A_745 : vector<128x128xi32>
    %mul3A_747 = arith.constant 16 : i32
    %mul3A_748 = vector.broadcast %mul3A_747 : i32 to vector<1x128xi32>
    %mul3A_749 = arith.muli %convert_element_type3A_490, %mul3A_748 : vector<1x128xi32>
    %add3A_750 = vector.broadcast %mul3A_749 : vector<1x128xi32> to vector<128x128xi32>
    %add3A_751 = arith.addi %mul3A_746, %add3A_750 : vector<128x128xi32>
    %add3A_752 = vector.broadcast %convert_element_type3A_483 : vector<1x128xi32> to vector<128x128xi32>
    %add3A_753 = arith.addi %add3A_751, %add3A_752 : vector<128x128xi32>
    %eq3A_754 = arith.cmpi eq, %add3A_740, %add3A_753 : vector<128x128xi32>
    %lt3A_755 = arith.cmpi slt, %iota3A_727, %iota3A_726 : vector<128x128xi32>
    %and3A_756 = arith.andi %eq3A_754, %lt3A_755 : vector<128x128xi1>
    %convert_element_type3A_757 = arith.extui %and3A_756 : vector<128x128xi1> to vector<128x128xi32>
    %convert_element_type3A_758 = arith.sitofp %convert_element_type3A_757 : vector<128x128xi32> to vector<128x128xf32>
    %reduce_max3A_759 = arith.constant dense<0xFF800000> : vector<128xf32>
    %reduce_max3A_760 = vector.multi_reduction <maximumf>, %convert_element_type3A_758, %reduce_max3A_759 [1] : vector<128x128xf32> to vector<128xf32>
    %broadcast_in_dim3A_761 = vector.shape_cast %reduce_max3A_760 : vector<128xf32> to vector<128x1xf32>
    %sub3A_762 = arith.constant 1.000000e+00 : f32
    %sub3A_763 = vector.broadcast %sub3A_762 : f32 to vector<128x1xf32>
    %sub3A_764 = arith.subf %sub3A_763, %broadcast_in_dim3A_761 : vector<128x1xf32>
    %max3A_765 = arith.constant 0.000000e+00 : f32
    %max3A_766 = vector.broadcast %max3A_765 : f32 to vector<128x1xf32>
    %max3A_767 = arith.maximumf %slice3A_707, %max3A_766 : vector<128x1xf32>
    %abs3A_768 = math.absf %slice3A_707 : vector<128x1xf32>
    %neg3A_769 = arith.constant 0.000000e+00 : f32
    %neg3A_770 = vector.broadcast %neg3A_769 : f32 to vector<128x1xf32>
    %neg3A_771 = arith.subf %neg3A_770, %abs3A_768 : vector<128x1xf32>
    %exp3A_772 = math.exp %neg3A_771 : vector<128x1xf32>
    %log1p3A_773 = math.log1p %exp3A_772 : vector<128x1xf32>
    %add3A_774 = arith.addf %max3A_767, %log1p3A_773 : vector<128x1xf32>
    %mul3A_775 = arith.mulf %sub3A_764, %add3A_774 : vector<128x1xf32>
    %reduce_sum3A_776 = vector.shape_cast %mul3A_775 : vector<128x1xf32> to vector<1x128x1xf32>
    %reduce_sum3A_777 = arith.constant dense<0.000000e+00> : vector<1xf32>
    %reduce_sum3A_778 = vector.multi_reduction <add>, %reduce_sum3A_776, %reduce_sum3A_777 [1, 2] : vector<1x128x1xf32> to vector<1xf32>
    %reduce_sum3A_779 = vector.shape_cast %reduce_sum3A_778 : vector<1xf32> to vector<1x1x1xf32>
    %reduce_sum3A_780 = vector.extract %reduce_sum3A_779[0, 0, 0] : f32 from vector<1x1x1xf32>
    %sub3A_781 = arith.subf %reduce_sum3A_25, %reduce_sum3A_780 : f32
    %reduce_sum3A_782 = vector.shape_cast %sub3A_764 : vector<128x1xf32> to vector<1x128x1xf32>
    %reduce_sum3A_783 = arith.constant dense<0.000000e+00> : vector<1xf32>
    %reduce_sum3A_784 = vector.multi_reduction <add>, %reduce_sum3A_782, %reduce_sum3A_783 [1, 2] : vector<1x128x1xf32> to vector<1xf32>
    %reduce_sum3A_785 = vector.shape_cast %reduce_sum3A_784 : vector<1xf32> to vector<1x1x1xf32>
    %reduce_sum3A_786 = vector.extract %reduce_sum3A_785[0, 0, 0] : f32 from vector<1x1x1xf32>
    %sub3A_787 = arith.constant 4.096000e+03 : f32
    %sub3A_788 = arith.subf %sub3A_787, %reduce_sum3A_786 : f32
    %mul3A_789 = arith.constant 5.000000e-02 : f32
    %mul3A_790 = arith.mulf %mul3A_789, %sub3A_781 : f32
    %div3A_791 = arith.divf %mul3A_790, %sub3A_788 : f32
    %add3A_792 = arith.addf %reduce_sum3A_725, %div3A_791 : f32
    %slice3A_793 = vector.extract_strided_slice %get3A_427 {offsets = [0, 1], sizes = [128, 80], strides = [1, 1]} : vector<128x81xf32> to vector<128x80xf32>
    %iota3A_794 = tpu.iota {dimensions = array<i32: 1>} : vector<128x80xi32>
    %eq3A_795 = vector.broadcast %convert_element_type3A_438 : vector<128x1xi32> to vector<128x80xi32>
    %eq3A_796 = arith.cmpi eq, %iota3A_794, %eq3A_795 : vector<128x80xi32>
    %convert_element_type3A_797 = arith.extui %eq3A_796 : vector<128x80xi1> to vector<128x80xi32>
    %convert_element_type3A_798 = arith.sitofp %convert_element_type3A_797 : vector<128x80xi32> to vector<128x80xf32>
    %max3A_799 = arith.constant 0.000000e+00 : f32
    %max3A_800 = vector.broadcast %max3A_799 : f32 to vector<128x80xf32>
    %max3A_801 = arith.maximumf %slice3A_793, %max3A_800 : vector<128x80xf32>
    %abs3A_802 = math.absf %slice3A_793 : vector<128x80xf32>
    %neg3A_803 = arith.constant 0.000000e+00 : f32
    %neg3A_804 = vector.broadcast %neg3A_803 : f32 to vector<128x80xf32>
    %neg3A_805 = arith.subf %neg3A_804, %abs3A_802 : vector<128x80xf32>
    %exp3A_806 = math.exp %neg3A_805 : vector<128x80xf32>
    %log1p3A_807 = math.log1p %exp3A_806 : vector<128x80xf32>
    %add3A_808 = arith.addf %max3A_801, %log1p3A_807 : vector<128x80xf32>
    %mul3A_809 = arith.mulf %slice3A_793, %convert_element_type3A_798 : vector<128x80xf32>
    %sub3A_810 = arith.subf %add3A_808, %mul3A_809 : vector<128x80xf32>
    %neg3A_811 = arith.constant 0.000000e+00 : f32
    %neg3A_812 = vector.broadcast %neg3A_811 : f32 to vector<128x80xf32>
    %neg3A_813 = arith.subf %neg3A_812, %slice3A_793 : vector<128x80xf32>
    %exp3A_814 = math.exp %neg3A_813 : vector<128x80xf32>
    %add3A_815 = arith.constant 1.000000e+00 : f32
    %add3A_816 = vector.broadcast %add3A_815 : f32 to vector<128x80xf32>
    %add3A_817 = arith.addf %add3A_816, %exp3A_814 : vector<128x80xf32>
    %div3A_818 = arith.constant 1.000000e+00 : f32
    %div3A_819 = vector.broadcast %div3A_818 : f32 to vector<128x80xf32>
    %div3A_820 = arith.divf %div3A_819, %add3A_817 : vector<128x80xf32>
    %mul3A_821 = arith.mulf %div3A_820, %convert_element_type3A_798 : vector<128x80xf32>
    %sub3A_822 = arith.constant 1.000000e+00 : f32
    %sub3A_823 = vector.broadcast %sub3A_822 : f32 to vector<128x80xf32>
    %sub3A_824 = arith.subf %sub3A_823, %div3A_820 : vector<128x80xf32>
    %sub3A_825 = arith.constant 1.000000e+00 : f32
    %sub3A_826 = vector.broadcast %sub3A_825 : f32 to vector<128x80xf32>
    %sub3A_827 = arith.subf %sub3A_826, %convert_element_type3A_798 : vector<128x80xf32>
    %mul3A_828 = arith.mulf %sub3A_824, %sub3A_827 : vector<128x80xf32>
    %add3A_829 = arith.addf %mul3A_821, %mul3A_828 : vector<128x80xf32>
    %sub3A_830 = arith.constant 1.000000e+00 : f32
    %sub3A_831 = vector.broadcast %sub3A_830 : f32 to vector<128x80xf32>
    %sub3A_832 = arith.subf %sub3A_831, %add3A_829 : vector<128x80xf32>
    %mul3A_833 = arith.constant 2.500000e-01 : f32
    %mul3A_834 = vector.broadcast %mul3A_833 : f32 to vector<128x80xf32>
    %mul3A_835 = arith.mulf %mul3A_834, %sub3A_832 : vector<128x80xf32>
    %mul3A_836 = arith.mulf %mul3A_835, %sub3A_832 : vector<128x80xf32>
    %mul3A_837 = arith.mulf %mul3A_836, %sub3A_810 : vector<128x80xf32>
    %reduce_sum3A_838 = vector.shape_cast %mul3A_837 : vector<128x80xf32> to vector<1x128x80xf32>
    %reduce_sum3A_839 = arith.constant dense<0.000000e+00> : vector<1xf32>
    %reduce_sum3A_840 = vector.multi_reduction <add>, %reduce_sum3A_838, %reduce_sum3A_839 [1, 2] : vector<1x128x80xf32> to vector<1xf32>
    %reduce_sum3A_841 = vector.shape_cast %reduce_sum3A_840 : vector<1xf32> to vector<1x1x1xf32>
    %reduce_sum3A_842 = vector.extract %reduce_sum3A_841[0, 0, 0] : f32 from vector<1x1x1xf32>
    %mul3A_843 = arith.constant 1.250000e-02 : f32
    %mul3A_844 = arith.mulf %reduce_sum3A_842, %mul3A_843 : f32
    %add3A_845 = arith.addf %reduce_sum3A_288, %reduce_sum3A_706 : f32
    %mul3A_846 = arith.constant 2.000000e+00 : f32
    %mul3A_847 = arith.mulf %mul3A_846, %add3A_845 : f32
    %div3A_848 = arith.constant 2.560000e+02 : f32
    %div3A_849 = arith.divf %mul3A_847, %div3A_848 : f32
    %add3A_850 = arith.addf %add3A_372, %add3A_792 : f32
    %mul3A_851 = arith.constant 1.000000e+00 : f32
    %mul3A_852 = arith.mulf %mul3A_851, %add3A_850 : f32
    %div3A_853 = arith.constant 2.560000e+02 : f32
    %div3A_854 = arith.divf %mul3A_852, %div3A_853 : f32
    %add3A_855 = arith.addf %div3A_849, %div3A_854 : f32
    %add3A_856 = arith.addf %mul3A_424, %mul3A_844 : f32
    %mul3A_857 = arith.constant 5.000000e-01 : f32
    %mul3A_858 = arith.mulf %mul3A_857, %add3A_856 : f32
    %div3A_859 = arith.constant 2.560000e+02 : f32
    %div3A_860 = arith.divf %mul3A_858, %div3A_859 : f32
    %add3A_861 = arith.addf %add3A_855, %div3A_860 : f32
    %swap3A = arith.constant 0 : index
    %swap3A_862 = arith.constant 0 : index
    %swap3A_863 = memref.load %arg9[%swap3A, %swap3A_862] : memref<1x1xf32, #tpu.memory_space<smem>>
    memref.store %add3A_861, %arg9[%swap3A, %swap3A_862] : memref<1x1xf32, #tpu.memory_space<smem>>
    return
  }
  func.func @transform_0(%arg0: i32) -> i32 {
    %c0_i32 = arith.constant 0 : i32
    %c0_i32_0 = arith.constant 0 : i32
    return %c0_i32 : i32
  }
  func.func @transform_1(%arg0: i32) -> i32 {
    %c0_i32 = arith.constant 0 : i32
    %c0_i32_0 = arith.constant 0 : i32
    return %c0_i32 : i32
  }
  func.func @transform_2(%arg0: i32) -> (i32, i32) {
    %c0_i32 = arith.constant 0 : i32
    %c0_i32_0 = arith.constant 0 : i32
    %c0_i32_1 = arith.constant 0 : i32
    return %c0_i32, %c0_i32_0 : i32, i32
  }
  func.func @transform_3(%arg0: i32) -> (i32, i32) {
    %c0_i32 = arith.constant 0 : i32
    %c0_i32_0 = arith.constant 0 : i32
    %c0_i32_1 = arith.constant 0 : i32
    return %c0_i32, %c0_i32_0 : i32, i32
  }
  func.func @transform_4(%arg0: i32) -> (i32, i32, i32, i32) {
    %c0_i32 = arith.constant 0 : i32
    %c0_i32_0 = arith.constant 0 : i32
    %c0_i32_1 = arith.constant 0 : i32
    %c0_i32_2 = arith.constant 0 : i32
    %c0_i32_3 = arith.constant 0 : i32
    return %c0_i32, %c0_i32_0, %c0_i32_1, %c0_i32_2 : i32, i32, i32, i32
  }
  func.func @transform_5(%arg0: i32) -> (i32, i32, i32, i32) {
    %c0_i32 = arith.constant 0 : i32
    %c0_i32_0 = arith.constant 0 : i32
    %c0_i32_1 = arith.constant 0 : i32
    %c0_i32_2 = arith.constant 0 : i32
    %c0_i32_3 = arith.constant 0 : i32
    return %c0_i32, %c0_i32_0, %c0_i32_1, %c0_i32_2 : i32, i32, i32, i32
  }
  func.func @transform_6(%arg0: i32) -> (i32, i32) {
    %c0_i32 = arith.constant 0 : i32
    %c0_i32_0 = arith.constant 0 : i32
    %c0_i32_1 = arith.constant 0 : i32
    return %c0_i32, %c0_i32_0 : i32, i32
  }
  func.func @transform_7(%arg0: i32) -> (i32, i32) {
    %c0_i32 = arith.constant 0 : i32
    %c0_i32_0 = arith.constant 0 : i32
    %c0_i32_1 = arith.constant 0 : i32
    return %c0_i32, %c0_i32_0 : i32, i32
  }
  func.func @transform_8(%arg0: i32) -> (i32, i32) {
    %c0_i32 = arith.constant 0 : i32
    %c0_i32_0 = arith.constant 0 : i32
    %c0_i32_1 = arith.constant 0 : i32
    return %c0_i32, %c0_i32_0 : i32, i32
  }
}

</mosaic_0001>

<sc_bundles>
// kernel: kernel.4.cloned.1.call-start
scs
__scs_entry_jumppad:
0x0: {  	(pc) =	sbr.rel $0x88, $3  }
0x1: {  	(tag) =	ssettag $0x0;
	lr =	simm.s32 $0x1  }
0x2: {  	[smem:$0x3F9B] =	sst lr;
	_ =	strace $0xD0000000  }
0x3: {  	_ = 	snop  }
0x4: {  	_ = 	snop  }
0x5: {  	_ = 	snop  }
0x6: {  	_ = 	snop  }
0x7: {  	_ = 	snop  }
__scs_overlays_trampoline_lowered:
0x8: {  	[smem:$0x3FAA] =	sst s0  }
0x9: {  	[smem:$0x3FAB] =	sst s1  }
0xa: {  	[smem:$0x3FAC] =	sst s2  }
0xb: {  	[smem:$0x3FAD] =	sst s3  }
0xc: {  	[smem:$0x3FAE] =	sst s4  }
0xd: {  	[smem:$0x3FAF] =	sst s5  }
0xe: {  	[smem:$0x3FB0] =	sst s6  }
0xf: {  	[smem:$0x3FB1] =	sst s7  }
0x10: {  	[smem:$0x3FB2] =	sst s8  }
0x11: {  	[smem:$0x3FB3] =	sst s9;
	s0 =	simm.s32 @!p0 $0x0  }
0x12: {  	s1 =	sld [smem:$0x3F99];
	s0 =	simm.s32 @p0 $0x1  }
0x13: {  	[smem:$0x3FB4] =	sst s0;
	s0 =	simm.s32 @!p1 $0x0  }
0x14: {  	s2 =	sld [smem:$0x3F98];
	s0 =	simm.s32 @p1 $0x1  }
0x15: {  	[smem:$0x3FB5] =	sst s0;
	s0 =	simm.s32 @!p2 $0x0  }
0x16: {  	s3 =	sld [smem:$0x3FDB];
	s0 =	simm.s32 @p2 $0x1  }
0x17: {  	s4 =	simm.s32 $0x1BF5;
	[smem:$0x3FB7] =	sst s0  }
0x18: {  	s0 =	sld [smem:$0x3F9A];
	_ =	swait.ge [sflag:s4], $0x0  }
0x19: {  	s7 =	sld [smem:$0x3F9B]  }
0x1a: {  	s8 =	sadd.s32 $0xFFFFE003, lr  }
0x1b: {  	s9 =	sadd.s32 $0xFFFFFEF7, lr;
	s5 =	simm.s32 $0xFFFFFFFF;
	p2 =	slt.u32 s8, $0xFFFFF086  }
0x1c: {  	p1 =	slt.u32 s9, $0xF7A;
	s5 =	simm.s32 @!p2 $0x0  }
0x1d: {  	s5 =	simm.s32 @p1 $0x1;
	p0 =	seq.s32 s7, s2  }
0x1e: {  	s7 =	smul.u32 @!p0 $0xF7A, s2;
	p2 =	seq.s32 @!p0 s5, $0x0  }
0x1f: {  	s9 =	smul.u32 $0xF7A, s1;
	s8 =	simm.s32 @!p0 $0x1BF5;
	p2 =	por !p2, p0  }
0x20: {  	[sflag:s8] =	ssyncset.s32 @!p0 $0xFFFFF086;
	s6 =	sadd.s32 @!p0 s3, s7;
	s7 =	simm.s32 @!p0 $0x108  }
0x21: {  	s3 =	sadd.s32 s3, s9;
	s6 =	sadd.s32 @!p0 $0x88, s6;
	s7 =	simm.s32 @p2 $0x1082  }
0x22: {  	[simem:s7], [sflag:s8] =	dma.local @!p0 [hbm:s6], $0xF7A  }
0x23: {  	s9 =	sor.u32 $0xD0000000, s2;
	s6 =	simm.s32 $0x108;
	_ =	swait.ge @!p0 [sflag:s8], $0x0  }
0x24: {  	s3 =	sadd.s32 $0x88, s3;
	s6 =	simm.s32 @!p1 $0x1082;
	[sflag:s4] =	ssyncset.s32 $0xFFFFF086  }
0x25: {  	[simem:s6], [sflag:s4] =	dma.local [hbm:s3], $0xF7A  }
0x26: {  	[smem:$0x3F9B] =	sst s1;
	(tag) =	ssettag s2;
	_ =	strace s9  }
0x27: {  	s1 =	sld [smem:$0x3FAB]  }
0x28: {  	s2 =	sld [smem:$0x3FAC]  }
0x29: {  	s4 =	sld [smem:$0x3FAE]  }
0x2a: {  	p0 =	seq.s32 s5, $0x0;
	s5 =	sld [smem:$0x3FAF]  }
0x2b: {  	s6 =	sld [smem:$0x3FB0]  }
0x2c: {  	s7 =	sld [smem:$0x3FB1]  }
0x2d: {  	s3 =	simm.s32 $0x108;
	s8 =	sld [smem:$0x3FB2]  }
0x2e: {  	s3 =	simm.s32 @!p0 $0x1082;
	s9 =	sld [smem:$0x3FB3]  }
0x2f: {  	lr =	sadd.s32 s0, s3;
	s0 =	sld [smem:$0x3FAA]  }
0x30: {  	s3 =	sld [smem:$0x3FAD]  }
0x31: {  	[smem:$0x3FB6] =	sst s10  }
0x32: {  	s10 =	sld [smem:$0x3FB4];
	_ =	sdelay $0x3  }
0x33: {  	p0 =	seq.s32 s10, $0x1;
	s10 =	sld [smem:$0x3FB6];
	_ =	sdelay $0x3  }
0x34: {  	[smem:$0x3FB6] =	sst s10  }
0x35: {  	s10 =	sld [smem:$0x3FB5];
	_ =	sdelay $0x3  }
0x36: {  	p1 =	seq.s32 s10, $0x1;
	s10 =	sld [smem:$0x3FB6];
	_ =	sdelay $0x3  }
0x37: {  	[smem:$0x3FB6] =	sst s10  }
0x38: {  	s10 =	sld [smem:$0x3FB7]  }
0x39: {  	_ = 	snop;
	(pc) =	sbr.ind lr, $3  }
0x3a: {  	_ = 	snop  }
0x3b: {  	_ = 	snop  }
0x3c: {  	p2 =	seq.s32 s10, $0x1;
	s10 =	sld [smem:$0x3FB6]  }
0x3d: {  	_ =	shalt  }
0x3e: {  	_ =	shalt  }
0x3f: {  	_ =	shalt  }
0x40: {  	_ =	shalt  }
0x41: {  	_ =	shalt  }
0x42: {  	_ =	shalt  }
0x43: {  	_ =	shalt  }
0x44: {  	_ =	shalt  }
0x45: {  	_ =	shalt  }
0x46: {  	_ =	shalt  }
0x47: {  	_ =	shalt  }
0x48: {  	_ =	shalt  }
0x49: {  	_ =	shalt  }
0x4a: {  	_ =	shalt  }
0x4b: {  	_ =	shalt  }
0x4c: {  	_ =	shalt  }
0x4d: {  	_ =	shalt  }
0x4e: {  	_ =	shalt  }
0x4f: {  	_ =	shalt  }
0x50: {  	_ =	shalt  }
0x51: {  	_ =	shalt  }
0x52: {  	_ =	shalt  }
0x53: {  	_ =	shalt  }
0x54: {  	_ =	shalt  }
0x55: {  	_ =	shalt  }
0x56: {  	_ =	shalt  }
0x57: {  	_ =	shalt  }
0x58: {  	_ =	shalt  }
0x59: {  	_ =	shalt  }
0x5a: {  	_ =	shalt  }
0x5b: {  	_ =	shalt  }
0x5c: {  	_ =	shalt  }
0x5d: {  	_ =	shalt  }
0x5e: {  	_ =	shalt  }
0x5f: {  	_ =	shalt  }
0x60: {  	_ =	shalt  }
0x61: {  	_ =	shalt  }
0x62: {  	_ =	shalt  }
0x63: {  	_ =	shalt  }
0x64: {  	_ =	shalt  }
0x65: {  	_ =	shalt  }
0x66: {  	_ =	shalt  }
0x67: {  	_ =	shalt  }
0x68: {  	_ =	shalt  }
0x69: {  	_ =	shalt  }
0x6a: {  	_ =	shalt  }
0x6b: {  	_ =	shalt  }
0x6c: {  	_ =	shalt  }
0x6d: {  	_ =	shalt  }
0x6e: {  	_ =	shalt  }
0x6f: {  	_ =	shalt  }
0x70: {  	_ =	shalt  }
0x71: {  	_ =	shalt  }
0x72: {  	_ =	shalt  }
0x73: {  	_ =	shalt  }
0x74: {  	_ =	shalt  }
0x75: {  	_ =	shalt  }
0x76: {  	_ =	shalt  }
0x77: {  	_ =	shalt  }
0x78: {  	_ =	shalt  }
0x79: {  	_ =	shalt  }
0x7a: {  	_ =	shalt  }
0x7b: {  	_ =	shalt  }
0x7c: {  	_ =	shalt  }
0x7d: {  	_ =	shalt  }
0x7e: {  	_ =	shalt  }
0x7f: {  	_ =	shalt  }
0x80: {  	_ =	shalt  }
0x81: {  	_ =	shalt  }
0x82: {  	_ =	shalt  }
0x83: {  	_ =	shalt  }
0x84: {  	_ =	shalt  }
0x85: {  	_ =	shalt  }
0x86: {  	_ =	shalt  }
0x87: {  	_ =	shalt  }
.Lfunc_end0:
.L_simem_size_0:
called_computation_lowered:
.L_overlay_start_0:
0x88: {  	s0 =	sld [smem:$0x3FD9]  }
0x89: {  	s1 =	sld [smem:$0x3FFE];
	_ =	sdelay $0x3  }
0x8a: {  	s0 =	sadd.s32 s1, s0  }
0x8b: {  	[smem:$0x3FC2] =	sst s0  }
0x8c: {  	_ = 	snop  }
0x8d: {  	s0 =	sld [smem:$0x3FC9]  }
0x8e: {  	s16 =	sld [smem:$0x3FC7]  }
0x8f: {  	s2 =	sld [smem:$0x3FC5]  }
0x90: {  	s3 =	sld [smem:$0x3FC4];
	(tm) =	ssettm $0x1  }
0x91: {  	s4 =	sld [smem:$0x3FFB];
	_ =	sdelay $0x3  }
0x92: {  	_ =	strace s4  }
0x93: {  	s4 =	sld [smem:$0x3FFC];
	_ =	sdelay $0x3  }
0x94: {  	_ =	strace s4  }
0x95: {  	s4 =	sld [smem:$0x3FFD];
	_ =	sdelay $0x3  }
0x96: {  	_ =	strace s4  }
0x97: {  	_ =	strace $0x8FFFFFFF  }
0x98: {  	s17 =	sld [smem:$0x3FDB];
	_ =	sdelay $0x1  }
0x99: {  	s5 =	simm.s32 $_scs_section_size  }
0x9a: {  	s6 =	simm.s32 $_size__tile_overlayer_lowered;
	s7 =	simm.s32 $_tile_overlayer_lowered  }
0x9b: {  	s20 =	simm.s32 $0x1BFF;
	s19 =	sshll.u32 s7, $0x1;
	s4 =	sadd.s32 s5, s17  }
0x9c: {  	s8 =	simm.s32 $0x0;
	s18 =	sshll.u32 s6, $0x1;
	s6 =	sadd.s32 s19, s4  }
0x9d: {  	[timem:s8], [sflag:s20] =	dma.local [hbm:s6], s18  }
0x9e: {  	_ =	swait.ge [sflag:s20], s18  }
0x9f: {  	s5 =	ssub.s32 $0x0, s18;
	[sflag:s20] =	ssyncset.done $0x0  }
0xa0: {  	[sflag:s20] =	ssyncadd.s32 s5;
	_ =	sdelay $0x1  }
0xa1: {  	s21 =	simm.s32 $0x1B8B  }
0xa2: {  	_ =	swait.ge [sflag:s21], $0x1  }
0xa3: {  	[sflag:s21] =	ssyncset.done $0x0  }
0xa4: {  	s23 =	simm.s32 $0x1B8E;
	s22 =	sld [smem:$0x3FFE];
	[sflag:s21] =	ssyncadd.s32 $0xFFFFFFFF  }
0xa5: {  	s24 =	simm.s32 $execute0_lowered;
	[smem:$0x3FD2] =	sst s23  }
0xa6: {  	s6 =	sshll.u32 s24, $0x1;
	_ =	strace $0x80000046;
	[dreg:$0x1] =	wrdreg $0xFFFFFFFF  }
0xa7: {  	s25 =	simm.s32 $_size_execute0_lowered;
	s4 =	sadd.s32 s4, s6;
	[dreg:$0x0] =	wrdreg $0x0  }
0xa8: {  	s6 =	sshll.u32 s25, $0x1;
	[dreg:$0x2] =	wrdreg s4  }
0xa9: {  	[dreg:$0x3] =	wrdreg s6  }
0xaa: {  	[dreg:$0x4] =	wrdreg $0xC0  }
0xab: {  	_ =	task [dreg:s8], $0x5FFFF  }
0xac: {  	[dreg:$0x1] =	wrdreg $0xFFFFFFFF  }
0xad: {  	[dreg:$0x0] =	wrdreg $0x60  }
0xae: {  	[dreg:$0x2] =	wrdreg s0  }
0xaf: {  	[dreg:$0x3] =	wrdreg s16  }
0xb0: {  	[dreg:$0x4] =	wrdreg s2  }
0xb1: {  	[dreg:$0x5] =	wrdreg s3  }
0xb2: {  	[dreg:$0x6] =	wrdreg s22  }
0xb3: {  	[dreg:$0x7] =	wrdreg $0x9  }
0xb4: {  	_ =	task.clear_ibuf [dreg:s8], $0x8FFFF;
	_ =	strace $0x90000046  }
0xb5: {  	s26 =	simm.s32 $0x9;
	_ =	strace $0x80000048  }
0xb6: {  	_ =	swait.ge [sflag:s26], $0x1  }
0xb7: {  	[sflag:s26] =	ssyncadd.s32 $0xFFFFFFFF  }
0xb8: {  	_ =	strace $0x90000048  }
0xb9: {  	_ =	sfence  }
0xba: {  	s28 =	sld [smem:$0x0];
	_ =	sdelay $0x1  }
0xbb: {  	s29 =	srdreg.scid  }
0xbc: {  	s30 =	sshll.u32 s29, $0xD;
	s31 =	sshrl.u32 s29, $0x2  }
0xbd: {  	s1 =	sand.u32 $0x1, s29;
	s2 =	sand.u32 $0x4000, s30;
	s0 =	sadd.s32 s31, s28  }
0xbe: {  	s1 =	sor.u32 s2, s1;
	s0 =	sshll.u32 s0, $0x11  }
0xbf: {  	s0 =	sor.u32 s0, s1  }
0xc0: {  	s0 =	sadd.s32 $0x8F2B, s0  }
0xc1: {  	[sflag:s0] =	ssyncadd.remote.s32 $0x1  }
0xc2: {  	_ =	sfence.sel $0xFFFF  }
0xc3: {  	[dreg:$0x0] =	wrdreg $0xFFFFFFFF;
	(pc) =	sbr.abs _section_cstart, $3  }
0xc4: {  	[dreg:$0x1] =	wrdreg $0xFFFFFFFF  }
0xc5: {  	_ =	task.clear_ibuf [dreg:s8], $0x2FFFF;
	_ =	strace $0x9FFFFFFF  }
0xc6: {  	(tm) =	ssettm $0x7FFFFFFF  }
0xc7: {  	_ =	shalt  }
tec
execute0_lowered:
.L_overlay_start_1:
0x0: {  	(tag) =	ssettag $0x1  }
0x1: {  	s6 =	rddreg [dreg:$0x0]  }
0x2: {  	s5 =	rddreg [dreg:$0x1]  }
0x3: {  	s3 =	rddreg [dreg:$0x2]  }
0x4: {  	s4 =	rddreg [dreg:$0x3]  }
0x5: {  	s2 =	rddreg [dreg:$0x4];
	s1 =	simm.s32 $0x0  }
0x6: {  	[smem:$0x7FF] =	sst s1  }
0x7: {  	s0 =	rddreg [dreg:$0x5];
	s3 =	sadd.s32 $0x80, s3;
	_ =	strace $0x80000047  }
0x8: {  	[tilespmem:s1], [sflag:$0x1] =	stream.linear.gather [hbm4b:s3+s1], $0x800, $0x38;
	[tilespmem:$0x1800] =	vst v63  }
0x9: {  	s18 =	simm.s32 $0x800;
	s17 =	sadd.s32 $0x80, s4;
	s3 =	simm.s32 $0x1  }
0xa: {  	[tilespmem:s18], [sflag:$0x1] =	stream.linear.gather [hbm4b:s17+s1], $0x800, $0x38;
	[tilespmem:$0x1800] =	vst v63  }
0xb: {  	_ =	swait.ge [sflag:s3], $0x800  }
0xc: {  	[sflag:s3] =	ssyncset.done $0x0  }
0xd: {  	[sflag:s3] =	ssyncadd.s32 $0xFFFFF800  }
0xe: {  	_ =	swait.ge [sflag:s3], $0x800  }
0xf: {  	[sflag:s3] =	ssyncset.done $0x0  }
0x10: {  	[sflag:s3] =	ssyncadd.s32 $0xFFFFF800  }
0x11: {  	v0 =	vld [tilespmem:$0x400];
	_ =	sdelay $0x1  }
0x12: {  	v1 =	vld [tilespmem:$0x0];
	_ =	sdelay $0x2  }
0x13: {  	v2 =	vld [tilespmem:$0xC00];
	v0 =	vmul.f32 $3.200000000e+01, v0  }
0x14: {  	v3 =	vld [tilespmem:$0x800]  }
0x15: {  	v1 =	vmul.f32 $3.200000000e+01, v1;
	v0 =	vmax.f32 v0, $0.0e+00  }
0x16: {  	v0 =	vmin.f32 v0, $3.100000000e+01  }
0x17: {  	v5 =	vlaneseq.u32;
	v1 =	vmax.f32 v1, $0.0e+00;
	v0 =	vtrunc.f32 v0  }
0x18: {  	s4 =	stileid.u32;
	v2 =	vmul.f32 $1.600000000e+01, v2;
	v1 =	vmin.f32 v1, $3.100000000e+01;
	v0 =	vcvt.f32.s32 v0  }
0x19: {  	v4 =	vmov s4;
	v3 =	vmul.f32 $1.600000000e+01, v3;
	v1 =	vtrunc.f32 v1  }
0x1a: {  	s9 =	sshll.u32 s4, $0xA;
	v2 =	vmax.f32 v2, $0.0e+00;
	v1 =	vcvt.f32.s32 v1;
	v0 =	vshll.u32 v0, $0x5  }
0x1b: {  	vm0 =	veq.s32 v4, v5;
	v2 =	vmin.f32 v2, $1.500000000e+01;
	v0 =	vadd.s32 s9, v0  }
0x1c: {  	v56 =	vmax.f32 v3, $0.0e+00;
	v55 =	vtrunc.f32 v2;
	v0 =	vadd.s32 v1, v0  }
0x1d: {  	v2 =	vmin.f32 v56, $1.500000000e+01;
	v1 =	vcvt.f32.s32 v55;
	v0 =	vnsel vm0, $0x0, v0  }
0x1e: {  	v57 =	vtrunc.f32 v2;
	(xrf0) =	vadd.scan.msk.s32 $0xffff, v0  }
0x1f: {  	s10 =	sshll.u32 s4, $0x8;
	v1 =	vshll.u32 v1, $0x4;
	v0 =	vcvt.f32.s32 v57  }
0x20: {  	v1 =	vadd.s32 s10, v1  }
0x21: {  	v0 =	vadd.s32 v0, v1  }
0x22: {  	v0 =	vnsel vm0, $0x0, v0  }
0x23: {  	(xrf0) =	vadd.scan.msk.s32 $0xffff, v0  }
0x24: {  	v58, _, _ =	vpop (xrf0)  }
0x25: {  	(v2sf) =	vpush v58, $0xF;
	_ =	sdelay $0x3  }
0x26: {  	v59, _, _ =	vpop (xrf0)  }
0x27: {  	(v2sf) =	vpush v59, $0xF;
	_ =	sdelay $0x9  }
0x28: {  	s7 =	spop (v2sf)  }
0x29: {  	s7 =	sshll.u32 s7, $0x4  }
0x2a: {  	s7 =	sand.u32 $0x1FFFFFF0, s7  }
0x2b: {  	s8 =	sadd.s32 s6, s7;
	s7 =	simm.s32 $0x1000  }
0x2c: {  	[tilespmem:s7], [sflag:$0x1] =	stream.linear.gather [hbm4b:s8+s1], $0x80, $0x38;
	[tilespmem:$0x1800] =	vst v63  }
0x2d: {  	s19 =	spop (v2sf)  }
0x2e: {  	s8 =	sshll.u32 s19, $0x4  }
0x2f: {  	s8 =	sand.u32 $0x1FFFFFF0, s8  }
0x30: {  	s11 =	sadd.s32 s5, s8;
	s8 =	simm.s32 $0x1400  }
0x31: {  	[tilespmem:s8], [sflag:$0x1] =	stream.linear.gather [hbm4b:s11+s1], $0x80, $0x38;
	[tilespmem:$0x1800] =	vst v63  }
0x32: {  	v60 =	vld [tilespmem:$0x480];
	_ =	sdelay $0x1  }
0x33: {  	v61 =	vld [tilespmem:$0x80];
	_ =	sdelay $0x2  }
0x34: {  	v62 =	vld [tilespmem:$0xC80];
	v0 =	vmul.f32 $3.200000000e+01, v60  }
0x35: {  	v63 =	vld [tilespmem:$0x880]  }
0x36: {  	v1 =	vmul.f32 $3.200000000e+01, v61;
	v0 =	vmax.f32 v0, $0.0e+00  }
0x37: {  	v0 =	vmin.f32 v0, $3.100000000e+01  }
0x38: {  	v1 =	vmax.f32 v1, $0.0e+00;
	v0 =	vtrunc.f32 v0  }
0x39: {  	v2 =	vmul.f32 $1.600000000e+01, v62;
	v1 =	vmin.f32 v1, $3.100000000e+01;
	v0 =	vcvt.f32.s32 v0  }
0x3a: {  	v3 =	vmul.f32 $1.600000000e+01, v63;
	v1 =	vtrunc.f32 v1  }
0x3b: {  	v2 =	vmax.f32 v2, $0.0e+00;
	v1 =	vcvt.f32.s32 v1;
	v0 =	vshll.u32 v0, $0x5  }
0x3c: {  	v2 =	vmin.f32 v2, $1.500000000e+01;
	v0 =	vadd.s32 s9, v0  }
0x3d: {  	v6 =	vmax.f32 v3, $0.0e+00;
	v5 =	vtrunc.f32 v2;
	v0 =	vadd.s32 v1, v0  }
0x3e: {  	v2 =	vmin.f32 v6, $1.500000000e+01;
	v1 =	vcvt.f32.s32 v5;
	v0 =	vnsel vm0, $0x0, v0  }
0x3f: {  	v7 =	vtrunc.f32 v2;
	(xrf0) =	vadd.scan.msk.s32 $0xffff, v0  }
0x40: {  	v1 =	vshll.u32 v1, $0x4;
	v0 =	vcvt.f32.s32 v7  }
0x41: {  	v1 =	vadd.s32 s10, v1  }
0x42: {  	v0 =	vadd.s32 v0, v1  }
0x43: {  	v0 =	vnsel vm0, $0x0, v0  }
0x44: {  	(xrf0) =	vadd.scan.msk.s32 $0xffff, v0  }
0x45: {  	v8, _, _ =	vpop (xrf0)  }
0x46: {  	(v2sf) =	vpush v8, $0xF;
	_ =	sdelay $0x3  }
0x47: {  	v9, _, _ =	vpop (xrf0)  }
0x48: {  	(v2sf) =	vpush v9, $0xF;
	_ =	sdelay $0x9  }
0x49: {  	s20 =	spop (v2sf)  }
0x4a: {  	s11 =	sshll.u32 s20, $0x4  }
0x4b: {  	s11 =	sand.u32 $0x1FFFFFF0, s11  }
0x4c: {  	s12 =	simm.s32 $0x1080;
	s11 =	sadd.s32 s6, s11  }
0x4d: {  	[tilespmem:s12], [sflag:$0x1] =	stream.linear.gather [hbm4b:s11+s1], $0x80, $0x38;
	[tilespmem:$0x1800] =	vst v63  }
0x4e: {  	s21 =	spop (v2sf)  }
0x4f: {  	s11 =	sshll.u32 s21, $0x4  }
0x50: {  	s11 =	sand.u32 $0x1FFFFFF0, s11  }
0x51: {  	s22 =	simm.s32 $0x1480;
	s11 =	sadd.s32 s5, s11  }
0x52: {  	[tilespmem:s22], [sflag:$0x1] =	stream.linear.gather [hbm4b:s11+s1], $0x80, $0x38;
	[tilespmem:$0x1800] =	vst v63  }
0x53: {  	v10 =	vld [tilespmem:$0x500];
	_ =	sdelay $0x1  }
0x54: {  	v11 =	vld [tilespmem:$0x100];
	_ =	sdelay $0x2  }
0x55: {  	v12 =	vld [tilespmem:$0xD00];
	v0 =	vmul.f32 $3.200000000e+01, v10  }
0x56: {  	v13 =	vld [tilespmem:$0x900]  }
0x57: {  	v1 =	vmul.f32 $3.200000000e+01, v11;
	v0 =	vmax.f32 v0, $0.0e+00  }
0x58: {  	v0 =	vmin.f32 v0, $3.100000000e+01  }
0x59: {  	v1 =	vmax.f32 v1, $0.0e+00;
	v0 =	vtrunc.f32 v0  }
0x5a: {  	v2 =	vmul.f32 $1.600000000e+01, v12;
	v1 =	vmin.f32 v1, $3.100000000e+01;
	v0 =	vcvt.f32.s32 v0  }
0x5b: {  	v3 =	vmul.f32 $1.600000000e+01, v13;
	v1 =	vtrunc.f32 v1  }
0x5c: {  	v2 =	vmax.f32 v2, $0.0e+00;
	v1 =	vcvt.f32.s32 v1;
	v0 =	vshll.u32 v0, $0x5  }
0x5d: {  	v2 =	vmin.f32 v2, $1.500000000e+01;
	v0 =	vadd.s32 s9, v0  }
0x5e: {  	v15 =	vmax.f32 v3, $0.0e+00;
	v14 =	vtrunc.f32 v2;
	v0 =	vadd.s32 v1, v0  }
0x5f: {  	v2 =	vmin.f32 v15, $1.500000000e+01;
	v1 =	vcvt.f32.s32 v14;
	v0 =	vnsel vm0, $0x0, v0  }
0x60: {  	v16 =	vtrunc.f32 v2;
	(xrf0) =	vadd.scan.msk.s32 $0xffff, v0  }
0x61: {  	v1 =	vshll.u32 v1, $0x4;
	v0 =	vcvt.f32.s32 v16  }
0x62: {  	v1 =	vadd.s32 s10, v1  }
0x63: {  	v0 =	vadd.s32 v0, v1  }
0x64: {  	v0 =	vnsel vm0, $0x0, v0  }
0x65: {  	(xrf0) =	vadd.scan.msk.s32 $0xffff, v0  }
0x66: {  	v17, _, _ =	vpop (xrf0)  }
0x67: {  	(v2sf) =	vpush v17, $0xF;
	_ =	sdelay $0x3  }
0x68: {  	v18, _, _ =	vpop (xrf0)  }
0x69: {  	(v2sf) =	vpush v18, $0xF;
	_ =	sdelay $0x9  }
0x6a: {  	s23 =	spop (v2sf)  }
0x6b: {  	s11 =	sshll.u32 s23, $0x4  }
0x6c: {  	s11 =	sand.u32 $0x1FFFFFF0, s11  }
0x6d: {  	s24 =	simm.s32 $0x1100;
	s11 =	sadd.s32 s6, s11  }
0x6e: {  	[tilespmem:s24], [sflag:$0x1] =	stream.linear.gather [hbm4b:s11+s1], $0x80, $0x38;
	[tilespmem:$0x1800] =	vst v63  }
0x6f: {  	s25 =	spop (v2sf)  }
0x70: {  	s11 =	sshll.u32 s25, $0x4  }
0x71: {  	s11 =	sand.u32 $0x1FFFFFF0, s11  }
0x72: {  	s26 =	simm.s32 $0x1500;
	s11 =	sadd.s32 s5, s11  }
0x73: {  	[tilespmem:s26], [sflag:$0x1] =	stream.linear.gather [hbm4b:s11+s1], $0x80, $0x38;
	[tilespmem:$0x1800] =	vst v63  }
0x74: {  	v19 =	vld [tilespmem:$0x580];
	_ =	sdelay $0x1  }
0x75: {  	v20 =	vld [tilespmem:$0x180];
	_ =	sdelay $0x2  }
0x76: {  	v21 =	vld [tilespmem:$0xD80];
	v0 =	vmul.f32 $3.200000000e+01, v19  }
0x77: {  	v22 =	vld [tilespmem:$0x980]  }
0x78: {  	v1 =	vmul.f32 $3.200000000e+01, v20;
	v0 =	vmax.f32 v0, $0.0e+00  }
0x79: {  	v0 =	vmin.f32 v0, $3.100000000e+01  }
0x7a: {  	v1 =	vmax.f32 v1, $0.0e+00;
	v0 =	vtrunc.f32 v0  }
0x7b: {  	v2 =	vmul.f32 $1.600000000e+01, v21;
	v1 =	vmin.f32 v1, $3.100000000e+01;
	v0 =	vcvt.f32.s32 v0  }
0x7c: {  	v3 =	vmul.f32 $1.600000000e+01, v22;
	v1 =	vtrunc.f32 v1  }
0x7d: {  	v2 =	vmax.f32 v2, $0.0e+00;
	v1 =	vcvt.f32.s32 v1;
	v0 =	vshll.u32 v0, $0x5  }
0x7e: {  	v2 =	vmin.f32 v2, $1.500000000e+01;
	v0 =	vadd.s32 s9, v0  }
0x7f: {  	v24 =	vmax.f32 v3, $0.0e+00;
	v23 =	vtrunc.f32 v2;
	v0 =	vadd.s32 v1, v0  }
0x80: {  	v2 =	vmin.f32 v24, $1.500000000e+01;
	v1 =	vcvt.f32.s32 v23;
	v0 =	vnsel vm0, $0x0, v0  }
0x81: {  	v25 =	vtrunc.f32 v2;
	(xrf0) =	vadd.scan.msk.s32 $0xffff, v0  }
0x82: {  	v1 =	vshll.u32 v1, $0x4;
	v0 =	vcvt.f32.s32 v25  }
0x83: {  	v1 =	vadd.s32 s10, v1  }
0x84: {  	v0 =	vadd.s32 v0, v1  }
0x85: {  	v0 =	vnsel vm0, $0x0, v0  }
0x86: {  	(xrf0) =	vadd.scan.msk.s32 $0xffff, v0  }
0x87: {  	v26, _, _ =	vpop (xrf0)  }
0x88: {  	(v2sf) =	vpush v26, $0xF;
	_ =	sdelay $0x3  }
0x89: {  	v27, _, _ =	vpop (xrf0)  }
0x8a: {  	(v2sf) =	vpush v27, $0xF;
	_ =	sdelay $0x9  }
0x8b: {  	s28 =	spop (v2sf)  }
0x8c: {  	s11 =	sshll.u32 s28, $0x4  }
0x8d: {  	s11 =	sand.u32 $0x1FFFFFF0, s11  }
0x8e: {  	s29 =	simm.s32 $0x1180;
	s11 =	sadd.s32 s6, s11  }
0x8f: {  	[tilespmem:s29], [sflag:$0x1] =	stream.linear.gather [hbm4b:s11+s1], $0x80, $0x38;
	[tilespmem:$0x1800] =	vst v63  }
0x90: {  	s30 =	spop (v2sf)  }
0x91: {  	s11 =	sshll.u32 s30, $0x4  }
0x92: {  	s11 =	sand.u32 $0x1FFFFFF0, s11  }
0x93: {  	s31 =	simm.s32 $0x1580;
	s11 =	sadd.s32 s5, s11  }
0x94: {  	[tilespmem:s31], [sflag:$0x1] =	stream.linear.gather [hbm4b:s11+s1], $0x80, $0x38;
	[tilespmem:$0x1800] =	vst v63  }
0x95: {  	v28 =	vld [tilespmem:$0x600];
	_ =	sdelay $0x1  }
0x96: {  	v29 =	vld [tilespmem:$0x200];
	_ =	sdelay $0x2  }
0x97: {  	v30 =	vld [tilespmem:$0xE00];
	v0 =	vmul.f32 $3.200000000e+01, v28  }
0x98: {  	v31 =	vld [tilespmem:$0xA00]  }
0x99: {  	v1 =	vmul.f32 $3.200000000e+01, v29;
	v0 =	vmax.f32 v0, $0.0e+00  }
0x9a: {  	v0 =	vmin.f32 v0, $3.100000000e+01  }
0x9b: {  	v1 =	vmax.f32 v1, $0.0e+00;
	v0 =	vtrunc.f32 v0  }
0x9c: {  	v2 =	vmul.f32 $1.600000000e+01, v30;
	v1 =	vmin.f32 v1, $3.100000000e+01;
	v0 =	vcvt.f32.s32 v0  }
0x9d: {  	v3 =	vmul.f32 $1.600000000e+01, v31;
	v1 =	vtrunc.f32 v1  }
0x9e: {  	v2 =	vmax.f32 v2, $0.0e+00;
	v1 =	vcvt.f32.s32 v1;
	v0 =	vshll.u32 v0, $0x5  }
0x9f: {  	v2 =	vmin.f32 v2, $1.500000000e+01;
	v0 =	vadd.s32 s9, v0  }
0xa0: {  	v33 =	vmax.f32 v3, $0.0e+00;
	v32 =	vtrunc.f32 v2;
	v0 =	vadd.s32 v1, v0  }
0xa1: {  	v2 =	vmin.f32 v33, $1.500000000e+01;
	v1 =	vcvt.f32.s32 v32;
	v0 =	vnsel vm0, $0x0, v0  }
0xa2: {  	v34 =	vtrunc.f32 v2;
	(xrf0) =	vadd.scan.msk.s32 $0xffff, v0  }
0xa3: {  	v1 =	vshll.u32 v1, $0x4;
	v0 =	vcvt.f32.s32 v34  }
0xa4: {  	v1 =	vadd.s32 s10, v1  }
0xa5: {  	v0 =	vadd.s32 v0, v1  }
0xa6: {  	v0 =	vnsel vm0, $0x0, v0  }
0xa7: {  	(xrf0) =	vadd.scan.msk.s32 $0xffff, v0  }
0xa8: {  	v35, _, _ =	vpop (xrf0)  }
0xa9: {  	(v2sf) =	vpush v35, $0xF;
	_ =	sdelay $0x3  }
0xaa: {  	v36, _, _ =	vpop (xrf0)  }
0xab: {  	(v2sf) =	vpush v36, $0xF;
	_ =	sdelay $0x9  }
0xac: {  	s13 =	spop (v2sf)  }
0xad: {  	s11 =	sshll.u32 s13, $0x4  }
0xae: {  	s11 =	sand.u32 $0x1FFFFFF0, s11  }
0xaf: {  	s14 =	simm.s32 $0x1200;
	s11 =	sadd.s32 s6, s11  }
0xb0: {  	[tilespmem:s14], [sflag:$0x1] =	stream.linear.gather [hbm4b:s11+s1], $0x80, $0x38;
	[tilespmem:$0x1800] =	vst v63  }
0xb1: {  	s15 =	spop (v2sf)  }
0xb2: {  	s11 =	sshll.u32 s15, $0x4  }
0xb3: {  	s11 =	sand.u32 $0x1FFFFFF0, s11  }
0xb4: {  	s16 =	simm.s32 $0x1600;
	s11 =	sadd.s32 s5, s11  }
0xb5: {  	[tilespmem:s16], [sflag:$0x1] =	stream.linear.gather [hbm4b:s11+s1], $0x80, $0x38;
	[tilespmem:$0x1800] =	vst v63  }
0xb6: {  	v37 =	vld [tilespmem:$0x680];
	_ =	sdelay $0x1  }
0xb7: {  	v38 =	vld [tilespmem:$0x280];
	_ =	sdelay $0x2  }
0xb8: {  	v39 =	vld [tilespmem:$0xE80];
	v0 =	vmul.f32 $3.200000000e+01, v37  }
0xb9: {  	v40 =	vld [tilespmem:$0xA80]  }
0xba: {  	v1 =	vmul.f32 $3.200000000e+01, v38;
	v0 =	vmax.f32 v0, $0.0e+00  }
0xbb: {  	v0 =	vmin.f32 v0, $3.100000000e+01  }
0xbc: {  	v1 =	vmax.f32 v1, $0.0e+00;
	v0 =	vtrunc.f32 v0  }
0xbd: {  	v2 =	vmul.f32 $1.600000000e+01, v39;
	v1 =	vmin.f32 v1, $3.100000000e+01;
	v0 =	vcvt.f32.s32 v0  }
0xbe: {  	v3 =	vmul.f32 $1.600000000e+01, v40;
	v1 =	vtrunc.f32 v1  }
0xbf: {  	v2 =	vmax.f32 v2, $0.0e+00;
	v1 =	vcvt.f32.s32 v1;
	v0 =	vshll.u32 v0, $0x5  }
0xc0: {  	v2 =	vmin.f32 v2, $1.500000000e+01;
	v0 =	vadd.s32 s9, v0  }
0xc1: {  	v42 =	vmax.f32 v3, $0.0e+00;
	v41 =	vtrunc.f32 v2;
	v0 =	vadd.s32 v1, v0  }
0xc2: {  	v2 =	vmin.f32 v42, $1.500000000e+01;
	v1 =	vcvt.f32.s32 v41;
	v0 =	vnsel vm0, $0x0, v0  }
0xc3: {  	v43 =	vtrunc.f32 v2;
	(xrf0) =	vadd.scan.msk.s32 $0xffff, v0  }
0xc4: {  	v1 =	vshll.u32 v1, $0x4;
	v0 =	vcvt.f32.s32 v43  }
0xc5: {  	v1 =	vadd.s32 s10, v1  }
0xc6: {  	v0 =	vadd.s32 v0, v1  }
0xc7: {  	v0 =	vnsel vm0, $0x0, v0  }
0xc8: {  	(xrf0) =	vadd.scan.msk.s32 $0xffff, v0  }
0xc9: {  	v44, _, _ =	vpop (xrf0)  }
0xca: {  	(v2sf) =	vpush v44, $0xF;
	_ =	sdelay $0x3  }
0xcb: {  	v45, _, _ =	vpop (xrf0)  }
0xcc: {  	(v2sf) =	vpush v45, $0xF;
	_ =	sdelay $0x9  }
0xcd: {  	s17 =	spop (v2sf)  }
0xce: {  	s11 =	sshll.u32 s17, $0x4  }
0xcf: {  	s11 =	sand.u32 $0x1FFFFFF0, s11  }
0xd0: {  	s18 =	simm.s32 $0x1280;
	s11 =	sadd.s32 s6, s11  }
0xd1: {  	[tilespmem:s18], [sflag:$0x1] =	stream.linear.gather [hbm4b:s11+s1], $0x80, $0x38;
	[tilespmem:$0x1800] =	vst v63  }
0xd2: {  	s19 =	spop (v2sf)  }
0xd3: {  	s11 =	sshll.u32 s19, $0x4  }
0xd4: {  	s11 =	sand.u32 $0x1FFFFFF0, s11  }
0xd5: {  	s20 =	simm.s32 $0x1680;
	s11 =	sadd.s32 s5, s11  }
0xd6: {  	[tilespmem:s20], [sflag:$0x1] =	stream.linear.gather [hbm4b:s11+s1], $0x80, $0x38;
	[tilespmem:$0x1800] =	vst v63  }
0xd7: {  	v46 =	vld [tilespmem:$0x700];
	_ =	sdelay $0x1  }
0xd8: {  	v47 =	vld [tilespmem:$0x300];
	_ =	sdelay $0x2  }
0xd9: {  	v48 =	vld [tilespmem:$0xF00];
	v0 =	vmul.f32 $3.200000000e+01, v46  }
0xda: {  	v49 =	vld [tilespmem:$0xB00]  }
0xdb: {  	v1 =	vmul.f32 $3.200000000e+01, v47;
	v0 =	vmax.f32 v0, $0.0e+00  }
0xdc: {  	v0 =	vmin.f32 v0, $3.100000000e+01  }
0xdd: {  	v1 =	vmax.f32 v1, $0.0e+00;
	v0 =	vtrunc.f32 v0  }
0xde: {  	v2 =	vmul.f32 $1.600000000e+01, v48;
	v1 =	vmin.f32 v1, $3.100000000e+01;
	v0 =	vcvt.f32.s32 v0  }
0xdf: {  	v3 =	vmul.f32 $1.600000000e+01, v49;
	v1 =	vtrunc.f32 v1  }
0xe0: {  	v2 =	vmax.f32 v2, $0.0e+00;
	v1 =	vcvt.f32.s32 v1;
	v0 =	vshll.u32 v0, $0x5  }
0xe1: {  	v2 =	vmin.f32 v2, $1.500000000e+01;
	v0 =	vadd.s32 s9, v0  }
0xe2: {  	v51 =	vmax.f32 v3, $0.0e+00;
	v50 =	vtrunc.f32 v2;
	v0 =	vadd.s32 v1, v0  }
0xe3: {  	v2 =	vmin.f32 v51, $1.500000000e+01;
	v1 =	vcvt.f32.s32 v50;
	v0 =	vnsel vm0, $0x0, v0  }
0xe4: {  	v52 =	vtrunc.f32 v2;
	(xrf0) =	vadd.scan.msk.s32 $0xffff, v0  }
0xe5: {  	v1 =	vshll.u32 v1, $0x4;
	v0 =	vcvt.f32.s32 v52  }
0xe6: {  	v1 =	vadd.s32 s10, v1  }
0xe7: {  	v0 =	vadd.s32 v0, v1  }
0xe8: {  	v0 =	vnsel vm0, $0x0, v0  }
0xe9: {  	(xrf0) =	vadd.scan.msk.s32 $0xffff, v0  }
0xea: {  	v53, _, _ =	vpop (xrf0)  }
0xeb: {  	(v2sf) =	vpush v53, $0xF;
	_ =	sdelay $0x3  }
0xec: {  	v54, _, _ =	vpop (xrf0)  }
0xed: {  	(v2sf) =	vpush v54, $0xF;
	_ =	sdelay $0x9  }
0xee: {  	s21 =	spop (v2sf)  }
0xef: {  	s11 =	sshll.u32 s21, $0x4  }
0xf0: {  	s11 =	sand.u32 $0x1FFFFFF0, s11  }
0xf1: {  	s22 =	simm.s32 $0x1300;
	s11 =	sadd.s32 s6, s11  }
0xf2: {  	[tilespmem:s22], [sflag:$0x1] =	stream.linear.gather [hbm4b:s11+s1], $0x80, $0x38;
	[tilespmem:$0x1800] =	vst v63  }
0xf3: {  	s23 =	spop (v2sf)  }
0xf4: {  	s11 =	sshll.u32 s23, $0x4  }
0xf5: {  	s11 =	sand.u32 $0x1FFFFFF0, s11  }
0xf6: {  	s24 =	simm.s32 $0x1700;
	s11 =	sadd.s32 s5, s11  }
0xf7: {  	[tilespmem:s24], [sflag:$0x1] =	stream.linear.gather [hbm4b:s11+s1], $0x80, $0x38;
	[tilespmem:$0x1800] =	vst v63  }
0xf8: {  	v55 =	vld [tilespmem:$0x780];
	_ =	sdelay $0x1  }
0xf9: {  	v56 =	vld [tilespmem:$0x380];
	_ =	sdelay $0x2  }
0xfa: {  	v57 =	vld [tilespmem:$0xF80];
	v0 =	vmul.f32 $3.200000000e+01, v55  }
0xfb: {  	v58 =	vld [tilespmem:$0xB80]  }
0xfc: {  	v1 =	vmul.f32 $3.200000000e+01, v56;
	v0 =	vmax.f32 v0, $0.0e+00  }
0xfd: {  	v0 =	vmin.f32 v0, $3.100000000e+01  }
0xfe: {  	v1 =	vmax.f32 v1, $0.0e+00;
	v0 =	vtrunc.f32 v0  }
0xff: {  	v2 =	vmul.f32 $1.600000000e+01, v57;
	v1 =	vmin.f32 v1, $3.100000000e+01;
	v0 =	vcvt.f32.s32 v0  }
0x100: {  	v3 =	vmul.f32 $1.600000000e+01, v58;
	v1 =	vtrunc.f32 v1  }
0x101: {  	v2 =	vmax.f32 v2, $0.0e+00;
	v1 =	vcvt.f32.s32 v1;
	v0 =	vshll.u32 v0, $0x5  }
0x102: {  	v2 =	vmin.f32 v2, $1.500000000e+01;
	v0 =	vadd.s32 s9, v0  }
0x103: {  	v60 =	vmax.f32 v3, $0.0e+00;
	v59 =	vtrunc.f32 v2;
	v0 =	vadd.s32 v1, v0  }
0x104: {  	v2 =	vmin.f32 v60, $1.500000000e+01;
	v1 =	vcvt.f32.s32 v59;
	v0 =	vnsel vm0, $0x0, v0  }
0x105: {  	v61 =	vtrunc.f32 v2;
	(xrf0) =	vadd.scan.msk.s32 $0xffff, v0  }
0x106: {  	v1 =	vshll.u32 v1, $0x4;
	v0 =	vcvt.f32.s32 v61  }
0x107: {  	v1 =	vadd.s32 s10, v1  }
0x108: {  	v0 =	vadd.s32 v0, v1  }
0x109: {  	v0 =	vnsel vm0, $0x0, v0  }
0x10a: {  	(xrf0) =	vadd.scan.msk.s32 $0xffff, v0  }
0x10b: {  	v62, _, _ =	vpop (xrf0)  }
0x10c: {  	(v2sf) =	vpush v62, $0xF;
	_ =	sdelay $0x3  }
0x10d: {  	v63, _, _ =	vpop (xrf0)  }
0x10e: {  	(v2sf) =	vpush v63, $0xF;
	_ =	sdelay $0x9  }
0x10f: {  	s25 =	spop (v2sf)  }
0x110: {  	s9 =	sshll.u32 s25, $0x4  }
0x111: {  	s9 =	sand.u32 $0x1FFFFFF0, s9  }
0x112: {  	s26 =	simm.s32 $0x1380;
	s6 =	sadd.s32 s6, s9  }
0x113: {  	[tilespmem:s26], [sflag:$0x1] =	stream.linear.gather [hbm4b:s6+s1], $0x80, $0x38;
	[tilespmem:$0x1800] =	vst v63  }
0x114: {  	s28 =	spop (v2sf)  }
0x115: {  	s6 =	sshll.u32 s28, $0x4  }
0x116: {  	s6 =	sand.u32 $0x1FFFFFF0, s6  }
0x117: {  	s29 =	simm.s32 $0x1780;
	s5 =	sadd.s32 s5, s6  }
0x118: {  	[tilespmem:s29], [sflag:$0x1] =	stream.linear.gather [hbm4b:s5+s1], $0x80, $0x38;
	[tilespmem:$0x1800] =	vst v63  }
0x119: {  	_ =	swait.ge [sflag:s3], $0x80  }
0x11a: {  	[sflag:s3] =	ssyncset.done $0x0  }
0x11b: {  	[sflag:s3] =	ssyncadd.s32 $0xFFFFFF80  }
0x11c: {  	_ =	swait.ge [sflag:s3], $0x80  }
0x11d: {  	[sflag:s3] =	ssyncset.done $0x0  }
0x11e: {  	[sflag:s3] =	ssyncadd.s32 $0xFFFFFF80  }
0x11f: {  	_ =	swait.ge [sflag:s3], $0x80  }
0x120: {  	[sflag:s3] =	ssyncset.done $0x0  }
0x121: {  	[sflag:s3] =	ssyncadd.s32 $0xFFFFFF80  }
0x122: {  	_ =	swait.ge [sflag:s3], $0x80  }
0x123: {  	[sflag:s3] =	ssyncset.done $0x0  }
0x124: {  	[sflag:s3] =	ssyncadd.s32 $0xFFFFFF80  }
0x125: {  	_ =	swait.ge [sflag:s3], $0x80  }
0x126: {  	[sflag:s3] =	ssyncset.done $0x0  }
0x127: {  	[sflag:s3] =	ssyncadd.s32 $0xFFFFFF80  }
0x128: {  	_ =	swait.ge [sflag:s3], $0x80  }
0x129: {  	[sflag:s3] =	ssyncset.done $0x0  }
0x12a: {  	[sflag:s3] =	ssyncadd.s32 $0xFFFFFF80  }
0x12b: {  	_ =	swait.ge [sflag:s3], $0x80  }
0x12c: {  	[sflag:s3] =	ssyncset.done $0x0  }
0x12d: {  	[sflag:s3] =	ssyncadd.s32 $0xFFFFFF80  }
0x12e: {  	_ =	swait.ge [sflag:s3], $0x80  }
0x12f: {  	[sflag:s3] =	ssyncset.done $0x0  }
0x130: {  	[sflag:s3] =	ssyncadd.s32 $0xFFFFFF80  }
0x131: {  	_ =	swait.ge [sflag:s3], $0x80  }
0x132: {  	[sflag:s3] =	ssyncset.done $0x0  }
0x133: {  	[sflag:s3] =	ssyncadd.s32 $0xFFFFFF80  }
0x134: {  	_ =	swait.ge [sflag:s3], $0x80  }
0x135: {  	[sflag:s3] =	ssyncset.done $0x0  }
0x136: {  	[sflag:s3] =	ssyncadd.s32 $0xFFFFFF80  }
0x137: {  	_ =	swait.ge [sflag:s3], $0x80  }
0x138: {  	[sflag:s3] =	ssyncset.done $0x0  }
0x139: {  	[sflag:s3] =	ssyncadd.s32 $0xFFFFFF80  }
0x13a: {  	_ =	swait.ge [sflag:s3], $0x80  }
0x13b: {  	[sflag:s3] =	ssyncset.done $0x0  }
0x13c: {  	[sflag:s3] =	ssyncadd.s32 $0xFFFFFF80  }
0x13d: {  	_ =	swait.ge [sflag:s3], $0x80  }
0x13e: {  	[sflag:s3] =	ssyncset.done $0x0  }
0x13f: {  	[sflag:s3] =	ssyncadd.s32 $0xFFFFFF80  }
0x140: {  	_ =	swait.ge [sflag:s3], $0x80  }
0x141: {  	[sflag:s3] =	ssyncset.done $0x0  }
0x142: {  	[sflag:s3] =	ssyncadd.s32 $0xFFFFFF80  }
0x143: {  	_ =	swait.ge [sflag:s3], $0x80  }
0x144: {  	[sflag:s3] =	ssyncset.done $0x0  }
0x145: {  	[sflag:s3] =	ssyncadd.s32 $0xFFFFFF80  }
0x146: {  	s30 =	sshll.u32 s4, $0x7;
	_ =	swait.ge [sflag:s3], $0x80  }
0x147: {  	s2 =	sadd.s32 s30, s2;
	[sflag:s3] =	ssyncset.done $0x0  }
0x148: {  	s31 =	simm.s32 $0x2;
	s5 =	sadd.s32 $0x1000, s2;
	[sflag:s3] =	ssyncadd.s32 $0xFFFFFF80  }
0x149: {  	[hbm4b:s5+s1] =	stream.linear.scatter [tilespmem:s7], [sflag:$0x2], $0x400, $0x38;
	[tilespmem:$0x1800] =	vst v63  }
0x14a: {  	_ =	swait.ge [sflag:s31], $0x400  }
0x14b: {  	[sflag:s31] =	ssyncset.done $0x0  }
0x14c: {  	s2 =	sadd.s32 $0x1800, s2;
	[sflag:s31] =	ssyncadd.s32 $0xFFFFFC00  }
0x14d: {  	[hbm4b:s2+s1] =	stream.linear.scatter [tilespmem:s8], [sflag:$0x2], $0x400, $0x38;
	[tilespmem:$0x1800] =	vst v63  }
0x14e: {  	_ =	swait.ge [sflag:s31], $0x400  }
0x14f: {  	[sflag:s31] =	ssyncset.done $0x0  }
0x150: {  	[sflag:s31] =	ssyncadd.s32 $0xFFFFFC00  }
0x151: {  	_ =	sfence.sel $0x180000  }
0x152: {  	[bflag:$0x0] =	sbarrier.arrive $0xFFFF  }
0x153: {  	p0 =	sne.s32 s4, $0x0;
	_ =	strace $0x90000047  }
0x154: {  	s0 =	sadd.s32 @!p0 $0x100000, s0;
	[bflag:$0x2] =	sbarrier.arrive $0xFFFF  }
0x155: {  	[sflag:s0] =	ssyncadd.tile.s32 @!p0 $0x1;
	_ =	shalt  }
.Lfunc_end2:
_tile_overlayer_lowered:
.L_overlay_start_2:
0x156: {  	(tag) =	ssettag $0x2  }
0x157: {  	s0 =	rddreg [dreg:$0x0];
	s2 =	stileid.u32  }
0x158: {  	s1 =	rddreg [dreg:$0x1];
	p0 =	sne.s32 s2, $0x0  }
0x159: {  	s3 =	rddreg [dreg:$0x2];
	[bflag:$0x3] =	sbarrier.arrive $0xFFFF;
	s2 =	simm.s32 @!p0 $0x1C02  }
0x15a: {  	[timem:s3], [sflag:s2] =	dma.local @!p0 [hbm:s0], s1  }
0x15b: {  	s0 =	simm.s32 @!p0 $0x2  }
0x15c: {  	_ =	swait.ge @!p0 [sflag:s0], s1  }
0x15d: {  	s1 =	ssub.s32 @!p0 $0x0, s1;
	[sflag:s0] =	ssyncset.done @!p0 $0x0  }
0x15e: {  	[sflag:s0] =	ssyncadd.s32 @!p0 s1  }
0x15f: {  	[bflag:$0x3] =	sbarrier.arrive $0xFFFF  }
0x160: {  	_ =	shalt  }

</sc_bundles>
